<compile_context>
chip_gen: v7x
topology: tpu7x:2x2x1
jax: 0.10.2.dev20260603
libtpu: 0.0.44.dev20260713+nightly
codegen_flags: <defaults>
</compile_context>

<pallas_src>
import functools

import jax
import jax.numpy as jnp
from jax import lax
from jax.experimental import pallas as pl
from jax.experimental.pallas import tpu as pltpu
from jax.experimental.pallas import tpu_sc as plsc

N = 10000
E = 160000
F = 128
D = 128
C = 16
M = 50000
K = 8
HOPS = 3
RETRIEVE_W = 0.5
LABEL_W = 0.5

_TN = 2000
_TM = 2048
_MPAD = 51200


def _extract_topk(v, k):
    tn, w = v.shape
    neg = jnp.float32(-jnp.inf)
    ebits = (128 - jax.lax.broadcasted_iota(jnp.int32, (tn, w), 1)) << 23
    pow_row = jax.lax.bitcast_convert_type(ebits, jnp.float32)
    vals, zs = [], []
    x = v
    for _ in range(k):
        mv = jnp.max(x, axis=1, keepdims=True)
        mp = jnp.where(x == mv, pow_row, 0.0)
        z = jnp.max(mp, axis=1, keepdims=True)
        vals.append(mv)
        zs.append(z)
        x = jnp.where(pow_row == z, neg, x)
    zall = jax.lax.bitcast_convert_type(
        jnp.concatenate(zs, axis=1), jnp.int32)
    pos = 128 - (zall >> 23)
    return jnp.concatenate(vals, axis=1), pos


def _knn_body(pre_ref, base_ref, vals_ref, idx_ref, *, k, tm):
    j = pl.program_id(1)
    sims = jax.lax.dot_general(
        pre_ref[...], base_ref[...],
        (((1,), (0,)), ((), ())),
        preferred_element_type=jnp.float32,
    )
    tn = sims.shape[0]
    nseg = min(128, tm)
    depth = tm // nseg
    slices = [sims[:, t * nseg:(t + 1) * nseg] for t in range(depth)]
    smax = slices[0]
    for t in range(1, depth):
        smax = jnp.maximum(smax, slices[t])
    _, spos = _extract_topk(smax, k)
    cand = jnp.concatenate(
        [jnp.take_along_axis(sl, spos, axis=1) for sl in slices], axis=1)
    tv, tlocal = _extract_topk(cand, k)
    sel = jnp.take_along_axis(spos.astype(jnp.float32), tlocal % k, axis=1)
    ti = sel + ((tlocal // k) * nseg + j * tm).astype(jnp.float32)

    @pl.when(j == 0)
    def _():
        vals_ref[...] = tv
        idx_ref[...] = ti

    @pl.when(j > 0)
    def _():
        wv = jnp.concatenate([vals_ref[...], tv], axis=1)
        wi = jnp.concatenate([idx_ref[...], ti], axis=1)
        nv, nlocal = _extract_topk(wv, k)
        vals_ref[...] = nv
        idx_ref[...] = jnp.take_along_axis(wi, nlocal, axis=1)


def _knn_topk(pre, base_emb_t, tn, tm):
    n, d = pre.shape
    m = base_emb_t.shape[1]
    return pl.pallas_call(
        functools.partial(_knn_body, k=K, tm=tm),
        grid=(n // tn, m // tm),
        in_specs=[
            pl.BlockSpec((tn, d), lambda i, j: (i, 0)),
            pl.BlockSpec((d, tm), lambda i, j: (0, j)),
        ],
        out_specs=[
            pl.BlockSpec((tn, K), lambda i, j: (i, 0)),
            pl.BlockSpec((tn, K), lambda i, j: (i, 0)),
        ],
        out_shape=[
            jax.ShapeDtypeStruct((n, K), jnp.float32),
            jax.ShapeDtypeStruct((n, K), jnp.float32),
        ],
        compiler_params=pltpu.CompilerParams(
            dimension_semantics=("parallel", "arbitrary")),
    )(pre, base_emb_t)


_SC_NC = 2
_SC_NS = 16
_SC_CH = 200
_SC_NPAD = 10240


def _sc_seg_sum(x, src, dst, zeros):
    nw = _SC_NC * _SC_NS
    epw = E // nw
    nch = epw // _SC_CH
    npad = _SC_NPAD
    rps = npad // _SC_NS
    mesh = plsc.VectorSubcoreMesh(core_axis_name="c", subcore_axis_name="s")

    @functools.partial(
        pl.kernel, mesh=mesh,
        out_type=jax.ShapeDtypeStruct((_SC_NC, npad, D), jnp.float32),
        scratch_types=[
            pltpu.VMEM((_SC_CH,), jnp.int32),
            pltpu.VMEM((_SC_CH,), jnp.int32),
            pltpu.VMEM((_SC_CH, D), jnp.float32),
            pltpu.VMEM_SHARED((npad, D), jnp.float32),
            pltpu.SemaphoreType.DMA,
        ])
    def k(x_hbm, src_hbm, dst_hbm, z_hbm, out_hbm, sidx, didx, rows, acc, sem):
        cid = lax.axis_index("c")
        sid = lax.axis_index("s")
        wid = sid * _SC_NC + cid
        pltpu.sync_copy(z_hbm.at[pl.ds(sid * rps, rps)],
                        acc.at[pl.ds(sid * rps, rps)])
        plsc.subcore_barrier()

        def body(c, carry):
            base = wid * epw + c * _SC_CH
            pltpu.sync_copy(src_hbm.at[pl.ds(base, _SC_CH)], sidx)
            pltpu.sync_copy(dst_hbm.at[pl.ds(base, _SC_CH)], didx)
            pltpu.async_copy(x_hbm.at[sidx], rows, sem).wait()
            pltpu.sync_copy(rows, acc.at[didx], add=True)
            return carry

        lax.fori_loop(0, nch, body, 0)
        plsc.subcore_barrier()
        pltpu.sync_copy(acc.at[pl.ds(sid * rps, rps)],
                        out_hbm.at[cid, pl.ds(sid * rps, rps)])

    return k(x, src, dst, zeros)


def _sc_degree(dst, zeros, ones):
    nw = _SC_NC * _SC_NS
    epw = E // nw
    nch = epw // _SC_CH
    npad = _SC_NPAD
    rps = npad // _SC_NS
    mesh = plsc.VectorSubcoreMesh(core_axis_name="c", subcore_axis_name="s")

    @functools.partial(
        pl.kernel, mesh=mesh,
        out_type=jax.ShapeDtypeStruct((_SC_NC, npad, D), jnp.float32),
        scratch_types=[
            pltpu.VMEM((_SC_CH,), jnp.int32),
            pltpu.VMEM((_SC_CH, D), jnp.float32),
            pltpu.VMEM_SHARED((npad, D), jnp.float32),
        ])
    def k(dst_hbm, z_hbm, o_hbm, out_hbm, didx, ones_v, acc):
        cid = lax.axis_index("c")
        sid = lax.axis_index("s")
        wid = sid * _SC_NC + cid
        pltpu.sync_copy(z_hbm.at[pl.ds(sid * rps, rps)],
                        acc.at[pl.ds(sid * rps, rps)])
        pltpu.sync_copy(o_hbm, ones_v)
        plsc.subcore_barrier()

        def body(c, carry):
            base = wid * epw + c * _SC_CH
            pltpu.sync_copy(dst_hbm.at[pl.ds(base, _SC_CH)], didx)
            pltpu.sync_copy(ones_v, acc.at[didx], add=True)
            return carry

        lax.fori_loop(0, nch, body, 0)
        plsc.subcore_barrier()
        pltpu.sync_copy(acc.at[pl.ds(sid * rps, rps)],
                        out_hbm.at[cid, pl.ds(sid * rps, rps)])

    return k(dst, zeros, ones)


def kernel(features, edge_index, W_enc, base_emb, base_labels, W1, b1, W2, b2):
    src = edge_index[0].astype(jnp.int32)
    dst = edge_index[1].astype(jnp.int32)
    zeros = jnp.zeros((_SC_NPAD, D), dtype=jnp.float32)
    dparts = _sc_degree(dst, zeros, jnp.ones((_SC_CH, D), dtype=jnp.float32))
    deg = jnp.clip(dparts[0, :N, 0] + dparts[1, :N, 0], 1.0, None)

    def hop(x):
        p = _sc_seg_sum(x, src, dst, zeros)
        return (p[0, :N] + p[1, :N]) / deg[:, None]

    h = features @ W_enc
    pre = jax.nn.relu(hop(h))

    base_pad_t = jnp.concatenate(
        [base_emb.T, jnp.zeros((D, _MPAD - M), dtype=base_emb.dtype)], axis=1)
    top_v, top_if = _knn_topk(pre, base_pad_t, _TN, _TM)
    top_i = top_if.astype(jnp.int32)
    w = jax.nn.softmax(top_v, axis=1)
    rag_embedding = jnp.einsum("nkd,nk->nd", jnp.take(base_emb, top_i, axis=0), w)
    rag_label = jnp.mean(jnp.take(base_labels, top_i, axis=0), axis=1)

    x = pre
    for _ in range(HOPS):
        x = hop(x)

    hidden = x * (1.0 - RETRIEVE_W) + rag_embedding * RETRIEVE_W
    dec = jax.nn.relu(hidden @ W1 + b1) @ W2 + b2
    decode_label = jax.nn.softmax(dec, axis=1)
    return decode_label * (1.0 - LABEL_W) + rag_label * LABEL_W

# --- scband reference (transcript-rebuilt; emitter-appended) ---
"""Pipeline reference for scband-ragraph-61108794687800 (READ-ONLY COPY).

The authoritative reference and input builder live on the scoring server;
editing this copy changes nothing except your own understanding.
"""

import jax, jax.numpy as jnp
import numpy as np

N = 10000   # query graph nodes
E = 160000  # edges
F = 128     # feature size
D = 128     # emb_size
C = 16      # num_class
M = 50000   # toy-graph retrieval base size
K = 8       # retrieved neighbors per query node
HOPS = 3    # query_graph_hop
RETRIEVE_W = 0.5
LABEL_W = 0.5


def setup_inputs(seed: int = 0) -> dict:
    key = jax.random.key(seed)
    k1, k2, k3, k4, k5, k6, k7 = jax.random.split(key, 7)
    features = jax.random.normal(k1, (N, F), dtype=jnp.float32)
    edge_index = jax.random.randint(k2, (2, E), 0, N, dtype=jnp.int64)
    # pretrain_model approximated as a linear GNN encoder weight
    W_enc = jax.random.normal(k3, (F, D), dtype=jnp.float32) * (1.0 / np.sqrt(F))
    # toy graph base built from resource_dataset: stored embeddings + one-hot labels
    base_emb = jax.random.normal(k4, (M, D), dtype=jnp.float32)
    base_labels = jax.nn.one_hot(jax.random.randint(k5, (M,), 0, C), C, dtype=jnp.float32)
    # TaskDecoder (2-layer MLP) parameters
    W1 = jax.random.normal(k6, (D, D), dtype=jnp.float32) * (1.0 / np.sqrt(D))
    b1 = jnp.zeros((D,), dtype=jnp.float32)
    W2 = jax.random.normal(k7, (D, C), dtype=jnp.float32) * (1.0 / np.sqrt(D))
    b2 = jnp.zeros((C,), dtype=jnp.float32)
    return {"features": features, "edge_index": edge_index, "W_enc": W_enc,
            "base_emb": base_emb, "base_labels": base_labels,
            "W1": W1, "b1": b1, "W2": W2, "b2": b2}


def _propagate(x, src, dst, deg, hops):
    # mean-aggregation k-hop propagation (Propagation.aggregate_k_hop_features)
    for _ in range(hops):
        x = jax.ops.segment_sum(x[src], dst, num_segments=N) / deg[:, None]
    return x


def reference(features, edge_index, W_enc, base_emb, base_labels, W1, b1, W2, b2):
    src = edge_index[0]
    dst = edge_index[1]
    deg = jnp.clip(jnp.zeros((N,), dtype=jnp.float32).at[dst].add(1.0), 1.0, None)
    # pretrain_model.inference: linear encode + 1-hop aggregation + relu
    h = features @ W_enc
    pre = jax.nn.relu(_propagate(h, src, dst, deg, 1))
    # toy_graph_base.retrieve: brute-force kNN over the stored toy-graph base
    sims = pre @ base_emb.T                      # [N, M]
    top_sims, idx = jax.lax.top_k(sims, K)       # [N, K]
    w = jax.nn.softmax(top_sims, axis=1)
    rag_embeddings = jnp.take(base_emb, idx, axis=0) * w[:, :, None]   # [N, K, D]
    rag_labels = jnp.take(base_labels, idx, axis=0)                    # [N, K, C]
    # finetune branch
    rag_label = jnp.mean(rag_labels, axis=1)          # [N, C]
    rag_embedding = jnp.sum(rag_embeddings, axis=1)   # [N, D]
    query_embeddings = _propagate(pre, src, dst, deg, HOPS)
    hidden = query_embeddings * (1.0 - RETRIEVE_W) + rag_embedding * RETRIEVE_W
    dec = jax.nn.relu(hidden @ W1 + b1) @ W2 + b2
    decode_label = jax.nn.softmax(dec, axis=1)
    label_logits = decode_label * (1.0 - LABEL_W) + rag_label * LABEL_W
    return label_logits

if __name__ == "__main__":
    import jax
    _d = setup_inputs()
    print(jax.jit(kernel)(*tuple(_d.values())))

</pallas_src>

<mosaic_0001>
#map = affine_map<(d0, d1) -> (0, 0)>
#map1 = affine_map<(d0, d1) -> (0)>
#map2 = affine_map<(d0, d1) -> (0, 0, 0)>
module attributes {stable_mosaic.version = 14 : i64} {
  func.func @k(%arg0: i32, %arg1: i32, %arg2: memref<10000x128xf32, #tpu.memory_space<hbm>>, %arg3: memref<160000xi32, #tpu.memory_space<hbm>>, %arg4: memref<160000xi32, #tpu.memory_space<hbm>>, %arg5: memref<10240x128xf32, #tpu.memory_space<hbm>>, %arg6: memref<2x10240x128xf32, #tpu.memory_space<hbm>>, %arg7: memref<200xi32, #tpu.memory_space<vmem>>, %arg8: memref<200xi32, #tpu.memory_space<vmem>>, %arg9: memref<200x128xf32, #tpu.memory_space<vmem>>, %arg10: memref<10240x128xf32, #tpu.memory_space<vmem_shared>>, %arg11: memref<!tpu.dma_semaphore, #tpu.memory_space<semaphore_mem>>) attributes {dimension_semantics = [#tpu.dimension_semantics<core_parallel>, #tpu.dimension_semantics<subcore_parallel>], iteration_bounds = array<i64: 2, 16>, scalar_prefetch = 0 : i64, scratch_operands = 5 : i64, tpu.core_type = #tpu.core_type<sc_vector_subcore>, window_params = [{transform_indices = #map}, {transform_indices = #map1}, {transform_indices = #map1}, {transform_indices = #map}, {transform_indices = #map2}]} {
    %mul3A = arith.constant 2 : i32
    %mul3A_0 = arith.muli %arg1, %mul3A : i32
    %add3A = arith.addi %mul3A_0, %arg0 : i32
    %mul3A_1 = arith.constant 640 : i32
    %mul3A_2 = arith.muli %arg1, %mul3A_1 : i32
    %mul3A_3 = arith.constant 640 : i32
    %mul3A_4 = arith.muli %arg1, %mul3A_3 : i32
    "tpu.region"() ({
      %run_scoped3A = tpu.sem_alloc : memref<!tpu.dma_semaphore, #tpu.memory_space<semaphore_mem>>
      %dma_start3A = arith.constant 0 : i32
      %dma_start3A_15 = tpu.memref_slice %arg10[%mul3A_4, %dma_start3A] : memref<10240x128xf32, #tpu.memory_space<vmem_shared>> -> memref<640x128xf32, #tpu.memory_space<vmem_shared>>
      %dma_start3A_16 = arith.constant 0 : i32
      %dma_start3A_17 = tpu.memref_slice %arg5[%mul3A_2, %dma_start3A_16] : memref<10240x128xf32, #tpu.memory_space<hbm>> -> memref<640x128xf32, #tpu.memory_space<hbm>>
      tpu.enqueue_dma source(%dma_start3A_17 : memref<640x128xf32, #tpu.memory_space<hbm>>) target(%dma_start3A_15 : memref<640x128xf32, #tpu.memory_space<vmem_shared>>) target_semaphore(%run_scoped3A : memref<!tpu.dma_semaphore, #tpu.memory_space<semaphore_mem>>)
      %dma_wait3A = arith.constant 0 : i32
      %dma_wait3A_18 = tpu.memref_slice %arg10[%mul3A_4, %dma_wait3A] : memref<10240x128xf32, #tpu.memory_space<vmem_shared>> -> memref<640x128xf32, #tpu.memory_space<vmem_shared>>
      %dma_wait3A_19 = arith.constant 0 : i32
      %dma_wait3A_20 = tpu.memref_slice %arg5[%mul3A_2, %dma_wait3A_19] : memref<10240x128xf32, #tpu.memory_space<hbm>> -> memref<640x128xf32, #tpu.memory_space<hbm>>
      tpu.wait_dma2 semaphore(%run_scoped3A : memref<!tpu.dma_semaphore, #tpu.memory_space<semaphore_mem>>) src(%dma_wait3A_20 : memref<640x128xf32, #tpu.memory_space<hbm>>) dst(%dma_wait3A_18 : memref<640x128xf32, #tpu.memory_space<vmem_shared>>)
      tpu.yield
    }) : () -> ()
    %barrier3A = arith.constant 0 : index
    tpu.barrier barrier_id(%barrier3A)
    %scan3A = arith.constant 0 : i32
    %scan3A_5 = arith.constant 0 : i32
    %scan3A_6 = arith.constant 25 : i32
    %scan3A_7 = arith.addi %scan3A_5, %scan3A_6 : i32
    %scan3A_8 = arith.constant 1 : i32
    scf.for %scan3A_15 = %scan3A_5 to %scan3A_7 step %scan3A_8  : i32 {
      %mul3A_16 = arith.constant 5000 : i32
      %mul3A_17 = arith.muli %add3A, %mul3A_16 : i32
      %mul3A_18 = arith.constant 200 : i32
      %mul3A_19 = arith.muli %scan3A_15, %mul3A_18 : i32
      %add3A_20 = arith.addi %mul3A_17, %mul3A_19 : i32
      "tpu.region"() ({
        %run_scoped3A = tpu.sem_alloc : memref<!tpu.dma_semaphore, #tpu.memory_space<semaphore_mem>>
        %dma_start3A_25 = tpu.memref_slice %arg3[%add3A_20] : memref<160000xi32, #tpu.memory_space<hbm>> -> memref<200xi32, #tpu.memory_space<hbm>>
        %dma_start3A_26 = tpu.memref_slice %arg3[%add3A_20] : memref<160000xi32, #tpu.memory_space<hbm>> -> memref<200xi32, #tpu.memory_space<hbm>>
        tpu.enqueue_dma source(%dma_start3A_26 : memref<200xi32, #tpu.memory_space<hbm>>) target(%arg7 : memref<200xi32, #tpu.memory_space<vmem>>) target_semaphore(%run_scoped3A : memref<!tpu.dma_semaphore, #tpu.memory_space<semaphore_mem>>)
        %dma_wait3A_27 = tpu.memref_slice %arg3[%add3A_20] : memref<160000xi32, #tpu.memory_space<hbm>> -> memref<200xi32, #tpu.memory_space<hbm>>
        %dma_wait3A_28 = tpu.memref_slice %arg3[%add3A_20] : memref<160000xi32, #tpu.memory_space<hbm>> -> memref<200xi32, #tpu.memory_space<hbm>>
        tpu.wait_dma2 semaphore(%run_scoped3A : memref<!tpu.dma_semaphore, #tpu.memory_space<semaphore_mem>>) src(%dma_wait3A_28 : memref<200xi32, #tpu.memory_space<hbm>>) dst(%arg7 : memref<200xi32, #tpu.memory_space<vmem>>)
        tpu.yield
      }) : () -> ()
      "tpu.region"() ({
        %run_scoped3A = tpu.sem_alloc : memref<!tpu.dma_semaphore, #tpu.memory_space<semaphore_mem>>
        %dma_start3A_25 = tpu.memref_slice %arg4[%add3A_20] : memref<160000xi32, #tpu.memory_space<hbm>> -> memref<200xi32, #tpu.memory_space<hbm>>
        %dma_start3A_26 = tpu.memref_slice %arg4[%add3A_20] : memref<160000xi32, #tpu.memory_space<hbm>> -> memref<200xi32, #tpu.memory_space<hbm>>
        tpu.enqueue_dma source(%dma_start3A_26 : memref<200xi32, #tpu.memory_space<hbm>>) target(%arg8 : memref<200xi32, #tpu.memory_space<vmem>>) target_semaphore(%run_scoped3A : memref<!tpu.dma_semaphore, #tpu.memory_space<semaphore_mem>>)
        %dma_wait3A_27 = tpu.memref_slice %arg4[%add3A_20] : memref<160000xi32, #tpu.memory_space<hbm>> -> memref<200xi32, #tpu.memory_space<hbm>>
        %dma_wait3A_28 = tpu.memref_slice %arg4[%add3A_20] : memref<160000xi32, #tpu.memory_space<hbm>> -> memref<200xi32, #tpu.memory_space<hbm>>
        tpu.wait_dma2 semaphore(%run_scoped3A : memref<!tpu.dma_semaphore, #tpu.memory_space<semaphore_mem>>) src(%dma_wait3A_28 : memref<200xi32, #tpu.memory_space<hbm>>) dst(%arg8 : memref<200xi32, #tpu.memory_space<vmem>>)
        tpu.yield
      }) : () -> ()
      %dma_start3A = arith.constant 0 : i32
      %dma_start3A_21 = arith.constant 0 : i32
      %dma_start3A_22 = tpu.memref_slice %arg2[%dma_start3A, %dma_start3A_21] : memref<10000x128xf32, #tpu.memory_space<hbm>> -> memref<10000x128xf32, #tpu.memory_space<hbm>>
      tpu.enqueue_indirect_dma source(%dma_start3A_22 : memref<10000x128xf32, #tpu.memory_space<hbm>>) target(%arg9 : memref<200x128xf32, #tpu.memory_space<vmem>>) offsets(%arg7 : memref<200xi32, #tpu.memory_space<vmem>>) semaphore(%arg11 : memref<!tpu.dma_semaphore, #tpu.memory_space<semaphore_mem>>)
      %dma_wait3A = arith.constant 0 : i32
      %dma_wait3A_23 = arith.constant 0 : i32
      %dma_wait3A_24 = tpu.memref_slice %arg2[%dma_wait3A, %dma_wait3A_23] : memref<10000x128xf32, #tpu.memory_space<hbm>> -> memref<10000x128xf32, #tpu.memory_space<hbm>>
      tpu.wait_indirect_dma semaphore(%arg11 : memref<!tpu.dma_semaphore, #tpu.memory_space<semaphore_mem>>) src(%dma_wait3A_24 : memref<10000x128xf32, #tpu.memory_space<hbm>>) dst(%arg9 : memref<200x128xf32, #tpu.memory_space<vmem>>)
      "tpu.region"() ({
        %run_scoped3A = tpu.sem_alloc : memref<!tpu.dma_semaphore, #tpu.memory_space<semaphore_mem>>
        %dma_start3A_25 = arith.constant 0 : i32
        %dma_start3A_26 = arith.constant 0 : i32
        %dma_start3A_27 = tpu.memref_slice %arg10[%dma_start3A_25, %dma_start3A_26] : memref<10240x128xf32, #tpu.memory_space<vmem_shared>> -> memref<10240x128xf32, #tpu.memory_space<vmem_shared>>
        tpu.enqueue_indirect_dma source(%arg9 : memref<200x128xf32, #tpu.memory_space<vmem>>) target(%dma_start3A_27 : memref<10240x128xf32, #tpu.memory_space<vmem_shared>>) offsets(%arg8 : memref<200xi32, #tpu.memory_space<vmem>>) semaphore(%run_scoped3A : memref<!tpu.dma_semaphore, #tpu.memory_space<semaphore_mem>>) {add = true}
        %dma_wait3A_28 = arith.constant 0 : i32
        %dma_wait3A_29 = arith.constant 0 : i32
        %dma_wait3A_30 = tpu.memref_slice %arg10[%dma_wait3A_28, %dma_wait3A_29] : memref<10240x128xf32, #tpu.memory_space<vmem_shared>> -> memref<10240x128xf32, #tpu.memory_space<vmem_shared>>
        tpu.wait_indirect_dma semaphore(%run_scoped3A : memref<!tpu.dma_semaphore, #tpu.memory_space<semaphore_mem>>) src(%arg9 : memref<200x128xf32, #tpu.memory_space<vmem>>) dst(%dma_wait3A_30 : memref<10240x128xf32, #tpu.memory_space<vmem_shared>>)
        tpu.yield
      }) : () -> ()
    }
    %scan3A_9 = arith.constant 25 : i32
    %barrier3A_10 = arith.constant 0 : index
    tpu.barrier barrier_id(%barrier3A_10)
    %mul3A_11 = arith.constant 640 : i32
    %mul3A_12 = arith.muli %arg1, %mul3A_11 : i32
    %mul3A_13 = arith.constant 640 : i32
    %mul3A_14 = arith.muli %arg1, %mul3A_13 : i32
    "tpu.region"() ({
      %run_scoped3A = tpu.sem_alloc : memref<!tpu.dma_semaphore, #tpu.memory_space<semaphore_mem>>
      %dma_start3A = arith.constant 0 : i32
      %dma_start3A_15 = tpu.memref_slice %arg6[%arg0, %mul3A_14, %dma_start3A] : memref<2x10240x128xf32, #tpu.memory_space<hbm>> -> memref<1x640x128xf32, #tpu.memory_space<hbm>>
      %dma_start3A_16 = tpu.memref_squeeze %dma_start3A_15 : memref<1x640x128xf32, #tpu.memory_space<hbm>> -> memref<640x128xf32, #tpu.memory_space<hbm>>
      %dma_start3A_17 = arith.constant 0 : i32
      %dma_start3A_18 = tpu.memref_slice %arg10[%mul3A_12, %dma_start3A_17] : memref<10240x128xf32, #tpu.memory_space<vmem_shared>> -> memref<640x128xf32, #tpu.memory_space<vmem_shared>>
      tpu.enqueue_dma source(%dma_start3A_18 : memref<640x128xf32, #tpu.memory_space<vmem_shared>>) target(%dma_start3A_16 : memref<640x128xf32, #tpu.memory_space<hbm>>) target_semaphore(%run_scoped3A : memref<!tpu.dma_semaphore, #tpu.memory_space<semaphore_mem>>)
      %dma_wait3A = arith.constant 0 : i32
      %dma_wait3A_19 = tpu.memref_slice %arg6[%arg0, %mul3A_14, %dma_wait3A] : memref<2x10240x128xf32, #tpu.memory_space<hbm>> -> memref<1x640x128xf32, #tpu.memory_space<hbm>>
      %dma_wait3A_20 = tpu.memref_squeeze %dma_wait3A_19 : memref<1x640x128xf32, #tpu.memory_space<hbm>> -> memref<640x128xf32, #tpu.memory_space<hbm>>
      %dma_wait3A_21 = arith.constant 0 : i32
      %dma_wait3A_22 = tpu.memref_slice %arg10[%mul3A_12, %dma_wait3A_21] : memref<10240x128xf32, #tpu.memory_space<vmem_shared>> -> memref<640x128xf32, #tpu.memory_space<vmem_shared>>
      tpu.wait_dma2 semaphore(%run_scoped3A : memref<!tpu.dma_semaphore, #tpu.memory_space<semaphore_mem>>) src(%dma_wait3A_22 : memref<640x128xf32, #tpu.memory_space<vmem_shared>>) dst(%dma_wait3A_20 : memref<640x128xf32, #tpu.memory_space<hbm>>)
      tpu.yield
    }) : () -> ()
    return
  }
}

#map = affine_map<(d0, d1) -> (0, 0)>
#map1 = affine_map<(d0, d1) -> (0)>
#map2 = affine_map<(d0, d1) -> (0, 0, 0)>
module attributes {stable_mosaic.version = 14 : i64} {
  func.func @k(%arg0: i32, %arg1: i32, %arg2: memref<10000x128xf32, #tpu.memory_space<hbm>>, %arg3: memref<160000xi32, #tpu.memory_space<hbm>>, %arg4: memref<160000xi32, #tpu.memory_space<hbm>>, %arg5: memref<10240x128xf32, #tpu.memory_space<hbm>>, %arg6: memref<2x10240x128xf32, #tpu.memory_space<hbm>>, %arg7: memref<200xi32, #tpu.memory_space<vmem>>, %arg8: memref<200xi32, #tpu.memory_space<vmem>>, %arg9: memref<200x128xf32, #tpu.memory_space<vmem>>, %arg10: memref<10240x128xf32, #tpu.memory_space<vmem_shared>>, %arg11: memref<!tpu.dma_semaphore, #tpu.memory_space<semaphore_mem>>) attributes {dimension_semantics = [#tpu.dimension_semantics<core_parallel>, #tpu.dimension_semantics<subcore_parallel>], iteration_bounds = array<i64: 2, 16>, scalar_prefetch = 0 : i64, scratch_operands = 5 : i64, tpu.core_type = #tpu.core_type<sc_vector_subcore>, window_params = [{transform_indices = #map}, {transform_indices = #map1}, {transform_indices = #map1}, {transform_indices = #map}, {transform_indices = #map2}]} {
    %mul3A = arith.constant 2 : i32
    %mul3A_0 = arith.muli %arg1, %mul3A : i32
    %add3A = arith.addi %mul3A_0, %arg0 : i32
    %mul3A_1 = arith.constant 640 : i32
    %mul3A_2 = arith.muli %arg1, %mul3A_1 : i32
    %mul3A_3 = arith.constant 640 : i32
    %mul3A_4 = arith.muli %arg1, %mul3A_3 : i32
    "tpu.region"() ({
      %run_scoped3A = tpu.sem_alloc : memref<!tpu.dma_semaphore, #tpu.memory_space<semaphore_mem>>
      %dma_start3A = arith.constant 0 : i32
      %dma_start3A_15 = tpu.memref_slice %arg10[%mul3A_4, %dma_start3A] : memref<10240x128xf32, #tpu.memory_space<vmem_shared>> -> memref<640x128xf32, #tpu.memory_space<vmem_shared>>
      %dma_start3A_16 = arith.constant 0 : i32
      %dma_start3A_17 = tpu.memref_slice %arg5[%mul3A_2, %dma_start3A_16] : memref<10240x128xf32, #tpu.memory_space<hbm>> -> memref<640x128xf32, #tpu.memory_space<hbm>>
      tpu.enqueue_dma source(%dma_start3A_17 : memref<640x128xf32, #tpu.memory_space<hbm>>) target(%dma_start3A_15 : memref<640x128xf32, #tpu.memory_space<vmem_shared>>) target_semaphore(%run_scoped3A : memref<!tpu.dma_semaphore, #tpu.memory_space<semaphore_mem>>)
      %dma_wait3A = arith.constant 0 : i32
      %dma_wait3A_18 = tpu.memref_slice %arg10[%mul3A_4, %dma_wait3A] : memref<10240x128xf32, #tpu.memory_space<vmem_shared>> -> memref<640x128xf32, #tpu.memory_space<vmem_shared>>
      %dma_wait3A_19 = arith.constant 0 : i32
      %dma_wait3A_20 = tpu.memref_slice %arg5[%mul3A_2, %dma_wait3A_19] : memref<10240x128xf32, #tpu.memory_space<hbm>> -> memref<640x128xf32, #tpu.memory_space<hbm>>
      tpu.wait_dma2 semaphore(%run_scoped3A : memref<!tpu.dma_semaphore, #tpu.memory_space<semaphore_mem>>) src(%dma_wait3A_20 : memref<640x128xf32, #tpu.memory_space<hbm>>) dst(%dma_wait3A_18 : memref<640x128xf32, #tpu.memory_space<vmem_shared>>)
      tpu.yield
    }) : () -> ()
    %barrier3A = arith.constant 0 : index
    tpu.barrier barrier_id(%barrier3A)
    %scan3A = arith.constant 0 : i32
    %scan3A_5 = arith.constant 0 : i32
    %scan3A_6 = arith.constant 25 : i32
    %scan3A_7 = arith.addi %scan3A_5, %scan3A_6 : i32
    %scan3A_8 = arith.constant 1 : i32
    scf.for %scan3A_15 = %scan3A_5 to %scan3A_7 step %scan3A_8  : i32 {
      %mul3A_16 = arith.constant 5000 : i32
      %mul3A_17 = arith.muli %add3A, %mul3A_16 : i32
      %mul3A_18 = arith.constant 200 : i32
      %mul3A_19 = arith.muli %scan3A_15, %mul3A_18 : i32
      %add3A_20 = arith.addi %mul3A_17, %mul3A_19 : i32
      "tpu.region"() ({
        %run_scoped3A = tpu.sem_alloc : memref<!tpu.dma_semaphore, #tpu.memory_space<semaphore_mem>>
        %dma_start3A_25 = tpu.memref_slice %arg3[%add3A_20] : memref<160000xi32, #tpu.memory_space<hbm>> -> memref<200xi32, #tpu.memory_space<hbm>>
        %dma_start3A_26 = tpu.memref_slice %arg3[%add3A_20] : memref<160000xi32, #tpu.memory_space<hbm>> -> memref<200xi32, #tpu.memory_space<hbm>>
        tpu.enqueue_dma source(%dma_start3A_26 : memref<200xi32, #tpu.memory_space<hbm>>) target(%arg7 : memref<200xi32, #tpu.memory_space<vmem>>) target_semaphore(%run_scoped3A : memref<!tpu.dma_semaphore, #tpu.memory_space<semaphore_mem>>)
        %dma_wait3A_27 = tpu.memref_slice %arg3[%add3A_20] : memref<160000xi32, #tpu.memory_space<hbm>> -> memref<200xi32, #tpu.memory_space<hbm>>
        %dma_wait3A_28 = tpu.memref_slice %arg3[%add3A_20] : memref<160000xi32, #tpu.memory_space<hbm>> -> memref<200xi32, #tpu.memory_space<hbm>>
        tpu.wait_dma2 semaphore(%run_scoped3A : memref<!tpu.dma_semaphore, #tpu.memory_space<semaphore_mem>>) src(%dma_wait3A_28 : memref<200xi32, #tpu.memory_space<hbm>>) dst(%arg7 : memref<200xi32, #tpu.memory_space<vmem>>)
        tpu.yield
      }) : () -> ()
      "tpu.region"() ({
        %run_scoped3A = tpu.sem_alloc : memref<!tpu.dma_semaphore, #tpu.memory_space<semaphore_mem>>
        %dma_start3A_25 = tpu.memref_slice %arg4[%add3A_20] : memref<160000xi32, #tpu.memory_space<hbm>> -> memref<200xi32, #tpu.memory_space<hbm>>
        %dma_start3A_26 = tpu.memref_slice %arg4[%add3A_20] : memref<160000xi32, #tpu.memory_space<hbm>> -> memref<200xi32, #tpu.memory_space<hbm>>
        tpu.enqueue_dma source(%dma_start3A_26 : memref<200xi32, #tpu.memory_space<hbm>>) target(%arg8 : memref<200xi32, #tpu.memory_space<vmem>>) target_semaphore(%run_scoped3A : memref<!tpu.dma_semaphore, #tpu.memory_space<semaphore_mem>>)
        %dma_wait3A_27 = tpu.memref_slice %arg4[%add3A_20] : memref<160000xi32, #tpu.memory_space<hbm>> -> memref<200xi32, #tpu.memory_space<hbm>>
        %dma_wait3A_28 = tpu.memref_slice %arg4[%add3A_20] : memref<160000xi32, #tpu.memory_space<hbm>> -> memref<200xi32, #tpu.memory_space<hbm>>
        tpu.wait_dma2 semaphore(%run_scoped3A : memref<!tpu.dma_semaphore, #tpu.memory_space<semaphore_mem>>) src(%dma_wait3A_28 : memref<200xi32, #tpu.memory_space<hbm>>) dst(%arg8 : memref<200xi32, #tpu.memory_space<vmem>>)
        tpu.yield
      }) : () -> ()
      %dma_start3A = arith.constant 0 : i32
      %dma_start3A_21 = arith.constant 0 : i32
      %dma_start3A_22 = tpu.memref_slice %arg2[%dma_start3A, %dma_start3A_21] : memref<10000x128xf32, #tpu.memory_space<hbm>> -> memref<10000x128xf32, #tpu.memory_space<hbm>>
      tpu.enqueue_indirect_dma source(%dma_start3A_22 : memref<10000x128xf32, #tpu.memory_space<hbm>>) target(%arg9 : memref<200x128xf32, #tpu.memory_space<vmem>>) offsets(%arg7 : memref<200xi32, #tpu.memory_space<vmem>>) semaphore(%arg11 : memref<!tpu.dma_semaphore, #tpu.memory_space<semaphore_mem>>)
      %dma_wait3A = arith.constant 0 : i32
      %dma_wait3A_23 = arith.constant 0 : i32
      %dma_wait3A_24 = tpu.memref_slice %arg2[%dma_wait3A, %dma_wait3A_23] : memref<10000x128xf32, #tpu.memory_space<hbm>> -> memref<10000x128xf32, #tpu.memory_space<hbm>>
      tpu.wait_indirect_dma semaphore(%arg11 : memref<!tpu.dma_semaphore, #tpu.memory_space<semaphore_mem>>) src(%dma_wait3A_24 : memref<10000x128xf32, #tpu.memory_space<hbm>>) dst(%arg9 : memref<200x128xf32, #tpu.memory_space<vmem>>)
      "tpu.region"() ({
        %run_scoped3A = tpu.sem_alloc : memref<!tpu.dma_semaphore, #tpu.memory_space<semaphore_mem>>
        %dma_start3A_25 = arith.constant 0 : i32
        %dma_start3A_26 = arith.constant 0 : i32
        %dma_start3A_27 = tpu.memref_slice %arg10[%dma_start3A_25, %dma_start3A_26] : memref<10240x128xf32, #tpu.memory_space<vmem_shared>> -> memref<10240x128xf32, #tpu.memory_space<vmem_shared>>
        tpu.enqueue_indirect_dma source(%arg9 : memref<200x128xf32, #tpu.memory_space<vmem>>) target(%dma_start3A_27 : memref<10240x128xf32, #tpu.memory_space<vmem_shared>>) offsets(%arg8 : memref<200xi32, #tpu.memory_space<vmem>>) semaphore(%run_scoped3A : memref<!tpu.dma_semaphore, #tpu.memory_space<semaphore_mem>>) {add = true}
        %dma_wait3A_28 = arith.constant 0 : i32
        %dma_wait3A_29 = arith.constant 0 : i32
        %dma_wait3A_30 = tpu.memref_slice %arg10[%dma_wait3A_28, %dma_wait3A_29] : memref<10240x128xf32, #tpu.memory_space<vmem_shared>> -> memref<10240x128xf32, #tpu.memory_space<vmem_shared>>
        tpu.wait_indirect_dma semaphore(%run_scoped3A : memref<!tpu.dma_semaphore, #tpu.memory_space<semaphore_mem>>) src(%arg9 : memref<200x128xf32, #tpu.memory_space<vmem>>) dst(%dma_wait3A_30 : memref<10240x128xf32, #tpu.memory_space<vmem_shared>>)
        tpu.yield
      }) : () -> ()
    }
    %scan3A_9 = arith.constant 25 : i32
    %barrier3A_10 = arith.constant 0 : index
    tpu.barrier barrier_id(%barrier3A_10)
    %mul3A_11 = arith.constant 640 : i32
    %mul3A_12 = arith.muli %arg1, %mul3A_11 : i32
    %mul3A_13 = arith.constant 640 : i32
    %mul3A_14 = arith.muli %arg1, %mul3A_13 : i32
    "tpu.region"() ({
      %run_scoped3A = tpu.sem_alloc : memref<!tpu.dma_semaphore, #tpu.memory_space<semaphore_mem>>
      %dma_start3A = arith.constant 0 : i32
      %dma_start3A_15 = tpu.memref_slice %arg6[%arg0, %mul3A_14, %dma_start3A] : memref<2x10240x128xf32, #tpu.memory_space<hbm>> -> memref<1x640x128xf32, #tpu.memory_space<hbm>>
      %dma_start3A_16 = tpu.memref_squeeze %dma_start3A_15 : memref<1x640x128xf32, #tpu.memory_space<hbm>> -> memref<640x128xf32, #tpu.memory_space<hbm>>
      %dma_start3A_17 = arith.constant 0 : i32
      %dma_start3A_18 = tpu.memref_slice %arg10[%mul3A_12, %dma_start3A_17] : memref<10240x128xf32, #tpu.memory_space<vmem_shared>> -> memref<640x128xf32, #tpu.memory_space<vmem_shared>>
      tpu.enqueue_dma source(%dma_start3A_18 : memref<640x128xf32, #tpu.memory_space<vmem_shared>>) target(%dma_start3A_16 : memref<640x128xf32, #tpu.memory_space<hbm>>) target_semaphore(%run_scoped3A : memref<!tpu.dma_semaphore, #tpu.memory_space<semaphore_mem>>)
      %dma_wait3A = arith.constant 0 : i32
      %dma_wait3A_19 = tpu.memref_slice %arg6[%arg0, %mul3A_14, %dma_wait3A] : memref<2x10240x128xf32, #tpu.memory_space<hbm>> -> memref<1x640x128xf32, #tpu.memory_space<hbm>>
      %dma_wait3A_20 = tpu.memref_squeeze %dma_wait3A_19 : memref<1x640x128xf32, #tpu.memory_space<hbm>> -> memref<640x128xf32, #tpu.memory_space<hbm>>
      %dma_wait3A_21 = arith.constant 0 : i32
      %dma_wait3A_22 = tpu.memref_slice %arg10[%mul3A_12, %dma_wait3A_21] : memref<10240x128xf32, #tpu.memory_space<vmem_shared>> -> memref<640x128xf32, #tpu.memory_space<vmem_shared>>
      tpu.wait_dma2 semaphore(%run_scoped3A : memref<!tpu.dma_semaphore, #tpu.memory_space<semaphore_mem>>) src(%dma_wait3A_22 : memref<640x128xf32, #tpu.memory_space<vmem_shared>>) dst(%dma_wait3A_20 : memref<640x128xf32, #tpu.memory_space<hbm>>)
      tpu.yield
    }) : () -> ()
    return
  }
}

#map = affine_map<(d0, d1) -> (0)>
#map1 = affine_map<(d0, d1) -> (0, 0)>
#map2 = affine_map<(d0, d1) -> (0, 0, 0)>
module attributes {stable_mosaic.version = 14 : i64} {
  func.func @k(%arg0: i32, %arg1: i32, %arg2: memref<160000xi32, #tpu.memory_space<hbm>>, %arg3: memref<10240x128xf32, #tpu.memory_space<hbm>>, %arg4: memref<200x128xf32, #tpu.memory_space<hbm>>, %arg5: memref<2x10240x128xf32, #tpu.memory_space<hbm>>, %arg6: memref<200xi32, #tpu.memory_space<vmem>>, %arg7: memref<200x128xf32, #tpu.memory_space<vmem>>, %arg8: memref<10240x128xf32, #tpu.memory_space<vmem_shared>>) attributes {dimension_semantics = [#tpu.dimension_semantics<core_parallel>, #tpu.dimension_semantics<subcore_parallel>], iteration_bounds = array<i64: 2, 16>, scalar_prefetch = 0 : i64, scratch_operands = 3 : i64, tpu.core_type = #tpu.core_type<sc_vector_subcore>, window_params = [{transform_indices = #map}, {transform_indices = #map1}, {transform_indices = #map1}, {transform_indices = #map2}]} {
    %mul3A = arith.constant 2 : i32
    %mul3A_0 = arith.muli %arg1, %mul3A : i32
    %add3A = arith.addi %mul3A_0, %arg0 : i32
    %mul3A_1 = arith.constant 640 : i32
    %mul3A_2 = arith.muli %arg1, %mul3A_1 : i32
    %mul3A_3 = arith.constant 640 : i32
    %mul3A_4 = arith.muli %arg1, %mul3A_3 : i32
    "tpu.region"() ({
      %run_scoped3A = tpu.sem_alloc : memref<!tpu.dma_semaphore, #tpu.memory_space<semaphore_mem>>
      %dma_start3A = arith.constant 0 : i32
      %dma_start3A_15 = tpu.memref_slice %arg8[%mul3A_4, %dma_start3A] : memref<10240x128xf32, #tpu.memory_space<vmem_shared>> -> memref<640x128xf32, #tpu.memory_space<vmem_shared>>
      %dma_start3A_16 = arith.constant 0 : i32
      %dma_start3A_17 = tpu.memref_slice %arg3[%mul3A_2, %dma_start3A_16] : memref<10240x128xf32, #tpu.memory_space<hbm>> -> memref<640x128xf32, #tpu.memory_space<hbm>>
      tpu.enqueue_dma source(%dma_start3A_17 : memref<640x128xf32, #tpu.memory_space<hbm>>) target(%dma_start3A_15 : memref<640x128xf32, #tpu.memory_space<vmem_shared>>) target_semaphore(%run_scoped3A : memref<!tpu.dma_semaphore, #tpu.memory_space<semaphore_mem>>)
      %dma_wait3A = arith.constant 0 : i32
      %dma_wait3A_18 = tpu.memref_slice %arg8[%mul3A_4, %dma_wait3A] : memref<10240x128xf32, #tpu.memory_space<vmem_shared>> -> memref<640x128xf32, #tpu.memory_space<vmem_shared>>
      %dma_wait3A_19 = arith.constant 0 : i32
      %dma_wait3A_20 = tpu.memref_slice %arg3[%mul3A_2, %dma_wait3A_19] : memref<10240x128xf32, #tpu.memory_space<hbm>> -> memref<640x128xf32, #tpu.memory_space<hbm>>
      tpu.wait_dma2 semaphore(%run_scoped3A : memref<!tpu.dma_semaphore, #tpu.memory_space<semaphore_mem>>) src(%dma_wait3A_20 : memref<640x128xf32, #tpu.memory_space<hbm>>) dst(%dma_wait3A_18 : memref<640x128xf32, #tpu.memory_space<vmem_shared>>)
      tpu.yield
    }) : () -> ()
    "tpu.region"() ({
      %run_scoped3A = tpu.sem_alloc : memref<!tpu.dma_semaphore, #tpu.memory_space<semaphore_mem>>
      tpu.enqueue_dma source(%arg4 : memref<200x128xf32, #tpu.memory_space<hbm>>) target(%arg7 : memref<200x128xf32, #tpu.memory_space<vmem>>) target_semaphore(%run_scoped3A : memref<!tpu.dma_semaphore, #tpu.memory_space<semaphore_mem>>)
      tpu.wait_dma2 semaphore(%run_scoped3A : memref<!tpu.dma_semaphore, #tpu.memory_space<semaphore_mem>>) src(%arg4 : memref<200x128xf32, #tpu.memory_space<hbm>>) dst(%arg7 : memref<200x128xf32, #tpu.memory_space<vmem>>)
      tpu.yield
    }) : () -> ()
    %barrier3A = arith.constant 0 : index
    tpu.barrier barrier_id(%barrier3A)
    %scan3A = arith.constant 0 : i32
    %scan3A_5 = arith.constant 0 : i32
    %scan3A_6 = arith.constant 25 : i32
    %scan3A_7 = arith.addi %scan3A_5, %scan3A_6 : i32
    %scan3A_8 = arith.constant 1 : i32
    scf.for %scan3A_15 = %scan3A_5 to %scan3A_7 step %scan3A_8  : i32 {
      %mul3A_16 = arith.constant 5000 : i32
      %mul3A_17 = arith.muli %add3A, %mul3A_16 : i32
      %mul3A_18 = arith.constant 200 : i32
      %mul3A_19 = arith.muli %scan3A_15, %mul3A_18 : i32
      %add3A_20 = arith.addi %mul3A_17, %mul3A_19 : i32
      "tpu.region"() ({
        %run_scoped3A = tpu.sem_alloc : memref<!tpu.dma_semaphore, #tpu.memory_space<semaphore_mem>>
        %dma_start3A = tpu.memref_slice %arg2[%add3A_20] : memref<160000xi32, #tpu.memory_space<hbm>> -> memref<200xi32, #tpu.memory_space<hbm>>
        %dma_start3A_21 = tpu.memref_slice %arg2[%add3A_20] : memref<160000xi32, #tpu.memory_space<hbm>> -> memref<200xi32, #tpu.memory_space<hbm>>
        tpu.enqueue_dma source(%dma_start3A_21 : memref<200xi32, #tpu.memory_space<hbm>>) target(%arg6 : memref<200xi32, #tpu.memory_space<vmem>>) target_semaphore(%run_scoped3A : memref<!tpu.dma_semaphore, #tpu.memory_space<semaphore_mem>>)
        %dma_wait3A = tpu.memref_slice %arg2[%add3A_20] : memref<160000xi32, #tpu.memory_space<hbm>> -> memref<200xi32, #tpu.memory_space<hbm>>
        %dma_wait3A_22 = tpu.memref_slice %arg2[%add3A_20] : memref<160000xi32, #tpu.memory_space<hbm>> -> memref<200xi32, #tpu.memory_space<hbm>>
        tpu.wait_dma2 semaphore(%run_scoped3A : memref<!tpu.dma_semaphore, #tpu.memory_space<semaphore_mem>>) src(%dma_wait3A_22 : memref<200xi32, #tpu.memory_space<hbm>>) dst(%arg6 : memref<200xi32, #tpu.memory_space<vmem>>)
        tpu.yield
      }) : () -> ()
      "tpu.region"() ({
        %run_scoped3A = tpu.sem_alloc : memref<!tpu.dma_semaphore, #tpu.memory_space<semaphore_mem>>
        %dma_start3A = arith.constant 0 : i32
        %dma_start3A_21 = arith.constant 0 : i32
        %dma_start3A_22 = tpu.memref_slice %arg8[%dma_start3A, %dma_start3A_21] : memref<10240x128xf32, #tpu.memory_space<vmem_shared>> -> memref<10240x128xf32, #tpu.memory_space<vmem_shared>>
        tpu.enqueue_indirect_dma source(%arg7 : memref<200x128xf32, #tpu.memory_space<vmem>>) target(%dma_start3A_22 : memref<10240x128xf32, #tpu.memory_space<vmem_shared>>) offsets(%arg6 : memref<200xi32, #tpu.memory_space<vmem>>) semaphore(%run_scoped3A : memref<!tpu.dma_semaphore, #tpu.memory_space<semaphore_mem>>) {add = true}
        %dma_wait3A = arith.constant 0 : i32
        %dma_wait3A_23 = arith.constant 0 : i32
        %dma_wait3A_24 = tpu.memref_slice %arg8[%dma_wait3A, %dma_wait3A_23] : memref<10240x128xf32, #tpu.memory_space<vmem_shared>> -> memref<10240x128xf32, #tpu.memory_space<vmem_shared>>
        tpu.wait_indirect_dma semaphore(%run_scoped3A : memref<!tpu.dma_semaphore, #tpu.memory_space<semaphore_mem>>) src(%arg7 : memref<200x128xf32, #tpu.memory_space<vmem>>) dst(%dma_wait3A_24 : memref<10240x128xf32, #tpu.memory_space<vmem_shared>>)
        tpu.yield
      }) : () -> ()
    }
    %scan3A_9 = arith.constant 25 : i32
    %barrier3A_10 = arith.constant 0 : index
    tpu.barrier barrier_id(%barrier3A_10)
    %mul3A_11 = arith.constant 640 : i32
    %mul3A_12 = arith.muli %arg1, %mul3A_11 : i32
    %mul3A_13 = arith.constant 640 : i32
    %mul3A_14 = arith.muli %arg1, %mul3A_13 : i32
    "tpu.region"() ({
      %run_scoped3A = tpu.sem_alloc : memref<!tpu.dma_semaphore, #tpu.memory_space<semaphore_mem>>
      %dma_start3A = arith.constant 0 : i32
      %dma_start3A_15 = tpu.memref_slice %arg5[%arg0, %mul3A_14, %dma_start3A] : memref<2x10240x128xf32, #tpu.memory_space<hbm>> -> memref<1x640x128xf32, #tpu.memory_space<hbm>>
      %dma_start3A_16 = tpu.memref_squeeze %dma_start3A_15 : memref<1x640x128xf32, #tpu.memory_space<hbm>> -> memref<640x128xf32, #tpu.memory_space<hbm>>
      %dma_start3A_17 = arith.constant 0 : i32
      %dma_start3A_18 = tpu.memref_slice %arg8[%mul3A_12, %dma_start3A_17] : memref<10240x128xf32, #tpu.memory_space<vmem_shared>> -> memref<640x128xf32, #tpu.memory_space<vmem_shared>>
      tpu.enqueue_dma source(%dma_start3A_18 : memref<640x128xf32, #tpu.memory_space<vmem_shared>>) target(%dma_start3A_16 : memref<640x128xf32, #tpu.memory_space<hbm>>) target_semaphore(%run_scoped3A : memref<!tpu.dma_semaphore, #tpu.memory_space<semaphore_mem>>)
      %dma_wait3A = arith.constant 0 : i32
      %dma_wait3A_19 = tpu.memref_slice %arg5[%arg0, %mul3A_14, %dma_wait3A] : memref<2x10240x128xf32, #tpu.memory_space<hbm>> -> memref<1x640x128xf32, #tpu.memory_space<hbm>>
      %dma_wait3A_20 = tpu.memref_squeeze %dma_wait3A_19 : memref<1x640x128xf32, #tpu.memory_space<hbm>> -> memref<640x128xf32, #tpu.memory_space<hbm>>
      %dma_wait3A_21 = arith.constant 0 : i32
      %dma_wait3A_22 = tpu.memref_slice %arg8[%mul3A_12, %dma_wait3A_21] : memref<10240x128xf32, #tpu.memory_space<vmem_shared>> -> memref<640x128xf32, #tpu.memory_space<vmem_shared>>
      tpu.wait_dma2 semaphore(%run_scoped3A : memref<!tpu.dma_semaphore, #tpu.memory_space<semaphore_mem>>) src(%dma_wait3A_22 : memref<640x128xf32, #tpu.memory_space<vmem_shared>>) dst(%dma_wait3A_20 : memref<640x128xf32, #tpu.memory_space<hbm>>)
      tpu.yield
    }) : () -> ()
    return
  }
}

#map = affine_map<(d0, d1) -> (0, 0)>
#map1 = affine_map<(d0, d1) -> (0)>
#map2 = affine_map<(d0, d1) -> (0, 0, 0)>
module attributes {stable_mosaic.version = 14 : i64} {
  func.func @k(%arg0: i32, %arg1: i32, %arg2: memref<10000x128xf32, #tpu.memory_space<hbm>>, %arg3: memref<160000xi32, #tpu.memory_space<hbm>>, %arg4: memref<160000xi32, #tpu.memory_space<hbm>>, %arg5: memref<10240x128xf32, #tpu.memory_space<hbm>>, %arg6: memref<2x10240x128xf32, #tpu.memory_space<hbm>>, %arg7: memref<200xi32, #tpu.memory_space<vmem>>, %arg8: memref<200xi32, #tpu.memory_space<vmem>>, %arg9: memref<200x128xf32, #tpu.memory_space<vmem>>, %arg10: memref<10240x128xf32, #tpu.memory_space<vmem_shared>>, %arg11: memref<!tpu.dma_semaphore, #tpu.memory_space<semaphore_mem>>) attributes {dimension_semantics = [#tpu.dimension_semantics<core_parallel>, #tpu.dimension_semantics<subcore_parallel>], iteration_bounds = array<i64: 2, 16>, scalar_prefetch = 0 : i64, scratch_operands = 5 : i64, tpu.core_type = #tpu.core_type<sc_vector_subcore>, window_params = [{transform_indices = #map}, {transform_indices = #map1}, {transform_indices = #map1}, {transform_indices = #map}, {transform_indices = #map2}]} {
    %mul3A = arith.constant 2 : i32
    %mul3A_0 = arith.muli %arg1, %mul3A : i32
    %add3A = arith.addi %mul3A_0, %arg0 : i32
    %mul3A_1 = arith.constant 640 : i32
    %mul3A_2 = arith.muli %arg1, %mul3A_1 : i32
    %mul3A_3 = arith.constant 640 : i32
    %mul3A_4 = arith.muli %arg1, %mul3A_3 : i32
    "tpu.region"() ({
      %run_scoped3A = tpu.sem_alloc : memref<!tpu.dma_semaphore, #tpu.memory_space<semaphore_mem>>
      %dma_start3A = arith.constant 0 : i32
      %dma_start3A_15 = tpu.memref_slice %arg10[%mul3A_4, %dma_start3A] : memref<10240x128xf32, #tpu.memory_space<vmem_shared>> -> memref<640x128xf32, #tpu.memory_space<vmem_shared>>
      %dma_start3A_16 = arith.constant 0 : i32
      %dma_start3A_17 = tpu.memref_slice %arg5[%mul3A_2, %dma_start3A_16] : memref<10240x128xf32, #tpu.memory_space<hbm>> -> memref<640x128xf32, #tpu.memory_space<hbm>>
      tpu.enqueue_dma source(%dma_start3A_17 : memref<640x128xf32, #tpu.memory_space<hbm>>) target(%dma_start3A_15 : memref<640x128xf32, #tpu.memory_space<vmem_shared>>) target_semaphore(%run_scoped3A : memref<!tpu.dma_semaphore, #tpu.memory_space<semaphore_mem>>)
      %dma_wait3A = arith.constant 0 : i32
      %dma_wait3A_18 = tpu.memref_slice %arg10[%mul3A_4, %dma_wait3A] : memref<10240x128xf32, #tpu.memory_space<vmem_shared>> -> memref<640x128xf32, #tpu.memory_space<vmem_shared>>
      %dma_wait3A_19 = arith.constant 0 : i32
      %dma_wait3A_20 = tpu.memref_slice %arg5[%mul3A_2, %dma_wait3A_19] : memref<10240x128xf32, #tpu.memory_space<hbm>> -> memref<640x128xf32, #tpu.memory_space<hbm>>
      tpu.wait_dma2 semaphore(%run_scoped3A : memref<!tpu.dma_semaphore, #tpu.memory_space<semaphore_mem>>) src(%dma_wait3A_20 : memref<640x128xf32, #tpu.memory_space<hbm>>) dst(%dma_wait3A_18 : memref<640x128xf32, #tpu.memory_space<vmem_shared>>)
      tpu.yield
    }) : () -> ()
    %barrier3A = arith.constant 0 : index
    tpu.barrier barrier_id(%barrier3A)
    %scan3A = arith.constant 0 : i32
    %scan3A_5 = arith.constant 0 : i32
    %scan3A_6 = arith.constant 25 : i32
    %scan3A_7 = arith.addi %scan3A_5, %scan3A_6 : i32
    %scan3A_8 = arith.constant 1 : i32
    scf.for %scan3A_15 = %scan3A_5 to %scan3A_7 step %scan3A_8  : i32 {
      %mul3A_16 = arith.constant 5000 : i32
      %mul3A_17 = arith.muli %add3A, %mul3A_16 : i32
      %mul3A_18 = arith.constant 200 : i32
      %mul3A_19 = arith.muli %scan3A_15, %mul3A_18 : i32
      %add3A_20 = arith.addi %mul3A_17, %mul3A_19 : i32
      "tpu.region"() ({
        %run_scoped3A = tpu.sem_alloc : memref<!tpu.dma_semaphore, #tpu.memory_space<semaphore_mem>>
        %dma_start3A_25 = tpu.memref_slice %arg3[%add3A_20] : memref<160000xi32, #tpu.memory_space<hbm>> -> memref<200xi32, #tpu.memory_space<hbm>>
        %dma_start3A_26 = tpu.memref_slice %arg3[%add3A_20] : memref<160000xi32, #tpu.memory_space<hbm>> -> memref<200xi32, #tpu.memory_space<hbm>>
        tpu.enqueue_dma source(%dma_start3A_26 : memref<200xi32, #tpu.memory_space<hbm>>) target(%arg7 : memref<200xi32, #tpu.memory_space<vmem>>) target_semaphore(%run_scoped3A : memref<!tpu.dma_semaphore, #tpu.memory_space<semaphore_mem>>)
        %dma_wait3A_27 = tpu.memref_slice %arg3[%add3A_20] : memref<160000xi32, #tpu.memory_space<hbm>> -> memref<200xi32, #tpu.memory_space<hbm>>
        %dma_wait3A_28 = tpu.memref_slice %arg3[%add3A_20] : memref<160000xi32, #tpu.memory_space<hbm>> -> memref<200xi32, #tpu.memory_space<hbm>>
        tpu.wait_dma2 semaphore(%run_scoped3A : memref<!tpu.dma_semaphore, #tpu.memory_space<semaphore_mem>>) src(%dma_wait3A_28 : memref<200xi32, #tpu.memory_space<hbm>>) dst(%arg7 : memref<200xi32, #tpu.memory_space<vmem>>)
        tpu.yield
      }) : () -> ()
      "tpu.region"() ({
        %run_scoped3A = tpu.sem_alloc : memref<!tpu.dma_semaphore, #tpu.memory_space<semaphore_mem>>
        %dma_start3A_25 = tpu.memref_slice %arg4[%add3A_20] : memref<160000xi32, #tpu.memory_space<hbm>> -> memref<200xi32, #tpu.memory_space<hbm>>
        %dma_start3A_26 = tpu.memref_slice %arg4[%add3A_20] : memref<160000xi32, #tpu.memory_space<hbm>> -> memref<200xi32, #tpu.memory_space<hbm>>
        tpu.enqueue_dma source(%dma_start3A_26 : memref<200xi32, #tpu.memory_space<hbm>>) target(%arg8 : memref<200xi32, #tpu.memory_space<vmem>>) target_semaphore(%run_scoped3A : memref<!tpu.dma_semaphore, #tpu.memory_space<semaphore_mem>>)
        %dma_wait3A_27 = tpu.memref_slice %arg4[%add3A_20] : memref<160000xi32, #tpu.memory_space<hbm>> -> memref<200xi32, #tpu.memory_space<hbm>>
        %dma_wait3A_28 = tpu.memref_slice %arg4[%add3A_20] : memref<160000xi32, #tpu.memory_space<hbm>> -> memref<200xi32, #tpu.memory_space<hbm>>
        tpu.wait_dma2 semaphore(%run_scoped3A : memref<!tpu.dma_semaphore, #tpu.memory_space<semaphore_mem>>) src(%dma_wait3A_28 : memref<200xi32, #tpu.memory_space<hbm>>) dst(%arg8 : memref<200xi32, #tpu.memory_space<vmem>>)
        tpu.yield
      }) : () -> ()
      %dma_start3A = arith.constant 0 : i32
      %dma_start3A_21 = arith.constant 0 : i32
      %dma_start3A_22 = tpu.memref_slice %arg2[%dma_start3A, %dma_start3A_21] : memref<10000x128xf32, #tpu.memory_space<hbm>> -> memref<10000x128xf32, #tpu.memory_space<hbm>>
      tpu.enqueue_indirect_dma source(%dma_start3A_22 : memref<10000x128xf32, #tpu.memory_space<hbm>>) target(%arg9 : memref<200x128xf32, #tpu.memory_space<vmem>>) offsets(%arg7 : memref<200xi32, #tpu.memory_space<vmem>>) semaphore(%arg11 : memref<!tpu.dma_semaphore, #tpu.memory_space<semaphore_mem>>)
      %dma_wait3A = arith.constant 0 : i32
      %dma_wait3A_23 = arith.constant 0 : i32
      %dma_wait3A_24 = tpu.memref_slice %arg2[%dma_wait3A, %dma_wait3A_23] : memref<10000x128xf32, #tpu.memory_space<hbm>> -> memref<10000x128xf32, #tpu.memory_space<hbm>>
      tpu.wait_indirect_dma semaphore(%arg11 : memref<!tpu.dma_semaphore, #tpu.memory_space<semaphore_mem>>) src(%dma_wait3A_24 : memref<10000x128xf32, #tpu.memory_space<hbm>>) dst(%arg9 : memref<200x128xf32, #tpu.memory_space<vmem>>)
      "tpu.region"() ({
        %run_scoped3A = tpu.sem_alloc : memref<!tpu.dma_semaphore, #tpu.memory_space<semaphore_mem>>
        %dma_start3A_25 = arith.constant 0 : i32
        %dma_start3A_26 = arith.constant 0 : i32
        %dma_start3A_27 = tpu.memref_slice %arg10[%dma_start3A_25, %dma_start3A_26] : memref<10240x128xf32, #tpu.memory_space<vmem_shared>> -> memref<10240x128xf32, #tpu.memory_space<vmem_shared>>
        tpu.enqueue_indirect_dma source(%arg9 : memref<200x128xf32, #tpu.memory_space<vmem>>) target(%dma_start3A_27 : memref<10240x128xf32, #tpu.memory_space<vmem_shared>>) offsets(%arg8 : memref<200xi32, #tpu.memory_space<vmem>>) semaphore(%run_scoped3A : memref<!tpu.dma_semaphore, #tpu.memory_space<semaphore_mem>>) {add = true}
        %dma_wait3A_28 = arith.constant 0 : i32
        %dma_wait3A_29 = arith.constant 0 : i32
        %dma_wait3A_30 = tpu.memref_slice %arg10[%dma_wait3A_28, %dma_wait3A_29] : memref<10240x128xf32, #tpu.memory_space<vmem_shared>> -> memref<10240x128xf32, #tpu.memory_space<vmem_shared>>
        tpu.wait_indirect_dma semaphore(%run_scoped3A : memref<!tpu.dma_semaphore, #tpu.memory_space<semaphore_mem>>) src(%arg9 : memref<200x128xf32, #tpu.memory_space<vmem>>) dst(%dma_wait3A_30 : memref<10240x128xf32, #tpu.memory_space<vmem_shared>>)
        tpu.yield
      }) : () -> ()
    }
    %scan3A_9 = arith.constant 25 : i32
    %barrier3A_10 = arith.constant 0 : index
    tpu.barrier barrier_id(%barrier3A_10)
    %mul3A_11 = arith.constant 640 : i32
    %mul3A_12 = arith.muli %arg1, %mul3A_11 : i32
    %mul3A_13 = arith.constant 640 : i32
    %mul3A_14 = arith.muli %arg1, %mul3A_13 : i32
    "tpu.region"() ({
      %run_scoped3A = tpu.sem_alloc : memref<!tpu.dma_semaphore, #tpu.memory_space<semaphore_mem>>
      %dma_start3A = arith.constant 0 : i32
      %dma_start3A_15 = tpu.memref_slice %arg6[%arg0, %mul3A_14, %dma_start3A] : memref<2x10240x128xf32, #tpu.memory_space<hbm>> -> memref<1x640x128xf32, #tpu.memory_space<hbm>>
      %dma_start3A_16 = tpu.memref_squeeze %dma_start3A_15 : memref<1x640x128xf32, #tpu.memory_space<hbm>> -> memref<640x128xf32, #tpu.memory_space<hbm>>
      %dma_start3A_17 = arith.constant 0 : i32
      %dma_start3A_18 = tpu.memref_slice %arg10[%mul3A_12, %dma_start3A_17] : memref<10240x128xf32, #tpu.memory_space<vmem_shared>> -> memref<640x128xf32, #tpu.memory_space<vmem_shared>>
      tpu.enqueue_dma source(%dma_start3A_18 : memref<640x128xf32, #tpu.memory_space<vmem_shared>>) target(%dma_start3A_16 : memref<640x128xf32, #tpu.memory_space<hbm>>) target_semaphore(%run_scoped3A : memref<!tpu.dma_semaphore, #tpu.memory_space<semaphore_mem>>)
      %dma_wait3A = arith.constant 0 : i32
      %dma_wait3A_19 = tpu.memref_slice %arg6[%arg0, %mul3A_14, %dma_wait3A] : memref<2x10240x128xf32, #tpu.memory_space<hbm>> -> memref<1x640x128xf32, #tpu.memory_space<hbm>>
      %dma_wait3A_20 = tpu.memref_squeeze %dma_wait3A_19 : memref<1x640x128xf32, #tpu.memory_space<hbm>> -> memref<640x128xf32, #tpu.memory_space<hbm>>
      %dma_wait3A_21 = arith.constant 0 : i32
      %dma_wait3A_22 = tpu.memref_slice %arg10[%mul3A_12, %dma_wait3A_21] : memref<10240x128xf32, #tpu.memory_space<vmem_shared>> -> memref<640x128xf32, #tpu.memory_space<vmem_shared>>
      tpu.wait_dma2 semaphore(%run_scoped3A : memref<!tpu.dma_semaphore, #tpu.memory_space<semaphore_mem>>) src(%dma_wait3A_22 : memref<640x128xf32, #tpu.memory_space<vmem_shared>>) dst(%dma_wait3A_20 : memref<640x128xf32, #tpu.memory_space<hbm>>)
      tpu.yield
    }) : () -> ()
    return
  }
}

#map = affine_map<(d0, d1) -> (0, 0)>
#map1 = affine_map<(d0, d1) -> (0)>
#map2 = affine_map<(d0, d1) -> (0, 0, 0)>
module attributes {stable_mosaic.version = 14 : i64} {
  func.func @k(%arg0: i32, %arg1: i32, %arg2: memref<10000x128xf32, #tpu.memory_space<hbm>>, %arg3: memref<160000xi32, #tpu.memory_space<hbm>>, %arg4: memref<160000xi32, #tpu.memory_space<hbm>>, %arg5: memref<10240x128xf32, #tpu.memory_space<hbm>>, %arg6: memref<2x10240x128xf32, #tpu.memory_space<hbm>>, %arg7: memref<200xi32, #tpu.memory_space<vmem>>, %arg8: memref<200xi32, #tpu.memory_space<vmem>>, %arg9: memref<200x128xf32, #tpu.memory_space<vmem>>, %arg10: memref<10240x128xf32, #tpu.memory_space<vmem_shared>>, %arg11: memref<!tpu.dma_semaphore, #tpu.memory_space<semaphore_mem>>) attributes {dimension_semantics = [#tpu.dimension_semantics<core_parallel>, #tpu.dimension_semantics<subcore_parallel>], iteration_bounds = array<i64: 2, 16>, scalar_prefetch = 0 : i64, scratch_operands = 5 : i64, tpu.core_type = #tpu.core_type<sc_vector_subcore>, window_params = [{transform_indices = #map}, {transform_indices = #map1}, {transform_indices = #map1}, {transform_indices = #map}, {transform_indices = #map2}]} {
    %mul3A = arith.constant 2 : i32
    %mul3A_0 = arith.muli %arg1, %mul3A : i32
    %add3A = arith.addi %mul3A_0, %arg0 : i32
    %mul3A_1 = arith.constant 640 : i32
    %mul3A_2 = arith.muli %arg1, %mul3A_1 : i32
    %mul3A_3 = arith.constant 640 : i32
    %mul3A_4 = arith.muli %arg1, %mul3A_3 : i32
    "tpu.region"() ({
      %run_scoped3A = tpu.sem_alloc : memref<!tpu.dma_semaphore, #tpu.memory_space<semaphore_mem>>
      %dma_start3A = arith.constant 0 : i32
      %dma_start3A_15 = tpu.memref_slice %arg10[%mul3A_4, %dma_start3A] : memref<10240x128xf32, #tpu.memory_space<vmem_shared>> -> memref<640x128xf32, #tpu.memory_space<vmem_shared>>
      %dma_start3A_16 = arith.constant 0 : i32
      %dma_start3A_17 = tpu.memref_slice %arg5[%mul3A_2, %dma_start3A_16] : memref<10240x128xf32, #tpu.memory_space<hbm>> -> memref<640x128xf32, #tpu.memory_space<hbm>>
      tpu.enqueue_dma source(%dma_start3A_17 : memref<640x128xf32, #tpu.memory_space<hbm>>) target(%dma_start3A_15 : memref<640x128xf32, #tpu.memory_space<vmem_shared>>) target_semaphore(%run_scoped3A : memref<!tpu.dma_semaphore, #tpu.memory_space<semaphore_mem>>)
      %dma_wait3A = arith.constant 0 : i32
      %dma_wait3A_18 = tpu.memref_slice %arg10[%mul3A_4, %dma_wait3A] : memref<10240x128xf32, #tpu.memory_space<vmem_shared>> -> memref<640x128xf32, #tpu.memory_space<vmem_shared>>
      %dma_wait3A_19 = arith.constant 0 : i32
      %dma_wait3A_20 = tpu.memref_slice %arg5[%mul3A_2, %dma_wait3A_19] : memref<10240x128xf32, #tpu.memory_space<hbm>> -> memref<640x128xf32, #tpu.memory_space<hbm>>
      tpu.wait_dma2 semaphore(%run_scoped3A : memref<!tpu.dma_semaphore, #tpu.memory_space<semaphore_mem>>) src(%dma_wait3A_20 : memref<640x128xf32, #tpu.memory_space<hbm>>) dst(%dma_wait3A_18 : memref<640x128xf32, #tpu.memory_space<vmem_shared>>)
      tpu.yield
    }) : () -> ()
    %barrier3A = arith.constant 0 : index
    tpu.barrier barrier_id(%barrier3A)
    %scan3A = arith.constant 0 : i32
    %scan3A_5 = arith.constant 0 : i32
    %scan3A_6 = arith.constant 25 : i32
    %scan3A_7 = arith.addi %scan3A_5, %scan3A_6 : i32
    %scan3A_8 = arith.constant 1 : i32
    scf.for %scan3A_15 = %scan3A_5 to %scan3A_7 step %scan3A_8  : i32 {
      %mul3A_16 = arith.constant 5000 : i32
      %mul3A_17 = arith.muli %add3A, %mul3A_16 : i32
      %mul3A_18 = arith.constant 200 : i32
      %mul3A_19 = arith.muli %scan3A_15, %mul3A_18 : i32
      %add3A_20 = arith.addi %mul3A_17, %mul3A_19 : i32
      "tpu.region"() ({
        %run_scoped3A = tpu.sem_alloc : memref<!tpu.dma_semaphore, #tpu.memory_space<semaphore_mem>>
        %dma_start3A_25 = tpu.memref_slice %arg3[%add3A_20] : memref<160000xi32, #tpu.memory_space<hbm>> -> memref<200xi32, #tpu.memory_space<hbm>>
        %dma_start3A_26 = tpu.memref_slice %arg3[%add3A_20] : memref<160000xi32, #tpu.memory_space<hbm>> -> memref<200xi32, #tpu.memory_space<hbm>>
        tpu.enqueue_dma source(%dma_start3A_26 : memref<200xi32, #tpu.memory_space<hbm>>) target(%arg7 : memref<200xi32, #tpu.memory_space<vmem>>) target_semaphore(%run_scoped3A : memref<!tpu.dma_semaphore, #tpu.memory_space<semaphore_mem>>)
        %dma_wait3A_27 = tpu.memref_slice %arg3[%add3A_20] : memref<160000xi32, #tpu.memory_space<hbm>> -> memref<200xi32, #tpu.memory_space<hbm>>
        %dma_wait3A_28 = tpu.memref_slice %arg3[%add3A_20] : memref<160000xi32, #tpu.memory_space<hbm>> -> memref<200xi32, #tpu.memory_space<hbm>>
        tpu.wait_dma2 semaphore(%run_scoped3A : memref<!tpu.dma_semaphore, #tpu.memory_space<semaphore_mem>>) src(%dma_wait3A_28 : memref<200xi32, #tpu.memory_space<hbm>>) dst(%arg7 : memref<200xi32, #tpu.memory_space<vmem>>)
        tpu.yield
      }) : () -> ()
      "tpu.region"() ({
        %run_scoped3A = tpu.sem_alloc : memref<!tpu.dma_semaphore, #tpu.memory_space<semaphore_mem>>
        %dma_start3A_25 = tpu.memref_slice %arg4[%add3A_20] : memref<160000xi32, #tpu.memory_space<hbm>> -> memref<200xi32, #tpu.memory_space<hbm>>
        %dma_start3A_26 = tpu.memref_slice %arg4[%add3A_20] : memref<160000xi32, #tpu.memory_space<hbm>> -> memref<200xi32, #tpu.memory_space<hbm>>
        tpu.enqueue_dma source(%dma_start3A_26 : memref<200xi32, #tpu.memory_space<hbm>>) target(%arg8 : memref<200xi32, #tpu.memory_space<vmem>>) target_semaphore(%run_scoped3A : memref<!tpu.dma_semaphore, #tpu.memory_space<semaphore_mem>>)
        %dma_wait3A_27 = tpu.memref_slice %arg4[%add3A_20] : memref<160000xi32, #tpu.memory_space<hbm>> -> memref<200xi32, #tpu.memory_space<hbm>>
        %dma_wait3A_28 = tpu.memref_slice %arg4[%add3A_20] : memref<160000xi32, #tpu.memory_space<hbm>> -> memref<200xi32, #tpu.memory_space<hbm>>
        tpu.wait_dma2 semaphore(%run_scoped3A : memref<!tpu.dma_semaphore, #tpu.memory_space<semaphore_mem>>) src(%dma_wait3A_28 : memref<200xi32, #tpu.memory_space<hbm>>) dst(%arg8 : memref<200xi32, #tpu.memory_space<vmem>>)
        tpu.yield
      }) : () -> ()
      %dma_start3A = arith.constant 0 : i32
      %dma_start3A_21 = arith.constant 0 : i32
      %dma_start3A_22 = tpu.memref_slice %arg2[%dma_start3A, %dma_start3A_21] : memref<10000x128xf32, #tpu.memory_space<hbm>> -> memref<10000x128xf32, #tpu.memory_space<hbm>>
      tpu.enqueue_indirect_dma source(%dma_start3A_22 : memref<10000x128xf32, #tpu.memory_space<hbm>>) target(%arg9 : memref<200x128xf32, #tpu.memory_space<vmem>>) offsets(%arg7 : memref<200xi32, #tpu.memory_space<vmem>>) semaphore(%arg11 : memref<!tpu.dma_semaphore, #tpu.memory_space<semaphore_mem>>)
      %dma_wait3A = arith.constant 0 : i32
      %dma_wait3A_23 = arith.constant 0 : i32
      %dma_wait3A_24 = tpu.memref_slice %arg2[%dma_wait3A, %dma_wait3A_23] : memref<10000x128xf32, #tpu.memory_space<hbm>> -> memref<10000x128xf32, #tpu.memory_space<hbm>>
      tpu.wait_indirect_dma semaphore(%arg11 : memref<!tpu.dma_semaphore, #tpu.memory_space<semaphore_mem>>) src(%dma_wait3A_24 : memref<10000x128xf32, #tpu.memory_space<hbm>>) dst(%arg9 : memref<200x128xf32, #tpu.memory_space<vmem>>)
      "tpu.region"() ({
        %run_scoped3A = tpu.sem_alloc : memref<!tpu.dma_semaphore, #tpu.memory_space<semaphore_mem>>
        %dma_start3A_25 = arith.constant 0 : i32
        %dma_start3A_26 = arith.constant 0 : i32
        %dma_start3A_27 = tpu.memref_slice %arg10[%dma_start3A_25, %dma_start3A_26] : memref<10240x128xf32, #tpu.memory_space<vmem_shared>> -> memref<10240x128xf32, #tpu.memory_space<vmem_shared>>
        tpu.enqueue_indirect_dma source(%arg9 : memref<200x128xf32, #tpu.memory_space<vmem>>) target(%dma_start3A_27 : memref<10240x128xf32, #tpu.memory_space<vmem_shared>>) offsets(%arg8 : memref<200xi32, #tpu.memory_space<vmem>>) semaphore(%run_scoped3A : memref<!tpu.dma_semaphore, #tpu.memory_space<semaphore_mem>>) {add = true}
        %dma_wait3A_28 = arith.constant 0 : i32
        %dma_wait3A_29 = arith.constant 0 : i32
        %dma_wait3A_30 = tpu.memref_slice %arg10[%dma_wait3A_28, %dma_wait3A_29] : memref<10240x128xf32, #tpu.memory_space<vmem_shared>> -> memref<10240x128xf32, #tpu.memory_space<vmem_shared>>
        tpu.wait_indirect_dma semaphore(%run_scoped3A : memref<!tpu.dma_semaphore, #tpu.memory_space<semaphore_mem>>) src(%arg9 : memref<200x128xf32, #tpu.memory_space<vmem>>) dst(%dma_wait3A_30 : memref<10240x128xf32, #tpu.memory_space<vmem_shared>>)
        tpu.yield
      }) : () -> ()
    }
    %scan3A_9 = arith.constant 25 : i32
    %barrier3A_10 = arith.constant 0 : index
    tpu.barrier barrier_id(%barrier3A_10)
    %mul3A_11 = arith.constant 640 : i32
    %mul3A_12 = arith.muli %arg1, %mul3A_11 : i32
    %mul3A_13 = arith.constant 640 : i32
    %mul3A_14 = arith.muli %arg1, %mul3A_13 : i32
    "tpu.region"() ({
      %run_scoped3A = tpu.sem_alloc : memref<!tpu.dma_semaphore, #tpu.memory_space<semaphore_mem>>
      %dma_start3A = arith.constant 0 : i32
      %dma_start3A_15 = tpu.memref_slice %arg6[%arg0, %mul3A_14, %dma_start3A] : memref<2x10240x128xf32, #tpu.memory_space<hbm>> -> memref<1x640x128xf32, #tpu.memory_space<hbm>>
      %dma_start3A_16 = tpu.memref_squeeze %dma_start3A_15 : memref<1x640x128xf32, #tpu.memory_space<hbm>> -> memref<640x128xf32, #tpu.memory_space<hbm>>
      %dma_start3A_17 = arith.constant 0 : i32
      %dma_start3A_18 = tpu.memref_slice %arg10[%mul3A_12, %dma_start3A_17] : memref<10240x128xf32, #tpu.memory_space<vmem_shared>> -> memref<640x128xf32, #tpu.memory_space<vmem_shared>>
      tpu.enqueue_dma source(%dma_start3A_18 : memref<640x128xf32, #tpu.memory_space<vmem_shared>>) target(%dma_start3A_16 : memref<640x128xf32, #tpu.memory_space<hbm>>) target_semaphore(%run_scoped3A : memref<!tpu.dma_semaphore, #tpu.memory_space<semaphore_mem>>)
      %dma_wait3A = arith.constant 0 : i32
      %dma_wait3A_19 = tpu.memref_slice %arg6[%arg0, %mul3A_14, %dma_wait3A] : memref<2x10240x128xf32, #tpu.memory_space<hbm>> -> memref<1x640x128xf32, #tpu.memory_space<hbm>>
      %dma_wait3A_20 = tpu.memref_squeeze %dma_wait3A_19 : memref<1x640x128xf32, #tpu.memory_space<hbm>> -> memref<640x128xf32, #tpu.memory_space<hbm>>
      %dma_wait3A_21 = arith.constant 0 : i32
      %dma_wait3A_22 = tpu.memref_slice %arg10[%mul3A_12, %dma_wait3A_21] : memref<10240x128xf32, #tpu.memory_space<vmem_shared>> -> memref<640x128xf32, #tpu.memory_space<vmem_shared>>
      tpu.wait_dma2 semaphore(%run_scoped3A : memref<!tpu.dma_semaphore, #tpu.memory_space<semaphore_mem>>) src(%dma_wait3A_22 : memref<640x128xf32, #tpu.memory_space<vmem_shared>>) dst(%dma_wait3A_20 : memref<640x128xf32, #tpu.memory_space<hbm>>)
      tpu.yield
    }) : () -> ()
    return
  }
}

module attributes {stable_mosaic.version = 14 : i64} {
  func.func @_knn_body(%arg0: i32, %arg1: i32, %arg2: memref<2000x128xf32, #tpu.memory_space<vmem>>, %arg3: memref<128x2048xf32, #tpu.memory_space<vmem>>, %arg4: memref<2000x8xf32, #tpu.memory_space<vmem>>, %arg5: memref<2000x8xf32, #tpu.memory_space<vmem>>) attributes {dimension_semantics = [#tpu.dimension_semantics<parallel>, #tpu.dimension_semantics<arbitrary>], iteration_bounds = array<i64: 5, 25>, scalar_prefetch = 0 : i64, scratch_operands = 0 : i64, tpu.core_type = #tpu.core_type<tc>, window_params = [{transform_indices = @transform_0, window_bounds = array<i64: 2000, 128>}, {transform_indices = @transform_1, window_bounds = array<i64: 128, 2048>}, {transform_indices = @transform_2, window_bounds = array<i64: 2000, 8>}, {transform_indices = @transform_3, window_bounds = array<i64: 2000, 8>}]} {
    %get3A = arith.constant 0 : index
    %get3A_0 = arith.constant 0 : index
    %get3A_1 = vector.load %arg2[%get3A, %get3A_0] : memref<2000x128xf32, #tpu.memory_space<vmem>>, vector<2000x128xf32>
    %get3A_2 = arith.constant 0 : index
    %get3A_3 = arith.constant 0 : index
    %get3A_4 = vector.load %arg3[%get3A_2, %get3A_3] : memref<128x2048xf32, #tpu.memory_space<vmem>>, vector<128x2048xf32>
    %dot_general3A = arith.constant dense<0.000000e+00> : vector<2000x2048xf32>
    %dot_general3A_5 = tpu.matmul %get3A_1, %get3A_4, %dot_general3A {dimension_numbers = #tpu.dot_dimension_numbers<[1], [0], [0], [1], [0, 0, 1, 1], [], []>, transpose_lhs_hint = false} : vector<2000x128xf32>, vector<128x2048xf32>, vector<2000x2048xf32> -> vector<2000x2048xf32>
    %slice3A = vector.extract_strided_slice %dot_general3A_5 {offsets = [0, 0], sizes = [2000, 128], strides = [1, 1]} : vector<2000x2048xf32> to vector<2000x128xf32>
    %slice3A_6 = vector.extract_strided_slice %dot_general3A_5 {offsets = [0, 128], sizes = [2000, 128], strides = [1, 1]} : vector<2000x2048xf32> to vector<2000x128xf32>
    %slice3A_7 = vector.extract_strided_slice %dot_general3A_5 {offsets = [0, 256], sizes = [2000, 128], strides = [1, 1]} : vector<2000x2048xf32> to vector<2000x128xf32>
    %slice3A_8 = vector.extract_strided_slice %dot_general3A_5 {offsets = [0, 384], sizes = [2000, 128], strides = [1, 1]} : vector<2000x2048xf32> to vector<2000x128xf32>
    %slice3A_9 = vector.extract_strided_slice %dot_general3A_5 {offsets = [0, 512], sizes = [2000, 128], strides = [1, 1]} : vector<2000x2048xf32> to vector<2000x128xf32>
    %slice3A_10 = vector.extract_strided_slice %dot_general3A_5 {offsets = [0, 640], sizes = [2000, 128], strides = [1, 1]} : vector<2000x2048xf32> to vector<2000x128xf32>
    %slice3A_11 = vector.extract_strided_slice %dot_general3A_5 {offsets = [0, 768], sizes = [2000, 128], strides = [1, 1]} : vector<2000x2048xf32> to vector<2000x128xf32>
    %slice3A_12 = vector.extract_strided_slice %dot_general3A_5 {offsets = [0, 896], sizes = [2000, 128], strides = [1, 1]} : vector<2000x2048xf32> to vector<2000x128xf32>
    %slice3A_13 = vector.extract_strided_slice %dot_general3A_5 {offsets = [0, 1024], sizes = [2000, 128], strides = [1, 1]} : vector<2000x2048xf32> to vector<2000x128xf32>
    %slice3A_14 = vector.extract_strided_slice %dot_general3A_5 {offsets = [0, 1152], sizes = [2000, 128], strides = [1, 1]} : vector<2000x2048xf32> to vector<2000x128xf32>
    %slice3A_15 = vector.extract_strided_slice %dot_general3A_5 {offsets = [0, 1280], sizes = [2000, 128], strides = [1, 1]} : vector<2000x2048xf32> to vector<2000x128xf32>
    %slice3A_16 = vector.extract_strided_slice %dot_general3A_5 {offsets = [0, 1408], sizes = [2000, 128], strides = [1, 1]} : vector<2000x2048xf32> to vector<2000x128xf32>
    %slice3A_17 = vector.extract_strided_slice %dot_general3A_5 {offsets = [0, 1536], sizes = [2000, 128], strides = [1, 1]} : vector<2000x2048xf32> to vector<2000x128xf32>
    %slice3A_18 = vector.extract_strided_slice %dot_general3A_5 {offsets = [0, 1664], sizes = [2000, 128], strides = [1, 1]} : vector<2000x2048xf32> to vector<2000x128xf32>
    %slice3A_19 = vector.extract_strided_slice %dot_general3A_5 {offsets = [0, 1792], sizes = [2000, 128], strides = [1, 1]} : vector<2000x2048xf32> to vector<2000x128xf32>
    %slice3A_20 = vector.extract_strided_slice %dot_general3A_5 {offsets = [0, 1920], sizes = [2000, 128], strides = [1, 1]} : vector<2000x2048xf32> to vector<2000x128xf32>
    %max3A = arith.maximumf %slice3A, %slice3A_6 : vector<2000x128xf32>
    %max3A_21 = arith.maximumf %max3A, %slice3A_7 : vector<2000x128xf32>
    %max3A_22 = arith.maximumf %max3A_21, %slice3A_8 : vector<2000x128xf32>
    %max3A_23 = arith.maximumf %max3A_22, %slice3A_9 : vector<2000x128xf32>
    %max3A_24 = arith.maximumf %max3A_23, %slice3A_10 : vector<2000x128xf32>
    %max3A_25 = arith.maximumf %max3A_24, %slice3A_11 : vector<2000x128xf32>
    %max3A_26 = arith.maximumf %max3A_25, %slice3A_12 : vector<2000x128xf32>
    %max3A_27 = arith.maximumf %max3A_26, %slice3A_13 : vector<2000x128xf32>
    %max3A_28 = arith.maximumf %max3A_27, %slice3A_14 : vector<2000x128xf32>
    %max3A_29 = arith.maximumf %max3A_28, %slice3A_15 : vector<2000x128xf32>
    %max3A_30 = arith.maximumf %max3A_29, %slice3A_16 : vector<2000x128xf32>
    %max3A_31 = arith.maximumf %max3A_30, %slice3A_17 : vector<2000x128xf32>
    %max3A_32 = arith.maximumf %max3A_31, %slice3A_18 : vector<2000x128xf32>
    %max3A_33 = arith.maximumf %max3A_32, %slice3A_19 : vector<2000x128xf32>
    %max3A_34 = arith.maximumf %max3A_33, %slice3A_20 : vector<2000x128xf32>
    %iota3A = tpu.iota {dimensions = array<i32: 1>} : vector<2000x128xi32>
    %sub3A = arith.constant 128 : i32
    %sub3A_35 = vector.broadcast %sub3A : i32 to vector<2000x128xi32>
    %sub3A_36 = arith.subi %sub3A_35, %iota3A : vector<2000x128xi32>
    %shift_left3A = arith.constant 23 : i32
    %shift_left3A_37 = vector.broadcast %shift_left3A : i32 to vector<2000x128xi32>
    %shift_left3A_38 = arith.shli %sub3A_36, %shift_left3A_37 : vector<2000x128xi32>
    %bitcast_convert_type3A = tpu.bitcast %shift_left3A_38 : vector<2000x128xi32> -> vector<2000x128xf32>
    %reduce_max3A = arith.constant dense<0xFF800000> : vector<2000xf32>
    %reduce_max3A_39 = vector.multi_reduction <maximumf>, %max3A_34, %reduce_max3A [1] : vector<2000x128xf32> to vector<2000xf32>
    %broadcast_in_dim3A = vector.shape_cast %reduce_max3A_39 : vector<2000xf32> to vector<2000x1xf32>
    %eq3A = vector.broadcast %broadcast_in_dim3A : vector<2000x1xf32> to vector<2000x128xf32>
    %eq3A_40 = arith.cmpf oeq, %max3A_34, %eq3A : vector<2000x128xf32>
    %jit3A = arith.constant 0.000000e+00 : f32
    %broadcast_in_dim3A_41 = vector.broadcast %jit3A : f32 to vector<2000x128xf32>
    %select_n3A = arith.select %eq3A_40, %bitcast_convert_type3A, %broadcast_in_dim3A_41 : vector<2000x128xi1>, vector<2000x128xf32>
    %reduce_max3A_42 = arith.constant dense<0xFF800000> : vector<2000xf32>
    %reduce_max3A_43 = vector.multi_reduction <maximumf>, %select_n3A, %reduce_max3A_42 [1] : vector<2000x128xf32> to vector<2000xf32>
    %broadcast_in_dim3A_44 = vector.shape_cast %reduce_max3A_43 : vector<2000xf32> to vector<2000x1xf32>
    %eq3A_45 = vector.broadcast %broadcast_in_dim3A_44 : vector<2000x1xf32> to vector<2000x128xf32>
    %eq3A_46 = arith.cmpf oeq, %bitcast_convert_type3A, %eq3A_45 : vector<2000x128xf32>
    %jit3A_47 = arith.constant 0xFF800000 : f32
    %broadcast_in_dim3A_48 = vector.broadcast %jit3A_47 : f32 to vector<2000x128xf32>
    %select_n3A_49 = arith.select %eq3A_46, %broadcast_in_dim3A_48, %max3A_34 : vector<2000x128xi1>, vector<2000x128xf32>
    %reduce_max3A_50 = arith.constant dense<0xFF800000> : vector<2000xf32>
    %reduce_max3A_51 = vector.multi_reduction <maximumf>, %select_n3A_49, %reduce_max3A_50 [1] : vector<2000x128xf32> to vector<2000xf32>
    %broadcast_in_dim3A_52 = vector.shape_cast %reduce_max3A_51 : vector<2000xf32> to vector<2000x1xf32>
    %eq3A_53 = vector.broadcast %broadcast_in_dim3A_52 : vector<2000x1xf32> to vector<2000x128xf32>
    %eq3A_54 = arith.cmpf oeq, %select_n3A_49, %eq3A_53 : vector<2000x128xf32>
    %jit3A_55 = arith.constant 0.000000e+00 : f32
    %broadcast_in_dim3A_56 = vector.broadcast %jit3A_55 : f32 to vector<2000x128xf32>
    %select_n3A_57 = arith.select %eq3A_54, %bitcast_convert_type3A, %broadcast_in_dim3A_56 : vector<2000x128xi1>, vector<2000x128xf32>
    %reduce_max3A_58 = arith.constant dense<0xFF800000> : vector<2000xf32>
    %reduce_max3A_59 = vector.multi_reduction <maximumf>, %select_n3A_57, %reduce_max3A_58 [1] : vector<2000x128xf32> to vector<2000xf32>
    %broadcast_in_dim3A_60 = vector.shape_cast %reduce_max3A_59 : vector<2000xf32> to vector<2000x1xf32>
    %eq3A_61 = vector.broadcast %broadcast_in_dim3A_60 : vector<2000x1xf32> to vector<2000x128xf32>
    %eq3A_62 = arith.cmpf oeq, %bitcast_convert_type3A, %eq3A_61 : vector<2000x128xf32>
    %jit3A_63 = arith.constant 0xFF800000 : f32
    %broadcast_in_dim3A_64 = vector.broadcast %jit3A_63 : f32 to vector<2000x128xf32>
    %select_n3A_65 = arith.select %eq3A_62, %broadcast_in_dim3A_64, %select_n3A_49 : vector<2000x128xi1>, vector<2000x128xf32>
    %reduce_max3A_66 = arith.constant dense<0xFF800000> : vector<2000xf32>
    %reduce_max3A_67 = vector.multi_reduction <maximumf>, %select_n3A_65, %reduce_max3A_66 [1] : vector<2000x128xf32> to vector<2000xf32>
    %broadcast_in_dim3A_68 = vector.shape_cast %reduce_max3A_67 : vector<2000xf32> to vector<2000x1xf32>
    %eq3A_69 = vector.broadcast %broadcast_in_dim3A_68 : vector<2000x1xf32> to vector<2000x128xf32>
    %eq3A_70 = arith.cmpf oeq, %select_n3A_65, %eq3A_69 : vector<2000x128xf32>
    %jit3A_71 = arith.constant 0.000000e+00 : f32
    %broadcast_in_dim3A_72 = vector.broadcast %jit3A_71 : f32 to vector<2000x128xf32>
    %select_n3A_73 = arith.select %eq3A_70, %bitcast_convert_type3A, %broadcast_in_dim3A_72 : vector<2000x128xi1>, vector<2000x128xf32>
    %reduce_max3A_74 = arith.constant dense<0xFF800000> : vector<2000xf32>
    %reduce_max3A_75 = vector.multi_reduction <maximumf>, %select_n3A_73, %reduce_max3A_74 [1] : vector<2000x128xf32> to vector<2000xf32>
    %broadcast_in_dim3A_76 = vector.shape_cast %reduce_max3A_75 : vector<2000xf32> to vector<2000x1xf32>
    %eq3A_77 = vector.broadcast %broadcast_in_dim3A_76 : vector<2000x1xf32> to vector<2000x128xf32>
    %eq3A_78 = arith.cmpf oeq, %bitcast_convert_type3A, %eq3A_77 : vector<2000x128xf32>
    %jit3A_79 = arith.constant 0xFF800000 : f32
    %broadcast_in_dim3A_80 = vector.broadcast %jit3A_79 : f32 to vector<2000x128xf32>
    %select_n3A_81 = arith.select %eq3A_78, %broadcast_in_dim3A_80, %select_n3A_65 : vector<2000x128xi1>, vector<2000x128xf32>
    %reduce_max3A_82 = arith.constant dense<0xFF800000> : vector<2000xf32>
    %reduce_max3A_83 = vector.multi_reduction <maximumf>, %select_n3A_81, %reduce_max3A_82 [1] : vector<2000x128xf32> to vector<2000xf32>
    %broadcast_in_dim3A_84 = vector.shape_cast %reduce_max3A_83 : vector<2000xf32> to vector<2000x1xf32>
    %eq3A_85 = vector.broadcast %broadcast_in_dim3A_84 : vector<2000x1xf32> to vector<2000x128xf32>
    %eq3A_86 = arith.cmpf oeq, %select_n3A_81, %eq3A_85 : vector<2000x128xf32>
    %jit3A_87 = arith.constant 0.000000e+00 : f32
    %broadcast_in_dim3A_88 = vector.broadcast %jit3A_87 : f32 to vector<2000x128xf32>
    %select_n3A_89 = arith.select %eq3A_86, %bitcast_convert_type3A, %broadcast_in_dim3A_88 : vector<2000x128xi1>, vector<2000x128xf32>
    %reduce_max3A_90 = arith.constant dense<0xFF800000> : vector<2000xf32>
    %reduce_max3A_91 = vector.multi_reduction <maximumf>, %select_n3A_89, %reduce_max3A_90 [1] : vector<2000x128xf32> to vector<2000xf32>
    %broadcast_in_dim3A_92 = vector.shape_cast %reduce_max3A_91 : vector<2000xf32> to vector<2000x1xf32>
    %eq3A_93 = vector.broadcast %broadcast_in_dim3A_92 : vector<2000x1xf32> to vector<2000x128xf32>
    %eq3A_94 = arith.cmpf oeq, %bitcast_convert_type3A, %eq3A_93 : vector<2000x128xf32>
    %jit3A_95 = arith.constant 0xFF800000 : f32
    %broadcast_in_dim3A_96 = vector.broadcast %jit3A_95 : f32 to vector<2000x128xf32>
    %select_n3A_97 = arith.select %eq3A_94, %broadcast_in_dim3A_96, %select_n3A_81 : vector<2000x128xi1>, vector<2000x128xf32>
    %reduce_max3A_98 = arith.constant dense<0xFF800000> : vector<2000xf32>
    %reduce_max3A_99 = vector.multi_reduction <maximumf>, %select_n3A_97, %reduce_max3A_98 [1] : vector<2000x128xf32> to vector<2000xf32>
    %broadcast_in_dim3A_100 = vector.shape_cast %reduce_max3A_99 : vector<2000xf32> to vector<2000x1xf32>
    %eq3A_101 = vector.broadcast %broadcast_in_dim3A_100 : vector<2000x1xf32> to vector<2000x128xf32>
    %eq3A_102 = arith.cmpf oeq, %select_n3A_97, %eq3A_101 : vector<2000x128xf32>
    %jit3A_103 = arith.constant 0.000000e+00 : f32
    %broadcast_in_dim3A_104 = vector.broadcast %jit3A_103 : f32 to vector<2000x128xf32>
    %select_n3A_105 = arith.select %eq3A_102, %bitcast_convert_type3A, %broadcast_in_dim3A_104 : vector<2000x128xi1>, vector<2000x128xf32>
    %reduce_max3A_106 = arith.constant dense<0xFF800000> : vector<2000xf32>
    %reduce_max3A_107 = vector.multi_reduction <maximumf>, %select_n3A_105, %reduce_max3A_106 [1] : vector<2000x128xf32> to vector<2000xf32>
    %broadcast_in_dim3A_108 = vector.shape_cast %reduce_max3A_107 : vector<2000xf32> to vector<2000x1xf32>
    %eq3A_109 = vector.broadcast %broadcast_in_dim3A_108 : vector<2000x1xf32> to vector<2000x128xf32>
    %eq3A_110 = arith.cmpf oeq, %bitcast_convert_type3A, %eq3A_109 : vector<2000x128xf32>
    %jit3A_111 = arith.constant 0xFF800000 : f32
    %broadcast_in_dim3A_112 = vector.broadcast %jit3A_111 : f32 to vector<2000x128xf32>
    %select_n3A_113 = arith.select %eq3A_110, %broadcast_in_dim3A_112, %select_n3A_97 : vector<2000x128xi1>, vector<2000x128xf32>
    %reduce_max3A_114 = arith.constant dense<0xFF800000> : vector<2000xf32>
    %reduce_max3A_115 = vector.multi_reduction <maximumf>, %select_n3A_113, %reduce_max3A_114 [1] : vector<2000x128xf32> to vector<2000xf32>
    %broadcast_in_dim3A_116 = vector.shape_cast %reduce_max3A_115 : vector<2000xf32> to vector<2000x1xf32>
    %eq3A_117 = vector.broadcast %broadcast_in_dim3A_116 : vector<2000x1xf32> to vector<2000x128xf32>
    %eq3A_118 = arith.cmpf oeq, %select_n3A_113, %eq3A_117 : vector<2000x128xf32>
    %jit3A_119 = arith.constant 0.000000e+00 : f32
    %broadcast_in_dim3A_120 = vector.broadcast %jit3A_119 : f32 to vector<2000x128xf32>
    %select_n3A_121 = arith.select %eq3A_118, %bitcast_convert_type3A, %broadcast_in_dim3A_120 : vector<2000x128xi1>, vector<2000x128xf32>
    %reduce_max3A_122 = arith.constant dense<0xFF800000> : vector<2000xf32>
    %reduce_max3A_123 = vector.multi_reduction <maximumf>, %select_n3A_121, %reduce_max3A_122 [1] : vector<2000x128xf32> to vector<2000xf32>
    %broadcast_in_dim3A_124 = vector.shape_cast %reduce_max3A_123 : vector<2000xf32> to vector<2000x1xf32>
    %eq3A_125 = vector.broadcast %broadcast_in_dim3A_124 : vector<2000x1xf32> to vector<2000x128xf32>
    %eq3A_126 = arith.cmpf oeq, %bitcast_convert_type3A, %eq3A_125 : vector<2000x128xf32>
    %jit3A_127 = arith.constant 0xFF800000 : f32
    %broadcast_in_dim3A_128 = vector.broadcast %jit3A_127 : f32 to vector<2000x128xf32>
    %select_n3A_129 = arith.select %eq3A_126, %broadcast_in_dim3A_128, %select_n3A_113 : vector<2000x128xi1>, vector<2000x128xf32>
    %reduce_max3A_130 = arith.constant dense<0xFF800000> : vector<2000xf32>
    %reduce_max3A_131 = vector.multi_reduction <maximumf>, %select_n3A_129, %reduce_max3A_130 [1] : vector<2000x128xf32> to vector<2000xf32>
    %broadcast_in_dim3A_132 = vector.shape_cast %reduce_max3A_131 : vector<2000xf32> to vector<2000x1xf32>
    %eq3A_133 = vector.broadcast %broadcast_in_dim3A_132 : vector<2000x1xf32> to vector<2000x128xf32>
    %eq3A_134 = arith.cmpf oeq, %select_n3A_129, %eq3A_133 : vector<2000x128xf32>
    %jit3A_135 = arith.constant 0.000000e+00 : f32
    %broadcast_in_dim3A_136 = vector.broadcast %jit3A_135 : f32 to vector<2000x128xf32>
    %select_n3A_137 = arith.select %eq3A_134, %bitcast_convert_type3A, %broadcast_in_dim3A_136 : vector<2000x128xi1>, vector<2000x128xf32>
    %reduce_max3A_138 = arith.constant dense<0xFF800000> : vector<2000xf32>
    %reduce_max3A_139 = vector.multi_reduction <maximumf>, %select_n3A_137, %reduce_max3A_138 [1] : vector<2000x128xf32> to vector<2000xf32>
    %broadcast_in_dim3A_140 = vector.shape_cast %reduce_max3A_139 : vector<2000xf32> to vector<2000x1xf32>
    %eq3A_141 = vector.broadcast %broadcast_in_dim3A_140 : vector<2000x1xf32> to vector<2000x128xf32>
    %eq3A_142 = arith.cmpf oeq, %bitcast_convert_type3A, %eq3A_141 : vector<2000x128xf32>
    %jit3A_143 = arith.constant 0xFF800000 : f32
    %broadcast_in_dim3A_144 = vector.broadcast %jit3A_143 : f32 to vector<2000x128xf32>
    %select_n3A_145 = arith.select %eq3A_142, %broadcast_in_dim3A_144, %select_n3A_129 : vector<2000x128xi1>, vector<2000x128xf32>
    %reduce_max3A_146 = arith.constant dense<0xFF800000> : vector<2000xf32>
    %reduce_max3A_147 = vector.multi_reduction <maximumf>, %select_n3A_145, %reduce_max3A_146 [1] : vector<2000x128xf32> to vector<2000xf32>
    %broadcast_in_dim3A_148 = vector.shape_cast %reduce_max3A_147 : vector<2000xf32> to vector<2000x1xf32>
    %eq3A_149 = vector.broadcast %broadcast_in_dim3A_148 : vector<2000x1xf32> to vector<2000x128xf32>
    %eq3A_150 = arith.cmpf oeq, %select_n3A_145, %eq3A_149 : vector<2000x128xf32>
    %jit3A_151 = arith.constant 0.000000e+00 : f32
    %broadcast_in_dim3A_152 = vector.broadcast %jit3A_151 : f32 to vector<2000x128xf32>
    %select_n3A_153 = arith.select %eq3A_150, %bitcast_convert_type3A, %broadcast_in_dim3A_152 : vector<2000x128xi1>, vector<2000x128xf32>
    %reduce_max3A_154 = arith.constant dense<0xFF800000> : vector<2000xf32>
    %reduce_max3A_155 = vector.multi_reduction <maximumf>, %select_n3A_153, %reduce_max3A_154 [1] : vector<2000x128xf32> to vector<2000xf32>
    %broadcast_in_dim3A_156 = vector.shape_cast %reduce_max3A_155 : vector<2000xf32> to vector<2000x1xf32>
    %concatenate3A = tpu.concatenate %broadcast_in_dim3A_44, %broadcast_in_dim3A_60, %broadcast_in_dim3A_76, %broadcast_in_dim3A_92, %broadcast_in_dim3A_108, %broadcast_in_dim3A_124, %broadcast_in_dim3A_140, %broadcast_in_dim3A_156 in 1 : vector<2000x1xf32>, vector<2000x1xf32>, vector<2000x1xf32>, vector<2000x1xf32>, vector<2000x1xf32>, vector<2000x1xf32>, vector<2000x1xf32>, vector<2000x1xf32> -> vector<2000x8xf32>
    %bitcast_convert_type3A_157 = tpu.bitcast %concatenate3A : vector<2000x8xf32> -> vector<2000x8xi32>
    %shift_right_arithmetic3A = arith.constant 23 : i32
    %shift_right_arithmetic3A_158 = vector.broadcast %shift_right_arithmetic3A : i32 to vector<2000x8xi32>
    %shift_right_arithmetic3A_159 = arith.shrsi %bitcast_convert_type3A_157, %shift_right_arithmetic3A_158 : vector<2000x8xi32>
    %sub3A_160 = arith.constant 128 : i32
    %sub3A_161 = vector.broadcast %sub3A_160 : i32 to vector<2000x8xi32>
    %sub3A_162 = arith.subi %sub3A_161, %shift_right_arithmetic3A_159 : vector<2000x8xi32>
    %lt3A = arith.constant 0 : i32
    %lt3A_163 = vector.broadcast %lt3A : i32 to vector<2000x8xi32>
    %lt3A_164 = arith.cmpi slt, %sub3A_162, %lt3A_163 : vector<2000x8xi32>
    %add3A = arith.constant 128 : i32
    %add3A_165 = vector.broadcast %add3A : i32 to vector<2000x8xi32>
    %add3A_166 = arith.addi %sub3A_162, %add3A_165 : vector<2000x8xi32>
    %select_n3A_167 = arith.select %lt3A_164, %add3A_166, %sub3A_162 : vector<2000x8xi1>, vector<2000x8xi32>
    %reshape3A = vector.shape_cast %select_n3A_167 : vector<2000x8xi32> to vector<2000x8x1xi32>
    %gather3A = vector.shape_cast %reshape3A : vector<2000x8x1xi32> to vector<2000x8xi32>
    %gather3A_168 = tpu.dynamic_gather %slice3A[%gather3A] in [1] : vector<2000x128xf32>, vector<2000x8xi32> -> vector<2000x8xf32>
    %lt3A_169 = arith.constant 0 : i32
    %lt3A_170 = vector.broadcast %lt3A_169 : i32 to vector<2000x8xi32>
    %lt3A_171 = arith.cmpi slt, %sub3A_162, %lt3A_170 : vector<2000x8xi32>
    %add3A_172 = arith.constant 128 : i32
    %add3A_173 = vector.broadcast %add3A_172 : i32 to vector<2000x8xi32>
    %add3A_174 = arith.addi %sub3A_162, %add3A_173 : vector<2000x8xi32>
    %select_n3A_175 = arith.select %lt3A_171, %add3A_174, %sub3A_162 : vector<2000x8xi1>, vector<2000x8xi32>
    %reshape3A_176 = vector.shape_cast %select_n3A_175 : vector<2000x8xi32> to vector<2000x8x1xi32>
    %gather3A_177 = vector.shape_cast %reshape3A_176 : vector<2000x8x1xi32> to vector<2000x8xi32>
    %gather3A_178 = tpu.dynamic_gather %slice3A_6[%gather3A_177] in [1] : vector<2000x128xf32>, vector<2000x8xi32> -> vector<2000x8xf32>
    %lt3A_179 = arith.constant 0 : i32
    %lt3A_180 = vector.broadcast %lt3A_179 : i32 to vector<2000x8xi32>
    %lt3A_181 = arith.cmpi slt, %sub3A_162, %lt3A_180 : vector<2000x8xi32>
    %add3A_182 = arith.constant 128 : i32
    %add3A_183 = vector.broadcast %add3A_182 : i32 to vector<2000x8xi32>
    %add3A_184 = arith.addi %sub3A_162, %add3A_183 : vector<2000x8xi32>
    %select_n3A_185 = arith.select %lt3A_181, %add3A_184, %sub3A_162 : vector<2000x8xi1>, vector<2000x8xi32>
    %reshape3A_186 = vector.shape_cast %select_n3A_185 : vector<2000x8xi32> to vector<2000x8x1xi32>
    %gather3A_187 = vector.shape_cast %reshape3A_186 : vector<2000x8x1xi32> to vector<2000x8xi32>
    %gather3A_188 = tpu.dynamic_gather %slice3A_7[%gather3A_187] in [1] : vector<2000x128xf32>, vector<2000x8xi32> -> vector<2000x8xf32>
    %lt3A_189 = arith.constant 0 : i32
    %lt3A_190 = vector.broadcast %lt3A_189 : i32 to vector<2000x8xi32>
    %lt3A_191 = arith.cmpi slt, %sub3A_162, %lt3A_190 : vector<2000x8xi32>
    %add3A_192 = arith.constant 128 : i32
    %add3A_193 = vector.broadcast %add3A_192 : i32 to vector<2000x8xi32>
    %add3A_194 = arith.addi %sub3A_162, %add3A_193 : vector<2000x8xi32>
    %select_n3A_195 = arith.select %lt3A_191, %add3A_194, %sub3A_162 : vector<2000x8xi1>, vector<2000x8xi32>
    %reshape3A_196 = vector.shape_cast %select_n3A_195 : vector<2000x8xi32> to vector<2000x8x1xi32>
    %gather3A_197 = vector.shape_cast %reshape3A_196 : vector<2000x8x1xi32> to vector<2000x8xi32>
    %gather3A_198 = tpu.dynamic_gather %slice3A_8[%gather3A_197] in [1] : vector<2000x128xf32>, vector<2000x8xi32> -> vector<2000x8xf32>
    %lt3A_199 = arith.constant 0 : i32
    %lt3A_200 = vector.broadcast %lt3A_199 : i32 to vector<2000x8xi32>
    %lt3A_201 = arith.cmpi slt, %sub3A_162, %lt3A_200 : vector<2000x8xi32>
    %add3A_202 = arith.constant 128 : i32
    %add3A_203 = vector.broadcast %add3A_202 : i32 to vector<2000x8xi32>
    %add3A_204 = arith.addi %sub3A_162, %add3A_203 : vector<2000x8xi32>
    %select_n3A_205 = arith.select %lt3A_201, %add3A_204, %sub3A_162 : vector<2000x8xi1>, vector<2000x8xi32>
    %reshape3A_206 = vector.shape_cast %select_n3A_205 : vector<2000x8xi32> to vector<2000x8x1xi32>
    %gather3A_207 = vector.shape_cast %reshape3A_206 : vector<2000x8x1xi32> to vector<2000x8xi32>
    %gather3A_208 = tpu.dynamic_gather %slice3A_9[%gather3A_207] in [1] : vector<2000x128xf32>, vector<2000x8xi32> -> vector<2000x8xf32>
    %lt3A_209 = arith.constant 0 : i32
    %lt3A_210 = vector.broadcast %lt3A_209 : i32 to vector<2000x8xi32>
    %lt3A_211 = arith.cmpi slt, %sub3A_162, %lt3A_210 : vector<2000x8xi32>
    %add3A_212 = arith.constant 128 : i32
    %add3A_213 = vector.broadcast %add3A_212 : i32 to vector<2000x8xi32>
    %add3A_214 = arith.addi %sub3A_162, %add3A_213 : vector<2000x8xi32>
    %select_n3A_215 = arith.select %lt3A_211, %add3A_214, %sub3A_162 : vector<2000x8xi1>, vector<2000x8xi32>
    %reshape3A_216 = vector.shape_cast %select_n3A_215 : vector<2000x8xi32> to vector<2000x8x1xi32>
    %gather3A_217 = vector.shape_cast %reshape3A_216 : vector<2000x8x1xi32> to vector<2000x8xi32>
    %gather3A_218 = tpu.dynamic_gather %slice3A_10[%gather3A_217] in [1] : vector<2000x128xf32>, vector<2000x8xi32> -> vector<2000x8xf32>
    %lt3A_219 = arith.constant 0 : i32
    %lt3A_220 = vector.broadcast %lt3A_219 : i32 to vector<2000x8xi32>
    %lt3A_221 = arith.cmpi slt, %sub3A_162, %lt3A_220 : vector<2000x8xi32>
    %add3A_222 = arith.constant 128 : i32
    %add3A_223 = vector.broadcast %add3A_222 : i32 to vector<2000x8xi32>
    %add3A_224 = arith.addi %sub3A_162, %add3A_223 : vector<2000x8xi32>
    %select_n3A_225 = arith.select %lt3A_221, %add3A_224, %sub3A_162 : vector<2000x8xi1>, vector<2000x8xi32>
    %reshape3A_226 = vector.shape_cast %select_n3A_225 : vector<2000x8xi32> to vector<2000x8x1xi32>
    %gather3A_227 = vector.shape_cast %reshape3A_226 : vector<2000x8x1xi32> to vector<2000x8xi32>
    %gather3A_228 = tpu.dynamic_gather %slice3A_11[%gather3A_227] in [1] : vector<2000x128xf32>, vector<2000x8xi32> -> vector<2000x8xf32>
    %lt3A_229 = arith.constant 0 : i32
    %lt3A_230 = vector.broadcast %lt3A_229 : i32 to vector<2000x8xi32>
    %lt3A_231 = arith.cmpi slt, %sub3A_162, %lt3A_230 : vector<2000x8xi32>
    %add3A_232 = arith.constant 128 : i32
    %add3A_233 = vector.broadcast %add3A_232 : i32 to vector<2000x8xi32>
    %add3A_234 = arith.addi %sub3A_162, %add3A_233 : vector<2000x8xi32>
    %select_n3A_235 = arith.select %lt3A_231, %add3A_234, %sub3A_162 : vector<2000x8xi1>, vector<2000x8xi32>
    %reshape3A_236 = vector.shape_cast %select_n3A_235 : vector<2000x8xi32> to vector<2000x8x1xi32>
    %gather3A_237 = vector.shape_cast %reshape3A_236 : vector<2000x8x1xi32> to vector<2000x8xi32>
    %gather3A_238 = tpu.dynamic_gather %slice3A_12[%gather3A_237] in [1] : vector<2000x128xf32>, vector<2000x8xi32> -> vector<2000x8xf32>
    %lt3A_239 = arith.constant 0 : i32
    %lt3A_240 = vector.broadcast %lt3A_239 : i32 to vector<2000x8xi32>
    %lt3A_241 = arith.cmpi slt, %sub3A_162, %lt3A_240 : vector<2000x8xi32>
    %add3A_242 = arith.constant 128 : i32
    %add3A_243 = vector.broadcast %add3A_242 : i32 to vector<2000x8xi32>
    %add3A_244 = arith.addi %sub3A_162, %add3A_243 : vector<2000x8xi32>
    %select_n3A_245 = arith.select %lt3A_241, %add3A_244, %sub3A_162 : vector<2000x8xi1>, vector<2000x8xi32>
    %reshape3A_246 = vector.shape_cast %select_n3A_245 : vector<2000x8xi32> to vector<2000x8x1xi32>
    %gather3A_247 = vector.shape_cast %reshape3A_246 : vector<2000x8x1xi32> to vector<2000x8xi32>
    %gather3A_248 = tpu.dynamic_gather %slice3A_13[%gather3A_247] in [1] : vector<2000x128xf32>, vector<2000x8xi32> -> vector<2000x8xf32>
    %lt3A_249 = arith.constant 0 : i32
    %lt3A_250 = vector.broadcast %lt3A_249 : i32 to vector<2000x8xi32>
    %lt3A_251 = arith.cmpi slt, %sub3A_162, %lt3A_250 : vector<2000x8xi32>
    %add3A_252 = arith.constant 128 : i32
    %add3A_253 = vector.broadcast %add3A_252 : i32 to vector<2000x8xi32>
    %add3A_254 = arith.addi %sub3A_162, %add3A_253 : vector<2000x8xi32>
    %select_n3A_255 = arith.select %lt3A_251, %add3A_254, %sub3A_162 : vector<2000x8xi1>, vector<2000x8xi32>
    %reshape3A_256 = vector.shape_cast %select_n3A_255 : vector<2000x8xi32> to vector<2000x8x1xi32>
    %gather3A_257 = vector.shape_cast %reshape3A_256 : vector<2000x8x1xi32> to vector<2000x8xi32>
    %gather3A_258 = tpu.dynamic_gather %slice3A_14[%gather3A_257] in [1] : vector<2000x128xf32>, vector<2000x8xi32> -> vector<2000x8xf32>
    %lt3A_259 = arith.constant 0 : i32
    %lt3A_260 = vector.broadcast %lt3A_259 : i32 to vector<2000x8xi32>
    %lt3A_261 = arith.cmpi slt, %sub3A_162, %lt3A_260 : vector<2000x8xi32>
    %add3A_262 = arith.constant 128 : i32
    %add3A_263 = vector.broadcast %add3A_262 : i32 to vector<2000x8xi32>
    %add3A_264 = arith.addi %sub3A_162, %add3A_263 : vector<2000x8xi32>
    %select_n3A_265 = arith.select %lt3A_261, %add3A_264, %sub3A_162 : vector<2000x8xi1>, vector<2000x8xi32>
    %reshape3A_266 = vector.shape_cast %select_n3A_265 : vector<2000x8xi32> to vector<2000x8x1xi32>
    %gather3A_267 = vector.shape_cast %reshape3A_266 : vector<2000x8x1xi32> to vector<2000x8xi32>
    %gather3A_268 = tpu.dynamic_gather %slice3A_15[%gather3A_267] in [1] : vector<2000x128xf32>, vector<2000x8xi32> -> vector<2000x8xf32>
    %lt3A_269 = arith.constant 0 : i32
    %lt3A_270 = vector.broadcast %lt3A_269 : i32 to vector<2000x8xi32>
    %lt3A_271 = arith.cmpi slt, %sub3A_162, %lt3A_270 : vector<2000x8xi32>
    %add3A_272 = arith.constant 128 : i32
    %add3A_273 = vector.broadcast %add3A_272 : i32 to vector<2000x8xi32>
    %add3A_274 = arith.addi %sub3A_162, %add3A_273 : vector<2000x8xi32>
    %select_n3A_275 = arith.select %lt3A_271, %add3A_274, %sub3A_162 : vector<2000x8xi1>, vector<2000x8xi32>
    %reshape3A_276 = vector.shape_cast %select_n3A_275 : vector<2000x8xi32> to vector<2000x8x1xi32>
    %gather3A_277 = vector.shape_cast %reshape3A_276 : vector<2000x8x1xi32> to vector<2000x8xi32>
    %gather3A_278 = tpu.dynamic_gather %slice3A_16[%gather3A_277] in [1] : vector<2000x128xf32>, vector<2000x8xi32> -> vector<2000x8xf32>
    %lt3A_279 = arith.constant 0 : i32
    %lt3A_280 = vector.broadcast %lt3A_279 : i32 to vector<2000x8xi32>
    %lt3A_281 = arith.cmpi slt, %sub3A_162, %lt3A_280 : vector<2000x8xi32>
    %add3A_282 = arith.constant 128 : i32
    %add3A_283 = vector.broadcast %add3A_282 : i32 to vector<2000x8xi32>
    %add3A_284 = arith.addi %sub3A_162, %add3A_283 : vector<2000x8xi32>
    %select_n3A_285 = arith.select %lt3A_281, %add3A_284, %sub3A_162 : vector<2000x8xi1>, vector<2000x8xi32>
    %reshape3A_286 = vector.shape_cast %select_n3A_285 : vector<2000x8xi32> to vector<2000x8x1xi32>
    %gather3A_287 = vector.shape_cast %reshape3A_286 : vector<2000x8x1xi32> to vector<2000x8xi32>
    %gather3A_288 = tpu.dynamic_gather %slice3A_17[%gather3A_287] in [1] : vector<2000x128xf32>, vector<2000x8xi32> -> vector<2000x8xf32>
    %lt3A_289 = arith.constant 0 : i32
    %lt3A_290 = vector.broadcast %lt3A_289 : i32 to vector<2000x8xi32>
    %lt3A_291 = arith.cmpi slt, %sub3A_162, %lt3A_290 : vector<2000x8xi32>
    %add3A_292 = arith.constant 128 : i32
    %add3A_293 = vector.broadcast %add3A_292 : i32 to vector<2000x8xi32>
    %add3A_294 = arith.addi %sub3A_162, %add3A_293 : vector<2000x8xi32>
    %select_n3A_295 = arith.select %lt3A_291, %add3A_294, %sub3A_162 : vector<2000x8xi1>, vector<2000x8xi32>
    %reshape3A_296 = vector.shape_cast %select_n3A_295 : vector<2000x8xi32> to vector<2000x8x1xi32>
    %gather3A_297 = vector.shape_cast %reshape3A_296 : vector<2000x8x1xi32> to vector<2000x8xi32>
    %gather3A_298 = tpu.dynamic_gather %slice3A_18[%gather3A_297] in [1] : vector<2000x128xf32>, vector<2000x8xi32> -> vector<2000x8xf32>
    %lt3A_299 = arith.constant 0 : i32
    %lt3A_300 = vector.broadcast %lt3A_299 : i32 to vector<2000x8xi32>
    %lt3A_301 = arith.cmpi slt, %sub3A_162, %lt3A_300 : vector<2000x8xi32>
    %add3A_302 = arith.constant 128 : i32
    %add3A_303 = vector.broadcast %add3A_302 : i32 to vector<2000x8xi32>
    %add3A_304 = arith.addi %sub3A_162, %add3A_303 : vector<2000x8xi32>
    %select_n3A_305 = arith.select %lt3A_301, %add3A_304, %sub3A_162 : vector<2000x8xi1>, vector<2000x8xi32>
    %reshape3A_306 = vector.shape_cast %select_n3A_305 : vector<2000x8xi32> to vector<2000x8x1xi32>
    %gather3A_307 = vector.shape_cast %reshape3A_306 : vector<2000x8x1xi32> to vector<2000x8xi32>
    %gather3A_308 = tpu.dynamic_gather %slice3A_19[%gather3A_307] in [1] : vector<2000x128xf32>, vector<2000x8xi32> -> vector<2000x8xf32>
    %lt3A_309 = arith.constant 0 : i32
    %lt3A_310 = vector.broadcast %lt3A_309 : i32 to vector<2000x8xi32>
    %lt3A_311 = arith.cmpi slt, %sub3A_162, %lt3A_310 : vector<2000x8xi32>
    %add3A_312 = arith.constant 128 : i32
    %add3A_313 = vector.broadcast %add3A_312 : i32 to vector<2000x8xi32>
    %add3A_314 = arith.addi %sub3A_162, %add3A_313 : vector<2000x8xi32>
    %select_n3A_315 = arith.select %lt3A_311, %add3A_314, %sub3A_162 : vector<2000x8xi1>, vector<2000x8xi32>
    %reshape3A_316 = vector.shape_cast %select_n3A_315 : vector<2000x8xi32> to vector<2000x8x1xi32>
    %gather3A_317 = vector.shape_cast %reshape3A_316 : vector<2000x8x1xi32> to vector<2000x8xi32>
    %gather3A_318 = tpu.dynamic_gather %slice3A_20[%gather3A_317] in [1] : vector<2000x128xf32>, vector<2000x8xi32> -> vector<2000x8xf32>
    %concatenate3A_319 = tpu.concatenate %gather3A_168, %gather3A_178, %gather3A_188, %gather3A_198, %gather3A_208, %gather3A_218, %gather3A_228, %gather3A_238, %gather3A_248, %gather3A_258, %gather3A_268, %gather3A_278, %gather3A_288, %gather3A_298, %gather3A_308, %gather3A_318 in 1 : vector<2000x8xf32>, vector<2000x8xf32>, vector<2000x8xf32>, vector<2000x8xf32>, vector<2000x8xf32>, vector<2000x8xf32>, vector<2000x8xf32>, vector<2000x8xf32>, vector<2000x8xf32>, vector<2000x8xf32>, vector<2000x8xf32>, vector<2000x8xf32>, vector<2000x8xf32>, vector<2000x8xf32>, vector<2000x8xf32>, vector<2000x8xf32> -> vector<2000x128xf32>
    %iota3A_320 = tpu.iota {dimensions = array<i32: 1>} : vector<2000x128xi32>
    %sub3A_321 = arith.constant 128 : i32
    %sub3A_322 = vector.broadcast %sub3A_321 : i32 to vector<2000x128xi32>
    %sub3A_323 = arith.subi %sub3A_322, %iota3A_320 : vector<2000x128xi32>
    %shift_left3A_324 = arith.constant 23 : i32
    %shift_left3A_325 = vector.broadcast %shift_left3A_324 : i32 to vector<2000x128xi32>
    %shift_left3A_326 = arith.shli %sub3A_323, %shift_left3A_325 : vector<2000x128xi32>
    %bitcast_convert_type3A_327 = tpu.bitcast %shift_left3A_326 : vector<2000x128xi32> -> vector<2000x128xf32>
    %reduce_max3A_328 = arith.constant dense<0xFF800000> : vector<2000xf32>
    %reduce_max3A_329 = vector.multi_reduction <maximumf>, %concatenate3A_319, %reduce_max3A_328 [1] : vector<2000x128xf32> to vector<2000xf32>
    %broadcast_in_dim3A_330 = vector.shape_cast %reduce_max3A_329 : vector<2000xf32> to vector<2000x1xf32>
    %eq3A_331 = vector.broadcast %broadcast_in_dim3A_330 : vector<2000x1xf32> to vector<2000x128xf32>
    %eq3A_332 = arith.cmpf oeq, %concatenate3A_319, %eq3A_331 : vector<2000x128xf32>
    %jit3A_333 = arith.constant 0.000000e+00 : f32
    %broadcast_in_dim3A_334 = vector.broadcast %jit3A_333 : f32 to vector<2000x128xf32>
    %select_n3A_335 = arith.select %eq3A_332, %bitcast_convert_type3A_327, %broadcast_in_dim3A_334 : vector<2000x128xi1>, vector<2000x128xf32>
    %reduce_max3A_336 = arith.constant dense<0xFF800000> : vector<2000xf32>
    %reduce_max3A_337 = vector.multi_reduction <maximumf>, %select_n3A_335, %reduce_max3A_336 [1] : vector<2000x128xf32> to vector<2000xf32>
    %broadcast_in_dim3A_338 = vector.shape_cast %reduce_max3A_337 : vector<2000xf32> to vector<2000x1xf32>
    %eq3A_339 = vector.broadcast %broadcast_in_dim3A_338 : vector<2000x1xf32> to vector<2000x128xf32>
    %eq3A_340 = arith.cmpf oeq, %bitcast_convert_type3A_327, %eq3A_339 : vector<2000x128xf32>
    %jit3A_341 = arith.constant 0xFF800000 : f32
    %broadcast_in_dim3A_342 = vector.broadcast %jit3A_341 : f32 to vector<2000x128xf32>
    %select_n3A_343 = arith.select %eq3A_340, %broadcast_in_dim3A_342, %concatenate3A_319 : vector<2000x128xi1>, vector<2000x128xf32>
    %reduce_max3A_344 = arith.constant dense<0xFF800000> : vector<2000xf32>
    %reduce_max3A_345 = vector.multi_reduction <maximumf>, %select_n3A_343, %reduce_max3A_344 [1] : vector<2000x128xf32> to vector<2000xf32>
    %broadcast_in_dim3A_346 = vector.shape_cast %reduce_max3A_345 : vector<2000xf32> to vector<2000x1xf32>
    %eq3A_347 = vector.broadcast %broadcast_in_dim3A_346 : vector<2000x1xf32> to vector<2000x128xf32>
    %eq3A_348 = arith.cmpf oeq, %select_n3A_343, %eq3A_347 : vector<2000x128xf32>
    %jit3A_349 = arith.constant 0.000000e+00 : f32
    %broadcast_in_dim3A_350 = vector.broadcast %jit3A_349 : f32 to vector<2000x128xf32>
    %select_n3A_351 = arith.select %eq3A_348, %bitcast_convert_type3A_327, %broadcast_in_dim3A_350 : vector<2000x128xi1>, vector<2000x128xf32>
    %reduce_max3A_352 = arith.constant dense<0xFF800000> : vector<2000xf32>
    %reduce_max3A_353 = vector.multi_reduction <maximumf>, %select_n3A_351, %reduce_max3A_352 [1] : vector<2000x128xf32> to vector<2000xf32>
    %broadcast_in_dim3A_354 = vector.shape_cast %reduce_max3A_353 : vector<2000xf32> to vector<2000x1xf32>
    %eq3A_355 = vector.broadcast %broadcast_in_dim3A_354 : vector<2000x1xf32> to vector<2000x128xf32>
    %eq3A_356 = arith.cmpf oeq, %bitcast_convert_type3A_327, %eq3A_355 : vector<2000x128xf32>
    %jit3A_357 = arith.constant 0xFF800000 : f32
    %broadcast_in_dim3A_358 = vector.broadcast %jit3A_357 : f32 to vector<2000x128xf32>
    %select_n3A_359 = arith.select %eq3A_356, %broadcast_in_dim3A_358, %select_n3A_343 : vector<2000x128xi1>, vector<2000x128xf32>
    %reduce_max3A_360 = arith.constant dense<0xFF800000> : vector<2000xf32>
    %reduce_max3A_361 = vector.multi_reduction <maximumf>, %select_n3A_359, %reduce_max3A_360 [1] : vector<2000x128xf32> to vector<2000xf32>
    %broadcast_in_dim3A_362 = vector.shape_cast %reduce_max3A_361 : vector<2000xf32> to vector<2000x1xf32>
    %eq3A_363 = vector.broadcast %broadcast_in_dim3A_362 : vector<2000x1xf32> to vector<2000x128xf32>
    %eq3A_364 = arith.cmpf oeq, %select_n3A_359, %eq3A_363 : vector<2000x128xf32>
    %jit3A_365 = arith.constant 0.000000e+00 : f32
    %broadcast_in_dim3A_366 = vector.broadcast %jit3A_365 : f32 to vector<2000x128xf32>
    %select_n3A_367 = arith.select %eq3A_364, %bitcast_convert_type3A_327, %broadcast_in_dim3A_366 : vector<2000x128xi1>, vector<2000x128xf32>
    %reduce_max3A_368 = arith.constant dense<0xFF800000> : vector<2000xf32>
    %reduce_max3A_369 = vector.multi_reduction <maximumf>, %select_n3A_367, %reduce_max3A_368 [1] : vector<2000x128xf32> to vector<2000xf32>
    %broadcast_in_dim3A_370 = vector.shape_cast %reduce_max3A_369 : vector<2000xf32> to vector<2000x1xf32>
    %eq3A_371 = vector.broadcast %broadcast_in_dim3A_370 : vector<2000x1xf32> to vector<2000x128xf32>
    %eq3A_372 = arith.cmpf oeq, %bitcast_convert_type3A_327, %eq3A_371 : vector<2000x128xf32>
    %jit3A_373 = arith.constant 0xFF800000 : f32
    %broadcast_in_dim3A_374 = vector.broadcast %jit3A_373 : f32 to vector<2000x128xf32>
    %select_n3A_375 = arith.select %eq3A_372, %broadcast_in_dim3A_374, %select_n3A_359 : vector<2000x128xi1>, vector<2000x128xf32>
    %reduce_max3A_376 = arith.constant dense<0xFF800000> : vector<2000xf32>
    %reduce_max3A_377 = vector.multi_reduction <maximumf>, %select_n3A_375, %reduce_max3A_376 [1] : vector<2000x128xf32> to vector<2000xf32>
    %broadcast_in_dim3A_378 = vector.shape_cast %reduce_max3A_377 : vector<2000xf32> to vector<2000x1xf32>
    %eq3A_379 = vector.broadcast %broadcast_in_dim3A_378 : vector<2000x1xf32> to vector<2000x128xf32>
    %eq3A_380 = arith.cmpf oeq, %select_n3A_375, %eq3A_379 : vector<2000x128xf32>
    %jit3A_381 = arith.constant 0.000000e+00 : f32
    %broadcast_in_dim3A_382 = vector.broadcast %jit3A_381 : f32 to vector<2000x128xf32>
    %select_n3A_383 = arith.select %eq3A_380, %bitcast_convert_type3A_327, %broadcast_in_dim3A_382 : vector<2000x128xi1>, vector<2000x128xf32>
    %reduce_max3A_384 = arith.constant dense<0xFF800000> : vector<2000xf32>
    %reduce_max3A_385 = vector.multi_reduction <maximumf>, %select_n3A_383, %reduce_max3A_384 [1] : vector<2000x128xf32> to vector<2000xf32>
    %broadcast_in_dim3A_386 = vector.shape_cast %reduce_max3A_385 : vector<2000xf32> to vector<2000x1xf32>
    %eq3A_387 = vector.broadcast %broadcast_in_dim3A_386 : vector<2000x1xf32> to vector<2000x128xf32>
    %eq3A_388 = arith.cmpf oeq, %bitcast_convert_type3A_327, %eq3A_387 : vector<2000x128xf32>
    %jit3A_389 = arith.constant 0xFF800000 : f32
    %broadcast_in_dim3A_390 = vector.broadcast %jit3A_389 : f32 to vector<2000x128xf32>
    %select_n3A_391 = arith.select %eq3A_388, %broadcast_in_dim3A_390, %select_n3A_375 : vector<2000x128xi1>, vector<2000x128xf32>
    %reduce_max3A_392 = arith.constant dense<0xFF800000> : vector<2000xf32>
    %reduce_max3A_393 = vector.multi_reduction <maximumf>, %select_n3A_391, %reduce_max3A_392 [1] : vector<2000x128xf32> to vector<2000xf32>
    %broadcast_in_dim3A_394 = vector.shape_cast %reduce_max3A_393 : vector<2000xf32> to vector<2000x1xf32>
    %eq3A_395 = vector.broadcast %broadcast_in_dim3A_394 : vector<2000x1xf32> to vector<2000x128xf32>
    %eq3A_396 = arith.cmpf oeq, %select_n3A_391, %eq3A_395 : vector<2000x128xf32>
    %jit3A_397 = arith.constant 0.000000e+00 : f32
    %broadcast_in_dim3A_398 = vector.broadcast %jit3A_397 : f32 to vector<2000x128xf32>
    %select_n3A_399 = arith.select %eq3A_396, %bitcast_convert_type3A_327, %broadcast_in_dim3A_398 : vector<2000x128xi1>, vector<2000x128xf32>
    %reduce_max3A_400 = arith.constant dense<0xFF800000> : vector<2000xf32>
    %reduce_max3A_401 = vector.multi_reduction <maximumf>, %select_n3A_399, %reduce_max3A_400 [1] : vector<2000x128xf32> to vector<2000xf32>
    %broadcast_in_dim3A_402 = vector.shape_cast %reduce_max3A_401 : vector<2000xf32> to vector<2000x1xf32>
    %eq3A_403 = vector.broadcast %broadcast_in_dim3A_402 : vector<2000x1xf32> to vector<2000x128xf32>
    %eq3A_404 = arith.cmpf oeq, %bitcast_convert_type3A_327, %eq3A_403 : vector<2000x128xf32>
    %jit3A_405 = arith.constant 0xFF800000 : f32
    %broadcast_in_dim3A_406 = vector.broadcast %jit3A_405 : f32 to vector<2000x128xf32>
    %select_n3A_407 = arith.select %eq3A_404, %broadcast_in_dim3A_406, %select_n3A_391 : vector<2000x128xi1>, vector<2000x128xf32>
    %reduce_max3A_408 = arith.constant dense<0xFF800000> : vector<2000xf32>
    %reduce_max3A_409 = vector.multi_reduction <maximumf>, %select_n3A_407, %reduce_max3A_408 [1] : vector<2000x128xf32> to vector<2000xf32>
    %broadcast_in_dim3A_410 = vector.shape_cast %reduce_max3A_409 : vector<2000xf32> to vector<2000x1xf32>
    %eq3A_411 = vector.broadcast %broadcast_in_dim3A_410 : vector<2000x1xf32> to vector<2000x128xf32>
    %eq3A_412 = arith.cmpf oeq, %select_n3A_407, %eq3A_411 : vector<2000x128xf32>
    %jit3A_413 = arith.constant 0.000000e+00 : f32
    %broadcast_in_dim3A_414 = vector.broadcast %jit3A_413 : f32 to vector<2000x128xf32>
    %select_n3A_415 = arith.select %eq3A_412, %bitcast_convert_type3A_327, %broadcast_in_dim3A_414 : vector<2000x128xi1>, vector<2000x128xf32>
    %reduce_max3A_416 = arith.constant dense<0xFF800000> : vector<2000xf32>
    %reduce_max3A_417 = vector.multi_reduction <maximumf>, %select_n3A_415, %reduce_max3A_416 [1] : vector<2000x128xf32> to vector<2000xf32>
    %broadcast_in_dim3A_418 = vector.shape_cast %reduce_max3A_417 : vector<2000xf32> to vector<2000x1xf32>
    %eq3A_419 = vector.broadcast %broadcast_in_dim3A_418 : vector<2000x1xf32> to vector<2000x128xf32>
    %eq3A_420 = arith.cmpf oeq, %bitcast_convert_type3A_327, %eq3A_419 : vector<2000x128xf32>
    %jit3A_421 = arith.constant 0xFF800000 : f32
    %broadcast_in_dim3A_422 = vector.broadcast %jit3A_421 : f32 to vector<2000x128xf32>
    %select_n3A_423 = arith.select %eq3A_420, %broadcast_in_dim3A_422, %select_n3A_407 : vector<2000x128xi1>, vector<2000x128xf32>
    %reduce_max3A_424 = arith.constant dense<0xFF800000> : vector<2000xf32>
    %reduce_max3A_425 = vector.multi_reduction <maximumf>, %select_n3A_423, %reduce_max3A_424 [1] : vector<2000x128xf32> to vector<2000xf32>
    %broadcast_in_dim3A_426 = vector.shape_cast %reduce_max3A_425 : vector<2000xf32> to vector<2000x1xf32>
    %eq3A_427 = vector.broadcast %broadcast_in_dim3A_426 : vector<2000x1xf32> to vector<2000x128xf32>
    %eq3A_428 = arith.cmpf oeq, %select_n3A_423, %eq3A_427 : vector<2000x128xf32>
    %jit3A_429 = arith.constant 0.000000e+00 : f32
    %broadcast_in_dim3A_430 = vector.broadcast %jit3A_429 : f32 to vector<2000x128xf32>
    %select_n3A_431 = arith.select %eq3A_428, %bitcast_convert_type3A_327, %broadcast_in_dim3A_430 : vector<2000x128xi1>, vector<2000x128xf32>
    %reduce_max3A_432 = arith.constant dense<0xFF800000> : vector<2000xf32>
    %reduce_max3A_433 = vector.multi_reduction <maximumf>, %select_n3A_431, %reduce_max3A_432 [1] : vector<2000x128xf32> to vector<2000xf32>
    %broadcast_in_dim3A_434 = vector.shape_cast %reduce_max3A_433 : vector<2000xf32> to vector<2000x1xf32>
    %eq3A_435 = vector.broadcast %broadcast_in_dim3A_434 : vector<2000x1xf32> to vector<2000x128xf32>
    %eq3A_436 = arith.cmpf oeq, %bitcast_convert_type3A_327, %eq3A_435 : vector<2000x128xf32>
    %jit3A_437 = arith.constant 0xFF800000 : f32
    %broadcast_in_dim3A_438 = vector.broadcast %jit3A_437 : f32 to vector<2000x128xf32>
    %select_n3A_439 = arith.select %eq3A_436, %broadcast_in_dim3A_438, %select_n3A_423 : vector<2000x128xi1>, vector<2000x128xf32>
    %reduce_max3A_440 = arith.constant dense<0xFF800000> : vector<2000xf32>
    %reduce_max3A_441 = vector.multi_reduction <maximumf>, %select_n3A_439, %reduce_max3A_440 [1] : vector<2000x128xf32> to vector<2000xf32>
    %broadcast_in_dim3A_442 = vector.shape_cast %reduce_max3A_441 : vector<2000xf32> to vector<2000x1xf32>
    %eq3A_443 = vector.broadcast %broadcast_in_dim3A_442 : vector<2000x1xf32> to vector<2000x128xf32>
    %eq3A_444 = arith.cmpf oeq, %select_n3A_439, %eq3A_443 : vector<2000x128xf32>
    %jit3A_445 = arith.constant 0.000000e+00 : f32
    %broadcast_in_dim3A_446 = vector.broadcast %jit3A_445 : f32 to vector<2000x128xf32>
    %select_n3A_447 = arith.select %eq3A_444, %bitcast_convert_type3A_327, %broadcast_in_dim3A_446 : vector<2000x128xi1>, vector<2000x128xf32>
    %reduce_max3A_448 = arith.constant dense<0xFF800000> : vector<2000xf32>
    %reduce_max3A_449 = vector.multi_reduction <maximumf>, %select_n3A_447, %reduce_max3A_448 [1] : vector<2000x128xf32> to vector<2000xf32>
    %broadcast_in_dim3A_450 = vector.shape_cast %reduce_max3A_449 : vector<2000xf32> to vector<2000x1xf32>
    %concatenate3A_451 = tpu.concatenate %broadcast_in_dim3A_338, %broadcast_in_dim3A_354, %broadcast_in_dim3A_370, %broadcast_in_dim3A_386, %broadcast_in_dim3A_402, %broadcast_in_dim3A_418, %broadcast_in_dim3A_434, %broadcast_in_dim3A_450 in 1 : vector<2000x1xf32>, vector<2000x1xf32>, vector<2000x1xf32>, vector<2000x1xf32>, vector<2000x1xf32>, vector<2000x1xf32>, vector<2000x1xf32>, vector<2000x1xf32> -> vector<2000x8xf32>
    %bitcast_convert_type3A_452 = tpu.bitcast %concatenate3A_451 : vector<2000x8xf32> -> vector<2000x8xi32>
    %shift_right_arithmetic3A_453 = arith.constant 23 : i32
    %shift_right_arithmetic3A_454 = vector.broadcast %shift_right_arithmetic3A_453 : i32 to vector<2000x8xi32>
    %shift_right_arithmetic3A_455 = arith.shrsi %bitcast_convert_type3A_452, %shift_right_arithmetic3A_454 : vector<2000x8xi32>
    %sub3A_456 = arith.constant 128 : i32
    %sub3A_457 = vector.broadcast %sub3A_456 : i32 to vector<2000x8xi32>
    %sub3A_458 = arith.subi %sub3A_457, %shift_right_arithmetic3A_455 : vector<2000x8xi32>
    %concatenate3A_459 = tpu.concatenate %broadcast_in_dim3A_330, %broadcast_in_dim3A_346, %broadcast_in_dim3A_362, %broadcast_in_dim3A_378, %broadcast_in_dim3A_394, %broadcast_in_dim3A_410, %broadcast_in_dim3A_426, %broadcast_in_dim3A_442 in 1 : vector<2000x1xf32>, vector<2000x1xf32>, vector<2000x1xf32>, vector<2000x1xf32>, vector<2000x1xf32>, vector<2000x1xf32>, vector<2000x1xf32>, vector<2000x1xf32> -> vector<2000x8xf32>
    %convert_element_type3A = arith.sitofp %sub3A_162 : vector<2000x8xi32> to vector<2000x8xf32>
    %jit3A_460 = arith.constant 8 : i32
    %eq3A_461 = arith.constant 0 : i32
    %eq3A_462 = arith.cmpi eq, %jit3A_460, %eq3A_461 : i32
    %jit3A_463 = arith.constant 1 : i32
    %select_n3A_464 = arith.select %eq3A_462, %jit3A_463, %jit3A_460 : i32
    %rem3A = vector.broadcast %select_n3A_464 : i32 to vector<2000x8xi32>
    %rem3A_465 = arith.remsi %sub3A_458, %rem3A : vector<2000x8xi32>
    %ne3A = arith.constant 0 : i32
    %ne3A_466 = vector.broadcast %ne3A : i32 to vector<2000x8xi32>
    %ne3A_467 = arith.cmpi ne, %rem3A_465, %ne3A_466 : vector<2000x8xi32>
    %lt3A_468 = arith.constant 0 : i32
    %lt3A_469 = vector.broadcast %lt3A_468 : i32 to vector<2000x8xi32>
    %lt3A_470 = arith.cmpi slt, %rem3A_465, %lt3A_469 : vector<2000x8xi32>
    %lt3A_471 = arith.constant 0 : i32
    %lt3A_472 = arith.cmpi slt, %select_n3A_464, %lt3A_471 : i32
    %ne3A_473 = vector.broadcast %lt3A_472 : i1 to vector<2000x8xi1>
    %ne3A_474 = vector.broadcast %ne3A_473 : vector<2000x8xi1> to vector<2000x8xi1>
    %ne3A_475 = arith.xori %lt3A_470, %ne3A_474 : vector<2000x8xi1>
    %and3A = arith.andi %ne3A_475, %ne3A_467 : vector<2000x8xi1>
    %add3A_476 = vector.broadcast %select_n3A_464 : i32 to vector<2000x8xi32>
    %add3A_477 = arith.addi %rem3A_465, %add3A_476 : vector<2000x8xi32>
    %select_n3A_478 = arith.select %and3A, %add3A_477, %rem3A_465 : vector<2000x8xi1>, vector<2000x8xi32>
    %lt3A_479 = arith.constant 0 : i32
    %lt3A_480 = vector.broadcast %lt3A_479 : i32 to vector<2000x8xi32>
    %lt3A_481 = arith.cmpi slt, %select_n3A_478, %lt3A_480 : vector<2000x8xi32>
    %add3A_482 = arith.constant 8 : i32
    %add3A_483 = vector.broadcast %add3A_482 : i32 to vector<2000x8xi32>
    %add3A_484 = arith.addi %select_n3A_478, %add3A_483 : vector<2000x8xi32>
    %select_n3A_485 = arith.select %lt3A_481, %add3A_484, %select_n3A_478 : vector<2000x8xi1>, vector<2000x8xi32>
    %reshape3A_486 = vector.shape_cast %select_n3A_485 : vector<2000x8xi32> to vector<2000x8x1xi32>
    %gather3A_487 = vector.shape_cast %reshape3A_486 : vector<2000x8x1xi32> to vector<2000x8xi32>
    %gather3A_488 = tpu.dynamic_gather %convert_element_type3A[%gather3A_487] in [1] : vector<2000x8xf32>, vector<2000x8xi32> -> vector<2000x8xf32>
    %jit3A_489 = arith.constant 8 : i32
    %div3A = vector.broadcast %jit3A_489 : i32 to vector<2000x8xi32>
    %div3A_490 = arith.divsi %sub3A_458, %div3A : vector<2000x8xi32>
    %sign3A = arith.constant 0 : i32
    %sign3A_491 = vector.broadcast %sign3A : i32 to vector<2000x8xi32>
    %sign3A_492 = arith.cmpi sgt, %sub3A_458, %sign3A_491 : vector<2000x8xi32>
    %sign3A_493 = arith.extui %sign3A_492 : vector<2000x8xi1> to vector<2000x8xi32>
    %sign3A_494 = arith.constant 0 : i32
    %sign3A_495 = vector.broadcast %sign3A_494 : i32 to vector<2000x8xi32>
    %sign3A_496 = arith.cmpi slt, %sub3A_458, %sign3A_495 : vector<2000x8xi32>
    %sign3A_497 = arith.extui %sign3A_496 : vector<2000x8xi1> to vector<2000x8xi32>
    %sign3A_498 = arith.subi %sign3A_493, %sign3A_497 : vector<2000x8xi32>
    %sign3A_499 = arith.constant 0 : i32
    %sign3A_500 = arith.cmpi sgt, %jit3A_489, %sign3A_499 : i32
    %sign3A_501 = arith.extui %sign3A_500 : i1 to i32
    %sign3A_502 = arith.constant 0 : i32
    %sign3A_503 = arith.cmpi slt, %jit3A_489, %sign3A_502 : i32
    %sign3A_504 = arith.extui %sign3A_503 : i1 to i32
    %sign3A_505 = arith.subi %sign3A_501, %sign3A_504 : i32
    %ne3A_506 = vector.broadcast %sign3A_505 : i32 to vector<2000x8xi32>
    %ne3A_507 = arith.cmpi ne, %sign3A_498, %ne3A_506 : vector<2000x8xi32>
    %rem3A_508 = vector.broadcast %jit3A_489 : i32 to vector<2000x8xi32>
    %rem3A_509 = arith.remsi %sub3A_458, %rem3A_508 : vector<2000x8xi32>
    %ne3A_510 = arith.constant 0 : i32
    %ne3A_511 = vector.broadcast %ne3A_510 : i32 to vector<2000x8xi32>
    %ne3A_512 = arith.cmpi ne, %rem3A_509, %ne3A_511 : vector<2000x8xi32>
    %and3A_513 = arith.andi %ne3A_507, %ne3A_512 : vector<2000x8xi1>
    %sub3A_514 = arith.constant 1 : i32
    %sub3A_515 = vector.broadcast %sub3A_514 : i32 to vector<2000x8xi32>
    %sub3A_516 = arith.subi %div3A_490, %sub3A_515 : vector<2000x8xi32>
    %select_n3A_517 = arith.select %and3A_513, %sub3A_516, %div3A_490 : vector<2000x8xi1>, vector<2000x8xi32>
    %mul3A = arith.constant 128 : i32
    %mul3A_518 = vector.broadcast %mul3A : i32 to vector<2000x8xi32>
    %mul3A_519 = arith.muli %select_n3A_517, %mul3A_518 : vector<2000x8xi32>
    %mul3A_520 = arith.constant 2048 : i32
    %mul3A_521 = arith.muli %arg1, %mul3A_520 : i32
    %add3A_522 = vector.broadcast %mul3A_521 : i32 to vector<2000x8xi32>
    %add3A_523 = arith.addi %mul3A_519, %add3A_522 : vector<2000x8xi32>
    %convert_element_type3A_524 = arith.sitofp %add3A_523 : vector<2000x8xi32> to vector<2000x8xf32>
    %add3A_525 = arith.addf %gather3A_488, %convert_element_type3A_524 : vector<2000x8xf32>
    %eq3A_526 = arith.constant 0 : i32
    %eq3A_527 = arith.cmpi eq, %arg1, %eq3A_526 : i32
    %convert_element_type3A_528 = arith.extui %eq3A_527 : i1 to i32
    %cond3A = arith.constant 0 : i32
    %cond3A_529 = arith.cmpi ne, %convert_element_type3A_528, %cond3A : i32
    scf.if %cond3A_529 {
      %swap3A = arith.constant 0 : index
      %swap3A_534 = arith.constant 0 : index
      %swap3A_535 = vector.load %arg4[%swap3A, %swap3A_534] : memref<2000x8xf32, #tpu.memory_space<vmem>>, vector<2000x8xf32>
      tpu.vector_store %arg4[%swap3A, %swap3A_534], %concatenate3A_459 {strides = array<i32>} : memref<2000x8xf32, #tpu.memory_space<vmem>>, vector<2000x8xf32>,
      %swap3A_536 = arith.constant 0 : index
      %swap3A_537 = arith.constant 0 : index
      %swap3A_538 = vector.load %arg5[%swap3A_536, %swap3A_537] : memref<2000x8xf32, #tpu.memory_space<vmem>>, vector<2000x8xf32>
      tpu.vector_store %arg5[%swap3A_536, %swap3A_537], %add3A_525 {strides = array<i32>} : memref<2000x8xf32, #tpu.memory_space<vmem>>, vector<2000x8xf32>,
    } else {
    }
    %gt3A = arith.constant 0 : i32
    %gt3A_530 = arith.cmpi sgt, %arg1, %gt3A : i32
    %convert_element_type3A_531 = arith.extui %gt3A_530 : i1 to i32
    %cond3A_532 = arith.constant 0 : i32
    %cond3A_533 = arith.cmpi ne, %convert_element_type3A_531, %cond3A_532 : i32
    scf.if %cond3A_533 {
      %get3A_534 = arith.constant 0 : index
      %get3A_535 = arith.constant 0 : index
      %get3A_536 = vector.load %arg4[%get3A_534, %get3A_535] : memref<2000x8xf32, #tpu.memory_space<vmem>>, vector<2000x8xf32>
      %concatenate3A_537 = tpu.concatenate %get3A_536, %concatenate3A_459 in 1 : vector<2000x8xf32>, vector<2000x8xf32> -> vector<2000x16xf32>
      %get3A_538 = arith.constant 0 : index
      %get3A_539 = arith.constant 0 : index
      %get3A_540 = vector.load %arg5[%get3A_538, %get3A_539] : memref<2000x8xf32, #tpu.memory_space<vmem>>, vector<2000x8xf32>
      %concatenate3A_541 = tpu.concatenate %get3A_540, %add3A_525 in 1 : vector<2000x8xf32>, vector<2000x8xf32> -> vector<2000x16xf32>
      %iota3A_542 = tpu.iota {dimensions = array<i32: 1>} : vector<2000x16xi32>
      %sub3A_543 = arith.constant 128 : i32
      %sub3A_544 = vector.broadcast %sub3A_543 : i32 to vector<2000x16xi32>
      %sub3A_545 = arith.subi %sub3A_544, %iota3A_542 : vector<2000x16xi32>
      %shift_left3A_546 = arith.constant 23 : i32
      %shift_left3A_547 = vector.broadcast %shift_left3A_546 : i32 to vector<2000x16xi32>
      %shift_left3A_548 = arith.shli %sub3A_545, %shift_left3A_547 : vector<2000x16xi32>
      %bitcast_convert_type3A_549 = tpu.bitcast %shift_left3A_548 : vector<2000x16xi32> -> vector<2000x16xf32>
      %reduce_max3A_550 = arith.constant dense<0xFF800000> : vector<2000xf32>
      %reduce_max3A_551 = vector.multi_reduction <maximumf>, %concatenate3A_537, %reduce_max3A_550 [1] : vector<2000x16xf32> to vector<2000xf32>
      %broadcast_in_dim3A_552 = vector.shape_cast %reduce_max3A_551 : vector<2000xf32> to vector<2000x1xf32>
      %eq3A_553 = vector.broadcast %broadcast_in_dim3A_552 : vector<2000x1xf32> to vector<2000x16xf32>
      %eq3A_554 = arith.cmpf oeq, %concatenate3A_537, %eq3A_553 : vector<2000x16xf32>
      %jit3A_555 = arith.constant 0.000000e+00 : f32
      %broadcast_in_dim3A_556 = vector.broadcast %jit3A_555 : f32 to vector<2000x16xf32>
      %select_n3A_557 = arith.select %eq3A_554, %bitcast_convert_type3A_549, %broadcast_in_dim3A_556 : vector<2000x16xi1>, vector<2000x16xf32>
      %reduce_max3A_558 = arith.constant dense<0xFF800000> : vector<2000xf32>
      %reduce_max3A_559 = vector.multi_reduction <maximumf>, %select_n3A_557, %reduce_max3A_558 [1] : vector<2000x16xf32> to vector<2000xf32>
      %broadcast_in_dim3A_560 = vector.shape_cast %reduce_max3A_559 : vector<2000xf32> to vector<2000x1xf32>
      %eq3A_561 = vector.broadcast %broadcast_in_dim3A_560 : vector<2000x1xf32> to vector<2000x16xf32>
      %eq3A_562 = arith.cmpf oeq, %bitcast_convert_type3A_549, %eq3A_561 : vector<2000x16xf32>
      %jit3A_563 = arith.constant 0xFF800000 : f32
      %broadcast_in_dim3A_564 = vector.broadcast %jit3A_563 : f32 to vector<2000x16xf32>
      %select_n3A_565 = arith.select %eq3A_562, %broadcast_in_dim3A_564, %concatenate3A_537 : vector<2000x16xi1>, vector<2000x16xf32>
      %reduce_max3A_566 = arith.constant dense<0xFF800000> : vector<2000xf32>
      %reduce_max3A_567 = vector.multi_reduction <maximumf>, %select_n3A_565, %reduce_max3A_566 [1] : vector<2000x16xf32> to vector<2000xf32>
      %broadcast_in_dim3A_568 = vector.shape_cast %reduce_max3A_567 : vector<2000xf32> to vector<2000x1xf32>
      %eq3A_569 = vector.broadcast %broadcast_in_dim3A_568 : vector<2000x1xf32> to vector<2000x16xf32>
      %eq3A_570 = arith.cmpf oeq, %select_n3A_565, %eq3A_569 : vector<2000x16xf32>
      %jit3A_571 = arith.constant 0.000000e+00 : f32
      %broadcast_in_dim3A_572 = vector.broadcast %jit3A_571 : f32 to vector<2000x16xf32>
      %select_n3A_573 = arith.select %eq3A_570, %bitcast_convert_type3A_549, %broadcast_in_dim3A_572 : vector<2000x16xi1>, vector<2000x16xf32>
      %reduce_max3A_574 = arith.constant dense<0xFF800000> : vector<2000xf32>
      %reduce_max3A_575 = vector.multi_reduction <maximumf>, %select_n3A_573, %reduce_max3A_574 [1] : vector<2000x16xf32> to vector<2000xf32>
      %broadcast_in_dim3A_576 = vector.shape_cast %reduce_max3A_575 : vector<2000xf32> to vector<2000x1xf32>
      %eq3A_577 = vector.broadcast %broadcast_in_dim3A_576 : vector<2000x1xf32> to vector<2000x16xf32>
      %eq3A_578 = arith.cmpf oeq, %bitcast_convert_type3A_549, %eq3A_577 : vector<2000x16xf32>
      %jit3A_579 = arith.constant 0xFF800000 : f32
      %broadcast_in_dim3A_580 = vector.broadcast %jit3A_579 : f32 to vector<2000x16xf32>
      %select_n3A_581 = arith.select %eq3A_578, %broadcast_in_dim3A_580, %select_n3A_565 : vector<2000x16xi1>, vector<2000x16xf32>
      %reduce_max3A_582 = arith.constant dense<0xFF800000> : vector<2000xf32>
      %reduce_max3A_583 = vector.multi_reduction <maximumf>, %select_n3A_581, %reduce_max3A_582 [1] : vector<2000x16xf32> to vector<2000xf32>
      %broadcast_in_dim3A_584 = vector.shape_cast %reduce_max3A_583 : vector<2000xf32> to vector<2000x1xf32>
      %eq3A_585 = vector.broadcast %broadcast_in_dim3A_584 : vector<2000x1xf32> to vector<2000x16xf32>
      %eq3A_586 = arith.cmpf oeq, %select_n3A_581, %eq3A_585 : vector<2000x16xf32>
      %jit3A_587 = arith.constant 0.000000e+00 : f32
      %broadcast_in_dim3A_588 = vector.broadcast %jit3A_587 : f32 to vector<2000x16xf32>
      %select_n3A_589 = arith.select %eq3A_586, %bitcast_convert_type3A_549, %broadcast_in_dim3A_588 : vector<2000x16xi1>, vector<2000x16xf32>
      %reduce_max3A_590 = arith.constant dense<0xFF800000> : vector<2000xf32>
      %reduce_max3A_591 = vector.multi_reduction <maximumf>, %select_n3A_589, %reduce_max3A_590 [1] : vector<2000x16xf32> to vector<2000xf32>
      %broadcast_in_dim3A_592 = vector.shape_cast %reduce_max3A_591 : vector<2000xf32> to vector<2000x1xf32>
      %eq3A_593 = vector.broadcast %broadcast_in_dim3A_592 : vector<2000x1xf32> to vector<2000x16xf32>
      %eq3A_594 = arith.cmpf oeq, %bitcast_convert_type3A_549, %eq3A_593 : vector<2000x16xf32>
      %jit3A_595 = arith.constant 0xFF800000 : f32
      %broadcast_in_dim3A_596 = vector.broadcast %jit3A_595 : f32 to vector<2000x16xf32>
      %select_n3A_597 = arith.select %eq3A_594, %broadcast_in_dim3A_596, %select_n3A_581 : vector<2000x16xi1>, vector<2000x16xf32>
      %reduce_max3A_598 = arith.constant dense<0xFF800000> : vector<2000xf32>
      %reduce_max3A_599 = vector.multi_reduction <maximumf>, %select_n3A_597, %reduce_max3A_598 [1] : vector<2000x16xf32> to vector<2000xf32>
      %broadcast_in_dim3A_600 = vector.shape_cast %reduce_max3A_599 : vector<2000xf32> to vector<2000x1xf32>
      %eq3A_601 = vector.broadcast %broadcast_in_dim3A_600 : vector<2000x1xf32> to vector<2000x16xf32>
      %eq3A_602 = arith.cmpf oeq, %select_n3A_597, %eq3A_601 : vector<2000x16xf32>
      %jit3A_603 = arith.constant 0.000000e+00 : f32
      %broadcast_in_dim3A_604 = vector.broadcast %jit3A_603 : f32 to vector<2000x16xf32>
      %select_n3A_605 = arith.select %eq3A_602, %bitcast_convert_type3A_549, %broadcast_in_dim3A_604 : vector<2000x16xi1>, vector<2000x16xf32>
      %reduce_max3A_606 = arith.constant dense<0xFF800000> : vector<2000xf32>
      %reduce_max3A_607 = vector.multi_reduction <maximumf>, %select_n3A_605, %reduce_max3A_606 [1] : vector<2000x16xf32> to vector<2000xf32>
      %broadcast_in_dim3A_608 = vector.shape_cast %reduce_max3A_607 : vector<2000xf32> to vector<2000x1xf32>
      %eq3A_609 = vector.broadcast %broadcast_in_dim3A_608 : vector<2000x1xf32> to vector<2000x16xf32>
      %eq3A_610 = arith.cmpf oeq, %bitcast_convert_type3A_549, %eq3A_609 : vector<2000x16xf32>
      %jit3A_611 = arith.constant 0xFF800000 : f32
      %broadcast_in_dim3A_612 = vector.broadcast %jit3A_611 : f32 to vector<2000x16xf32>
      %select_n3A_613 = arith.select %eq3A_610, %broadcast_in_dim3A_612, %select_n3A_597 : vector<2000x16xi1>, vector<2000x16xf32>
      %reduce_max3A_614 = arith.constant dense<0xFF800000> : vector<2000xf32>
      %reduce_max3A_615 = vector.multi_reduction <maximumf>, %select_n3A_613, %reduce_max3A_614 [1] : vector<2000x16xf32> to vector<2000xf32>
      %broadcast_in_dim3A_616 = vector.shape_cast %reduce_max3A_615 : vector<2000xf32> to vector<2000x1xf32>
      %eq3A_617 = vector.broadcast %broadcast_in_dim3A_616 : vector<2000x1xf32> to vector<2000x16xf32>
      %eq3A_618 = arith.cmpf oeq, %select_n3A_613, %eq3A_617 : vector<2000x16xf32>
      %jit3A_619 = arith.constant 0.000000e+00 : f32
      %broadcast_in_dim3A_620 = vector.broadcast %jit3A_619 : f32 to vector<2000x16xf32>
      %select_n3A_621 = arith.select %eq3A_618, %bitcast_convert_type3A_549, %broadcast_in_dim3A_620 : vector<2000x16xi1>, vector<2000x16xf32>
      %reduce_max3A_622 = arith.constant dense<0xFF800000> : vector<2000xf32>
      %reduce_max3A_623 = vector.multi_reduction <maximumf>, %select_n3A_621, %reduce_max3A_622 [1] : vector<2000x16xf32> to vector<2000xf32>
      %broadcast_in_dim3A_624 = vector.shape_cast %reduce_max3A_623 : vector<2000xf32> to vector<2000x1xf32>
      %eq3A_625 = vector.broadcast %broadcast_in_dim3A_624 : vector<2000x1xf32> to vector<2000x16xf32>
      %eq3A_626 = arith.cmpf oeq, %bitcast_convert_type3A_549, %eq3A_625 : vector<2000x16xf32>
      %jit3A_627 = arith.constant 0xFF800000 : f32
      %broadcast_in_dim3A_628 = vector.broadcast %jit3A_627 : f32 to vector<2000x16xf32>
      %select_n3A_629 = arith.select %eq3A_626, %broadcast_in_dim3A_628, %select_n3A_613 : vector<2000x16xi1>, vector<2000x16xf32>
      %reduce_max3A_630 = arith.constant dense<0xFF800000> : vector<2000xf32>
      %reduce_max3A_631 = vector.multi_reduction <maximumf>, %select_n3A_629, %reduce_max3A_630 [1] : vector<2000x16xf32> to vector<2000xf32>
      %broadcast_in_dim3A_632 = vector.shape_cast %reduce_max3A_631 : vector<2000xf32> to vector<2000x1xf32>
      %eq3A_633 = vector.broadcast %broadcast_in_dim3A_632 : vector<2000x1xf32> to vector<2000x16xf32>
      %eq3A_634 = arith.cmpf oeq, %select_n3A_629, %eq3A_633 : vector<2000x16xf32>
      %jit3A_635 = arith.constant 0.000000e+00 : f32
      %broadcast_in_dim3A_636 = vector.broadcast %jit3A_635 : f32 to vector<2000x16xf32>
      %select_n3A_637 = arith.select %eq3A_634, %bitcast_convert_type3A_549, %broadcast_in_dim3A_636 : vector<2000x16xi1>, vector<2000x16xf32>
      %reduce_max3A_638 = arith.constant dense<0xFF800000> : vector<2000xf32>
      %reduce_max3A_639 = vector.multi_reduction <maximumf>, %select_n3A_637, %reduce_max3A_638 [1] : vector<2000x16xf32> to vector<2000xf32>
      %broadcast_in_dim3A_640 = vector.shape_cast %reduce_max3A_639 : vector<2000xf32> to vector<2000x1xf32>
      %eq3A_641 = vector.broadcast %broadcast_in_dim3A_640 : vector<2000x1xf32> to vector<2000x16xf32>
      %eq3A_642 = arith.cmpf oeq, %bitcast_convert_type3A_549, %eq3A_641 : vector<2000x16xf32>
      %jit3A_643 = arith.constant 0xFF800000 : f32
      %broadcast_in_dim3A_644 = vector.broadcast %jit3A_643 : f32 to vector<2000x16xf32>
      %select_n3A_645 = arith.select %eq3A_642, %broadcast_in_dim3A_644, %select_n3A_629 : vector<2000x16xi1>, vector<2000x16xf32>
      %reduce_max3A_646 = arith.constant dense<0xFF800000> : vector<2000xf32>
      %reduce_max3A_647 = vector.multi_reduction <maximumf>, %select_n3A_645, %reduce_max3A_646 [1] : vector<2000x16xf32> to vector<2000xf32>
      %broadcast_in_dim3A_648 = vector.shape_cast %reduce_max3A_647 : vector<2000xf32> to vector<2000x1xf32>
      %eq3A_649 = vector.broadcast %broadcast_in_dim3A_648 : vector<2000x1xf32> to vector<2000x16xf32>
      %eq3A_650 = arith.cmpf oeq, %select_n3A_645, %eq3A_649 : vector<2000x16xf32>
      %jit3A_651 = arith.constant 0.000000e+00 : f32
      %broadcast_in_dim3A_652 = vector.broadcast %jit3A_651 : f32 to vector<2000x16xf32>
      %select_n3A_653 = arith.select %eq3A_650, %bitcast_convert_type3A_549, %broadcast_in_dim3A_652 : vector<2000x16xi1>, vector<2000x16xf32>
      %reduce_max3A_654 = arith.constant dense<0xFF800000> : vector<2000xf32>
      %reduce_max3A_655 = vector.multi_reduction <maximumf>, %select_n3A_653, %reduce_max3A_654 [1] : vector<2000x16xf32> to vector<2000xf32>
      %broadcast_in_dim3A_656 = vector.shape_cast %reduce_max3A_655 : vector<2000xf32> to vector<2000x1xf32>
      %eq3A_657 = vector.broadcast %broadcast_in_dim3A_656 : vector<2000x1xf32> to vector<2000x16xf32>
      %eq3A_658 = arith.cmpf oeq, %bitcast_convert_type3A_549, %eq3A_657 : vector<2000x16xf32>
      %jit3A_659 = arith.constant 0xFF800000 : f32
      %broadcast_in_dim3A_660 = vector.broadcast %jit3A_659 : f32 to vector<2000x16xf32>
      %select_n3A_661 = arith.select %eq3A_658, %broadcast_in_dim3A_660, %select_n3A_645 : vector<2000x16xi1>, vector<2000x16xf32>
      %reduce_max3A_662 = arith.constant dense<0xFF800000> : vector<2000xf32>
      %reduce_max3A_663 = vector.multi_reduction <maximumf>, %select_n3A_661, %reduce_max3A_662 [1] : vector<2000x16xf32> to vector<2000xf32>
      %broadcast_in_dim3A_664 = vector.shape_cast %reduce_max3A_663 : vector<2000xf32> to vector<2000x1xf32>
      %eq3A_665 = vector.broadcast %broadcast_in_dim3A_664 : vector<2000x1xf32> to vector<2000x16xf32>
      %eq3A_666 = arith.cmpf oeq, %select_n3A_661, %eq3A_665 : vector<2000x16xf32>
      %jit3A_667 = arith.constant 0.000000e+00 : f32
      %broadcast_in_dim3A_668 = vector.broadcast %jit3A_667 : f32 to vector<2000x16xf32>
      %select_n3A_669 = arith.select %eq3A_666, %bitcast_convert_type3A_549, %broadcast_in_dim3A_668 : vector<2000x16xi1>, vector<2000x16xf32>
      %reduce_max3A_670 = arith.constant dense<0xFF800000> : vector<2000xf32>
      %reduce_max3A_671 = vector.multi_reduction <maximumf>, %select_n3A_669, %reduce_max3A_670 [1] : vector<2000x16xf32> to vector<2000xf32>
      %broadcast_in_dim3A_672 = vector.shape_cast %reduce_max3A_671 : vector<2000xf32> to vector<2000x1xf32>
      %concatenate3A_673 = tpu.concatenate %broadcast_in_dim3A_560, %broadcast_in_dim3A_576, %broadcast_in_dim3A_592, %broadcast_in_dim3A_608, %broadcast_in_dim3A_624, %broadcast_in_dim3A_640, %broadcast_in_dim3A_656, %broadcast_in_dim3A_672 in 1 : vector<2000x1xf32>, vector<2000x1xf32>, vector<2000x1xf32>, vector<2000x1xf32>, vector<2000x1xf32>, vector<2000x1xf32>, vector<2000x1xf32>, vector<2000x1xf32> -> vector<2000x8xf32>
      %bitcast_convert_type3A_674 = tpu.bitcast %concatenate3A_673 : vector<2000x8xf32> -> vector<2000x8xi32>
      %shift_right_arithmetic3A_675 = arith.constant 23 : i32
      %shift_right_arithmetic3A_676 = vector.broadcast %shift_right_arithmetic3A_675 : i32 to vector<2000x8xi32>
      %shift_right_arithmetic3A_677 = arith.shrsi %bitcast_convert_type3A_674, %shift_right_arithmetic3A_676 : vector<2000x8xi32>
      %sub3A_678 = arith.constant 128 : i32
      %sub3A_679 = vector.broadcast %sub3A_678 : i32 to vector<2000x8xi32>
      %sub3A_680 = arith.subi %sub3A_679, %shift_right_arithmetic3A_677 : vector<2000x8xi32>
      %concatenate3A_681 = tpu.concatenate %broadcast_in_dim3A_552, %broadcast_in_dim3A_568, %broadcast_in_dim3A_584, %broadcast_in_dim3A_600, %broadcast_in_dim3A_616, %broadcast_in_dim3A_632, %broadcast_in_dim3A_648, %broadcast_in_dim3A_664 in 1 : vector<2000x1xf32>, vector<2000x1xf32>, vector<2000x1xf32>, vector<2000x1xf32>, vector<2000x1xf32>, vector<2000x1xf32>, vector<2000x1xf32>, vector<2000x1xf32> -> vector<2000x8xf32>
      %swap3A = arith.constant 0 : index
      %swap3A_682 = arith.constant 0 : index
      %swap3A_683 = vector.load %arg4[%swap3A, %swap3A_682] : memref<2000x8xf32, #tpu.memory_space<vmem>>, vector<2000x8xf32>
      tpu.vector_store %arg4[%swap3A, %swap3A_682], %concatenate3A_681 {strides = array<i32>} : memref<2000x8xf32, #tpu.memory_space<vmem>>, vector<2000x8xf32>,
      %lt3A_684 = arith.constant 0 : i32
      %lt3A_685 = vector.broadcast %lt3A_684 : i32 to vector<2000x8xi32>
      %lt3A_686 = arith.cmpi slt, %sub3A_680, %lt3A_685 : vector<2000x8xi32>
      %add3A_687 = arith.constant 16 : i32
      %add3A_688 = vector.broadcast %add3A_687 : i32 to vector<2000x8xi32>
      %add3A_689 = arith.addi %sub3A_680, %add3A_688 : vector<2000x8xi32>
      %select_n3A_690 = arith.select %lt3A_686, %add3A_689, %sub3A_680 : vector<2000x8xi1>, vector<2000x8xi32>
      %reshape3A_691 = vector.shape_cast %select_n3A_690 : vector<2000x8xi32> to vector<2000x8x1xi32>
      %gather3A_692 = vector.shape_cast %reshape3A_691 : vector<2000x8x1xi32> to vector<2000x8xi32>
      %gather3A_693 = tpu.dynamic_gather %concatenate3A_541[%gather3A_692] in [1] : vector<2000x16xf32>, vector<2000x8xi32> -> vector<2000x8xf32>
      %swap3A_694 = arith.constant 0 : index
      %swap3A_695 = arith.constant 0 : index
      %swap3A_696 = vector.load %arg5[%swap3A_694, %swap3A_695] : memref<2000x8xf32, #tpu.memory_space<vmem>>, vector<2000x8xf32>
      tpu.vector_store %arg5[%swap3A_694, %swap3A_695], %gather3A_693 {strides = array<i32>} : memref<2000x8xf32, #tpu.memory_space<vmem>>, vector<2000x8xf32>,
    } else {
    }
    return
  }
  func.func @transform_0(%arg0: i32, %arg1: i32) -> (i32, i32) {
    %c0_i32 = arith.constant 0 : i32
    %c0_i32_0 = arith.constant 0 : i32
    return %arg0, %c0_i32 : i32, i32
  }
  func.func @transform_1(%arg0: i32, %arg1: i32) -> (i32, i32) {
    %c0_i32 = arith.constant 0 : i32
    %c0_i32_0 = arith.constant 0 : i32
    return %c0_i32, %arg1 : i32, i32
  }
  func.func @transform_2(%arg0: i32, %arg1: i32) -> (i32, i32) {
    %c0_i32 = arith.constant 0 : i32
    %c0_i32_0 = arith.constant 0 : i32
    return %arg0, %c0_i32 : i32, i32
  }
  func.func @transform_3(%arg0: i32, %arg1: i32) -> (i32, i32) {
    %c0_i32 = arith.constant 0 : i32
    %c0_i32_0 = arith.constant 0 : i32
    return %arg0, %c0_i32 : i32, i32
  }
}

</mosaic_0001>

<sc_bundles>
// kernel: gather_offload_async_start
scs
__scs_entry_jumppad:
0x0: {  	(pc) =	sbr.rel $0x88, $3  }
0x1: {  	(tag) =	ssettag $0x0;
	lr =	simm.s32 $0x1  }
0x2: {  	[smem:$0x3F98] =	sst lr;
	_ =	strace $0xD0000000  }
0x3: {  	_ = 	snop  }
0x4: {  	_ = 	snop  }
0x5: {  	_ = 	snop  }
0x6: {  	_ = 	snop  }
0x7: {  	_ = 	snop  }
__scs_overlays_trampoline_lowered:
0x8: {  	[smem:$0x3FA7] =	sst s0  }
0x9: {  	[smem:$0x3FA8] =	sst s1  }
0xa: {  	[smem:$0x3FA9] =	sst s2  }
0xb: {  	[smem:$0x3FAA] =	sst s3  }
0xc: {  	[smem:$0x3FAB] =	sst s4  }
0xd: {  	[smem:$0x3FAC] =	sst s5  }
0xe: {  	[smem:$0x3FAD] =	sst s6  }
0xf: {  	[smem:$0x3FAE] =	sst s7  }
0x10: {  	[smem:$0x3FAF] =	sst s8  }
0x11: {  	[smem:$0x3FB0] =	sst s9;
	s0 =	simm.s32 @!p0 $0x0  }
0x12: {  	s1 =	sld [smem:$0x3F96];
	s0 =	simm.s32 @p0 $0x1  }
0x13: {  	[smem:$0x3FB1] =	sst s0;
	s0 =	simm.s32 @!p1 $0x0  }
0x14: {  	s2 =	sld [smem:$0x3F95];
	s0 =	simm.s32 @p1 $0x1  }
0x15: {  	[smem:$0x3FB2] =	sst s0;
	s0 =	simm.s32 @!p2 $0x0  }
0x16: {  	s3 =	sld [smem:$0x3FDB];
	s0 =	simm.s32 @p2 $0x1  }
0x17: {  	s4 =	simm.s32 $0x1BF5;
	[smem:$0x3FB4] =	sst s0  }
0x18: {  	s0 =	sld [smem:$0x3F97];
	_ =	swait.ge [sflag:s4], $0x0  }
0x19: {  	s7 =	sld [smem:$0x3F98]  }
0x1a: {  	s8 =	sadd.s32 $0xFFFFE003, lr  }
0x1b: {  	s9 =	sadd.s32 $0xFFFFFEF7, lr;
	s5 =	simm.s32 $0xFFFFFFFF;
	p2 =	slt.u32 s8, $0xFFFFF086  }
0x1c: {  	p1 =	slt.u32 s9, $0xF7A;
	s5 =	simm.s32 @!p2 $0x0  }
0x1d: {  	s5 =	simm.s32 @p1 $0x1;
	p0 =	seq.s32 s7, s2  }
0x1e: {  	s7 =	smul.u32 @!p0 $0xF7A, s2;
	p2 =	seq.s32 @!p0 s5, $0x0  }
0x1f: {  	s9 =	smul.u32 $0xF7A, s1;
	s8 =	simm.s32 @!p0 $0x1BF5;
	p2 =	por !p2, p0  }
0x20: {  	[sflag:s8] =	ssyncset.s32 @!p0 $0xFFFFF086;
	s6 =	sadd.s32 @!p0 s3, s7;
	s7 =	simm.s32 @!p0 $0x108  }
0x21: {  	s3 =	sadd.s32 s3, s9;
	s6 =	sadd.s32 @!p0 $0x88, s6;
	s7 =	simm.s32 @p2 $0x1082  }
0x22: {  	[simem:s7], [sflag:s8] =	dma.local @!p0 [hbm:s6], $0xF7A  }
0x23: {  	s9 =	sor.u32 $0xD0000000, s2;
	s6 =	simm.s32 $0x108;
	_ =	swait.ge @!p0 [sflag:s8], $0x0  }
0x24: {  	s3 =	sadd.s32 $0x88, s3;
	s6 =	simm.s32 @!p1 $0x1082;
	[sflag:s4] =	ssyncset.s32 $0xFFFFF086  }
0x25: {  	[simem:s6], [sflag:s4] =	dma.local [hbm:s3], $0xF7A  }
0x26: {  	[smem:$0x3F98] =	sst s1;
	(tag) =	ssettag s2;
	_ =	strace s9  }
0x27: {  	s1 =	sld [smem:$0x3FA8]  }
0x28: {  	s2 =	sld [smem:$0x3FA9]  }
0x29: {  	s4 =	sld [smem:$0x3FAB]  }
0x2a: {  	p0 =	seq.s32 s5, $0x0;
	s5 =	sld [smem:$0x3FAC]  }
0x2b: {  	s6 =	sld [smem:$0x3FAD]  }
0x2c: {  	s7 =	sld [smem:$0x3FAE]  }
0x2d: {  	s3 =	simm.s32 $0x108;
	s8 =	sld [smem:$0x3FAF]  }
0x2e: {  	s3 =	simm.s32 @!p0 $0x1082;
	s9 =	sld [smem:$0x3FB0]  }
0x2f: {  	lr =	sadd.s32 s0, s3;
	s0 =	sld [smem:$0x3FA7]  }
0x30: {  	s3 =	sld [smem:$0x3FAA]  }
0x31: {  	[smem:$0x3FB3] =	sst s10  }
0x32: {  	s10 =	sld [smem:$0x3FB1];
	_ =	sdelay $0x3  }
0x33: {  	p0 =	seq.s32 s10, $0x1;
	s10 =	sld [smem:$0x3FB3];
	_ =	sdelay $0x3  }
0x34: {  	[smem:$0x3FB3] =	sst s10  }
0x35: {  	s10 =	sld [smem:$0x3FB2];
	_ =	sdelay $0x3  }
0x36: {  	p1 =	seq.s32 s10, $0x1;
	s10 =	sld [smem:$0x3FB3];
	_ =	sdelay $0x3  }
0x37: {  	[smem:$0x3FB3] =	sst s10  }
0x38: {  	s10 =	sld [smem:$0x3FB4]  }
0x39: {  	_ = 	snop;
	(pc) =	sbr.ind lr, $3  }
0x3a: {  	_ = 	snop  }
0x3b: {  	_ = 	snop  }
0x3c: {  	p2 =	seq.s32 s10, $0x1;
	s10 =	sld [smem:$0x3FB3]  }
0x3d: {  	_ =	shalt  }
0x3e: {  	_ =	shalt  }
0x3f: {  	_ =	shalt  }
0x40: {  	_ =	shalt  }
0x41: {  	_ =	shalt  }
0x42: {  	_ =	shalt  }
0x43: {  	_ =	shalt  }
0x44: {  	_ =	shalt  }
0x45: {  	_ =	shalt  }
0x46: {  	_ =	shalt  }
0x47: {  	_ =	shalt  }
0x48: {  	_ =	shalt  }
0x49: {  	_ =	shalt  }
0x4a: {  	_ =	shalt  }
0x4b: {  	_ =	shalt  }
0x4c: {  	_ =	shalt  }
0x4d: {  	_ =	shalt  }
0x4e: {  	_ =	shalt  }
0x4f: {  	_ =	shalt  }
0x50: {  	_ =	shalt  }
0x51: {  	_ =	shalt  }
0x52: {  	_ =	shalt  }
0x53: {  	_ =	shalt  }
0x54: {  	_ =	shalt  }
0x55: {  	_ =	shalt  }
0x56: {  	_ =	shalt  }
0x57: {  	_ =	shalt  }
0x58: {  	_ =	shalt  }
0x59: {  	_ =	shalt  }
0x5a: {  	_ =	shalt  }
0x5b: {  	_ =	shalt  }
0x5c: {  	_ =	shalt  }
0x5d: {  	_ =	shalt  }
0x5e: {  	_ =	shalt  }
0x5f: {  	_ =	shalt  }
0x60: {  	_ =	shalt  }
0x61: {  	_ =	shalt  }
0x62: {  	_ =	shalt  }
0x63: {  	_ =	shalt  }
0x64: {  	_ =	shalt  }
0x65: {  	_ =	shalt  }
0x66: {  	_ =	shalt  }
0x67: {  	_ =	shalt  }
0x68: {  	_ =	shalt  }
0x69: {  	_ =	shalt  }
0x6a: {  	_ =	shalt  }
0x6b: {  	_ =	shalt  }
0x6c: {  	_ =	shalt  }
0x6d: {  	_ =	shalt  }
0x6e: {  	_ =	shalt  }
0x6f: {  	_ =	shalt  }
0x70: {  	_ =	shalt  }
0x71: {  	_ =	shalt  }
0x72: {  	_ =	shalt  }
0x73: {  	_ =	shalt  }
0x74: {  	_ =	shalt  }
0x75: {  	_ =	shalt  }
0x76: {  	_ =	shalt  }
0x77: {  	_ =	shalt  }
0x78: {  	_ =	shalt  }
0x79: {  	_ =	shalt  }
0x7a: {  	_ =	shalt  }
0x7b: {  	_ =	shalt  }
0x7c: {  	_ =	shalt  }
0x7d: {  	_ =	shalt  }
0x7e: {  	_ =	shalt  }
0x7f: {  	_ =	shalt  }
0x80: {  	_ =	shalt  }
0x81: {  	_ =	shalt  }
0x82: {  	_ =	shalt  }
0x83: {  	_ =	shalt  }
0x84: {  	_ =	shalt  }
0x85: {  	_ =	shalt  }
0x86: {  	_ =	shalt  }
0x87: {  	_ =	shalt  }
.Lfunc_end0:
.L_simem_size_0:
called_computation_lowered:
.L_overlay_start_0:
0x88: {  	s2 =	sld [smem:$0x3FD9]  }
0x89: {  	s3 =	sld [smem:$0x3FFE];
	_ =	sdelay $0x1  }
0x8a: {  	s1 =	srdreg.scid  }
0x8b: {  	s0 =	sand.u32 $0x1, s1  }
0x8c: {  	s17 =	sshll.u32 s0, $0xA;
	s2 =	sadd.s32 s3, s2  }
0x8d: {  	s2 =	sadd.s32 s2, s17  }
0x8e: {  	[smem:$0x3FBF] =	sst s2  }
0x8f: {  	_ = 	snop  }
0x90: {  	(tm) =	ssettm $0x1  }
0x91: {  	s18 =	sld [smem:$0x3FFB];
	_ =	sdelay $0x3  }
0x92: {  	_ =	strace s18  }
0x93: {  	s2 =	sld [smem:$0x3FFC];
	_ =	sdelay $0x3  }
0x94: {  	_ =	strace s2  }
0x95: {  	s2 =	sld [smem:$0x3FFD];
	_ =	sdelay $0x3  }
0x96: {  	_ =	strace s2  }
0x97: {  	_ =	strace $0x8FFFFFFF  }
0x98: {  	s19 =	sld [smem:$0x3FDB];
	_ =	sdelay $0x1  }
0x99: {  	s20 =	simm.s32 $_scs_section_size  }
0x9a: {  	s4 =	simm.s32 $_size__tile_overlayer_lowered;
	s5 =	simm.s32 $_tile_overlayer_lowered  }
0x9b: {  	s6 =	simm.s32 $0x1BFF;
	s21 =	sshll.u32 s5, $0x1;
	s3 =	sadd.s32 s20, s19  }
0x9c: {  	s22 =	simm.s32 $0x0;
	s4 =	sshll.u32 s4, $0x1;
	s5 =	sadd.s32 s21, s3  }
0x9d: {  	[timem:s22], [sflag:s6] =	dma.local [hbm:s5], s4  }
0x9e: {  	_ =	swait.ge [sflag:s6], s4  }
0x9f: {  	s4 =	ssub.s32 $0x0, s4;
	[sflag:s6] =	ssyncset.done $0x0  }
0xa0: {  	[sflag:s6] =	ssyncadd.s32 s4;
	_ =	sdelay $0x1  }
0xa1: {  	s23 =	simm.s32 $0x1B8B  }
0xa2: {  	_ =	swait.ge [sflag:s23], $0x1  }
0xa3: {  	[sflag:s23] =	ssyncset.done $0x0  }
0xa4: {  	[sflag:s23] =	ssyncadd.s32 $0xFFFFFFFF  }
0xa5: {  	s4 =	sld [smem:$0x0]  }
0xa6: {  	s5 =	sand.u32 $0xFFFFFFFE, s1  }
0xa7: {  	p0 =	sne.s32 s1, s5  }
0xa8: {  	s5 =	sshll.u32 @p0 s5, $0xE  }
0xa9: {  	s5 =	sadd.s32 @p0 $0x11B8D, s5;
	s6 =	sshll.u32 @p0 s4, $0x11  }
0xaa: {  	s5 =	sor.u32 @p0 s6, s5  }
0xab: {  	[sflag:s5] =	ssyncadd.remote.s32 @p0 $0x1;
	_ =	sdelay $0x1  }
0xac: {  	s5 =	simm.s32 @p0 $0x1B8D  }
0xad: {  	_ =	swait.eq @p0 [sflag:s5], $0x1  }
0xae: {  	[sflag:s5] =	ssyncadd.s32 @p0 $0xFFFFFFFF  }
0xaf: {  	s6 =	sshll.u32 @!p0 s1, $0xE  }
0xb0: {  	s6 =	sor.u32 @!p0 $0x4000, s6;
	s5 =	simm.s32 @!p0 $0x1B8D  }
0xb1: {  	s4 =	sshll.u32 @!p0 s4, $0x11;
	s6 =	sadd.s32 @!p0 $0x11B8D, s6;
	_ =	swait.eq @!p0 [sflag:s5], $0x1  }
0xb2: {  	s4 =	sor.u32 @!p0 s4, s6;
	[sflag:s5] =	ssyncadd.s32 @!p0 $0xFFFFFFFF  }
0xb3: {  	s25 =	simm.s32 $0x1B8E;
	s24 =	sld [smem:$0x3FFE];
	[sflag:s4] =	ssyncadd.remote.s32 @!p0 $0x1  }
0xb4: {  	s26 =	simm.s32 $execute0_lowered;
	[smem:$0x3FD2] =	sst s25  }
0xb5: {  	s5 =	sshll.u32 s26, $0x1;
	_ =	strace $0x80000052;
	[dreg:$0x1] =	wrdreg $0xFFFFFFFF  }
0xb6: {  	s28 =	simm.s32 $_size_execute0_lowered;
	s3 =	sadd.s32 s3, s5;
	[dreg:$0x0] =	wrdreg $0x0  }
0xb7: {  	s5 =	sshll.u32 s28, $0x1;
	[dreg:$0x2] =	wrdreg s3  }
0xb8: {  	[dreg:$0x3] =	wrdreg s5  }
0xb9: {  	[dreg:$0x4] =	wrdreg $0xC0  }
0xba: {  	_ =	task [dreg:s22], $0x5FFFF  }
0xbb: {  	[dreg:$0x1] =	wrdreg $0xFFFFFFFF  }
0xbc: {  	[dreg:$0x0] =	wrdreg $0x60  }
0xbd: {  	[dreg:$0x2] =	wrdreg s24  }
0xbe: {  	[dreg:$0x3] =	wrdreg $0x9  }
0xbf: {  	_ =	task.clear_ibuf [dreg:s22], $0x4FFFF;
	_ =	strace $0x90000052  }
0xc0: {  	s29 =	simm.s32 $0x9;
	_ =	strace $0x80000054  }
0xc1: {  	_ =	swait.ge [sflag:s29], $0x1  }
0xc2: {  	[sflag:s29] =	ssyncadd.s32 $0xFFFFFFFF  }
0xc3: {  	_ =	strace $0x90000054  }
0xc4: {  	_ =	sfence  }
0xc5: {  	s30 =	sld [smem:$0x0];
	_ =	sdelay $0x2  }
0xc6: {  	s31 =	sshll.u32 s1, $0xD;
	s1 =	sshrl.u32 s1, $0x2  }
0xc7: {  	s4 =	sand.u32 $0x4000, s31;
	s1 =	sadd.s32 s1, s30  }
0xc8: {  	s0 =	sor.u32 s4, s0;
	s1 =	sshll.u32 s1, $0x11  }
0xc9: {  	s0 =	sor.u32 s1, s0  }
0xca: {  	s0 =	sadd.s32 $0x8F2B, s0  }
0xcb: {  	[sflag:s0] =	ssyncadd.remote.s32 $0x1  }
0xcc: {  	_ =	sfence.sel $0xFFFF  }
0xcd: {  	[dreg:$0x0] =	wrdreg $0xFFFFFFFF;
	(pc) =	sbr.abs _section_cstart, $3  }
0xce: {  	[dreg:$0x1] =	wrdreg $0xFFFFFFFF  }
0xcf: {  	_ =	task.clear_ibuf [dreg:s22], $0x2FFFF;
	_ =	strace $0x9FFFFFFF  }
0xd0: {  	(tm) =	ssettm $0x7FFFFFFF  }
0xd1: {  	_ =	shalt  }
tec
execute0_lowered:
.L_overlay_start_1:
0x0: {  	(tag) =	ssettag $0x1  }
0x1: {  	s0 =	srdreg.scid  }
0x2: {  	s1 =	sshll.u32 s0, $0x4  }
0x3: {  	s0 =	stileid.u32;
	s1 =	sand.u32 $0x10, s1  }
0x4: {  	s1 =	sor.u32 s0, s1  }
0x5: {  	s2 =	smul.u32 $0x7, s1  }
0x6: {  	s3 =	smin.u32 s1, $0x1A  }
0x7: {  	s2 =	sadd.s32 s3, s2  }
0x8: {  	p0 =	slt.u32 s1, $0x1A;
	s1 =	simm.s32 $0xA00;
	s2 =	smul.u32 $0x140, s2  }
0x9: {  	s1 =	simm.s32 @!p0 $0x8C0  }
0xa: {  	s1 =	sadd.s32 s1, s2  }
0xb: {  	s3 =	smin.u32 s1, $0x13880  }
0xc: {  	s7 =	ssub.s32 s3, s2  }
0xd: {  	p0 =	sgt.s32 s7, $0x0  }
0xe: {  	s7 =	simm.s32 @!p0 $0x0  }
0xf: {  	s4 =	smulhi.u32 $0x66666667, s7  }
0x10: {  	s9 =	rddreg [dreg:$0x0];
	s6 =	simm.s32 $0x1;
	s11 =	simm.s32 $0x3  }
0x11: {  	s13 =	simm.s32 $0x0;
	s12 =	simm.s32 $0x0;
	s8 =	sshrl.u32 s4, $0x7  }
0x12: {  	s1 =	rddreg [dreg:$0x1];
	_ =	strace $0x80000053;
	s10 =	smul.u32 $0x140, s8  }
.Ltmp0:
0x13: {  	s5 =	sadd.s32 $0x1BA200, s9;
	[sflag:s6] =	ssyncpa.u1 $0x0;
	(pc) =	sbr.rel .LBB2_1-.Ltmp0, $4  }
0x14: {  	s4 =	sadd.s32 $0xCFA00, s9;
	p0 =	sne.s32 s7, s10;
	s10 =	simm.s32 $0x1  }
0x15: {  	s9 =	sadd.s32 $0x1BCA00, s9;
	s7 =	simm.s32 $0x2;
	s10 =	simm.s32 @!p0 $0x0  }
0x16: {  	[sflag:s7] =	ssyncpa.u1 $0x0;
	p0 =	por $0x0, $0x0;
	s8 =	sadd.s32 s10, s8  }
0x17: {  	vm0 =	vmmov $0xff;
	vm1 =	vcmask $0x3F20;
	[sflag:s11] =	ssyncpa.u1 $0x0;
	s11 =	smov.u32 s2;
	s10 =	sadd.s32 $0x1, s8  }
.LBB2_6:
0x18: {  	[hbm:s17] =	stream.linear.scatter [tilespmem:s14], [sflag:$0x3], $0x400, $0x38;
	[tilespmem:$0x14280] =	vst v63  }
.LBB2_7:
0x19: {  	s13 =	sadd.s32 $0x140, s11  }
0x1a: {  	s15 =	smov.u32 s2;
	p2 =	slt.s32 s13, s3  }
0x1b: {  	s15 =	smov.u32 @p2 s13;
	p2 =	sne.s32 s12, s10  }
.Ltmp1:
0x1c: {  	p1 =	slt.u32 s12, $0x2;
	(pc) =	sbr.rel @!p2 .LBB2_8-.Ltmp1, $4  }
0x1d: {  	s14 =	simm.s32 @!p1 $0x3  }
0x1e: {  	s16 =	sadd.s32 $0x1, s12;
	_ =	swait.ge @!p1 [sflag:s14], $0xA000  }
0x1f: {  	p0 =	por !p0, !p0;
	s13 =	smov.u32 s11;
	[sflag:s14] =	ssyncset.done @!p1 $0x0  }
0x20: {  	s12 =	smov.u32 s16;
	s11 =	smov.u32 s15;
	[sflag:s14] =	ssyncadd.s32 @!p1 $0xFFFF6000  }
.LBB2_1:
0x21: {  	p1 =	sge.u32 s12, s8  }
0x22: {  	s14 =	sxor.u32 @!p1 $0xFFFFFFFF, s12  }
0x23: {  	s14 =	sand.u32 @!p1 $0x1, s14  }
0x24: {  	s14 =	smul.u32 @!p1 $0x500, s14  }
0x25: {  	s31 =	sadd.s32 $0xFFFFFFFF, s12;
	s15 =	sshrl.u32 @!p1 s11, $0x3  }
0x26: {  	s16 =	sand.u32 @!p1 $0x7, s11;
	s15 =	sadd.s32 @!p1 s5, s15;
	s14 =	sshrl.u32 @!p1 s14, $0x2  }
0x27: {  	[tilespmem:s14], [sflag:$0x2] =	stream.linear.gather @!p1 [hbm4b:s15+s16], $0x140, $0x38;
	[tilespmem:$0x14280] =	vst v63  }
0x28: {  	p1 =	sge.u32 s31, s8  }
.Ltmp2:
0x29: {  	_ = 	snop;
	(pc) =	sbr.rel @p1 .LBB2_7-.Ltmp2, $1  }
0x2a: {  	_ =	sdelay $0x3  }
0x2b: {  	s14 =	simm.s32 $0x1  }
0x2c: {  	s14 =	simm.s32 @!p0 $0x0  }
0x2d: {  	s15 =	smul.u32 $0x500, s14  }
0x2e: {  	_ =	swait.ge [sflag:s7], $0x140  }
0x2f: {  	[sflag:s7] =	ssyncset.done $0x0;
	s16 =	sshrl.u32 s15, $0x2  }
0x30: {  	[sflag:s7] =	ssyncadd.s32 $0xFFFFFEC0;
	s15 =	sadd.s32 $0x0, s16  }
0x31: {  	v0 =	vld.msk [tilespmem:s15+$0x0 ss:$0x1], $0xffff;
	_ =	sdelay $0x4  }
0x32: {  	vm2 =	vgt.s32 v0, $0x0  }
0x33: {  	v0 =	vnsel vm2, $0x0, v0  }
0x34: {  	v0 =	vmin.u32 v0, $0xC34F  }
0x35: {  	v0 =	vshll.u32 v0, $0x4  }
0x36: {  	s14 =	smul.u32 $0x28000, s14;
	_ =	sdelay $0x1  }
0x37: {  	s14 =	sshrl.u32 s14, $0x2  }
0x38: {  	s14 =	sor.u32 $0x280, s14  }
0x39: {  	[tilespmem:s14], [sflag:$0x1] =	stream.indirect_vreg.gather [hbm:s4], $0x80, v0, vm0, $0x38;
	[tilespmem:$0x14280] =	vst v63  }
0x3a: {  	s17 =	sadd.s32 $0x10, s16;
	s15 =	sadd.s32 $0x400, s14  }
0x3b: {  	[tilespmem:s15], [sflag:$0x1] =	stream.indirect_vreg.gather [hbm:s4], $0x80, v0, vm1, $0x38;
	[tilespmem:$0x14280] =	vst v63  }
0x3c: {  	s18 =	simm.s32 $0x80;
	v0 =	vld.msk [tilespmem:s17+$0x0 ss:$0x1], $0xffff;
	s17 =	smov.u32 s14  }
.LBB2_3:
0x3d: {  	p1 =	sne.s32 s18, $0x4C0;
	_ =	sdelay $0x4  }
0x3e: {  	vm2 =	vgt.s32 v0, $0x0  }
0x3f: {  	v0 =	vnsel vm2, $0x0, v0  }
0x40: {  	v0 =	vmin.u32 v0, $0xC34F  }
0x41: {  	v0 =	vshll.u32 v0, $0x4;
	_ =	sdelay $0x3  }
.Ltmp3:
0x42: {  	s19 =	sshra.s32 s18, $0x2;
	s17 =	sadd.s32 $0x800, s17;
	(pc) =	sbr.rel @p1 .LBB2_3-.Ltmp3, $4  }
0x43: {  	[tilespmem:s17], [sflag:$0x1] =	stream.indirect_vreg.gather [hbm:s4], $0x80, v0, vm0, $0x38;
	[tilespmem:$0x14280] =	vst v63  }
0x44: {  	s19 =	sadd.s32 s19, s16;
	s20 =	sadd.s32 $0x400, s17  }
0x45: {  	[tilespmem:s20], [sflag:$0x1] =	stream.indirect_vreg.gather [hbm:s4], $0x80, v0, vm1, $0x38;
	[tilespmem:$0x14280] =	vst v63  }
0x46: {  	s18 =	sadd.s32 $0x40, s18;
	v0 =	vld.msk [tilespmem:s19+$0x0 ss:$0x1], $0xffff  }
0x47: {  	_ =	sdelay $0x3  }
0x48: {  	vm2 =	vgt.s32 v0, $0x0  }
0x49: {  	v0 =	vnsel vm2, $0x0, v0  }
0x4a: {  	v0 =	vmin.u32 v0, $0xC34F  }
0x4b: {  	v0 =	vshll.u32 v0, $0x4;
	_ =	sdelay $0x3  }
0x4c: {  	s16 =	sadd.s32 $0x800, s17  }
0x4d: {  	[tilespmem:s16], [sflag:$0x1] =	stream.indirect_vreg.gather [hbm:s4], $0x80, v0, vm0, $0x38;
	[tilespmem:$0x14280] =	vst v63  }
0x4e: {  	s16 =	sadd.s32 $0x400, s16  }
0x4f: {  	[tilespmem:s16], [sflag:$0x1] =	stream.indirect_vreg.gather [hbm:s4], $0x80, v0, vm1, $0x38;
	[tilespmem:$0x14280] =	vst v63  }
0x50: {  	s13 =	sshll.u32 s13, $0x4;
	_ =	swait.ge [sflag:s6], $0xA000  }
0x51: {  	s13 =	sadd.s32 s13, s9;
	[sflag:s6] =	ssyncset.done $0x0  }
0x52: {  	s17 =	sadd.s32 $0x0, s13;
	s16 =	simm.s32 $0x80;
	[sflag:s6] =	ssyncadd.s32 $0xFFFF6000  }
.LBB2_5:
0x53: {  	[hbm:s17] =	stream.linear.scatter [tilespmem:s14], [sflag:$0x3], $0x400, $0x38;
	[tilespmem:$0x14280] =	vst v63  }
0x54: {  	s17 =	smov.u32 s16;
	s14 =	smov.u32 s15;
	p1 =	sne.s32 s16, $0x1380  }
.Ltmp4:
0x55: {  	s16 =	sadd.s32 $0x80, s16;
	(pc) =	sbr.rel @p1 .LBB2_5-.Ltmp4, $2  }
0x56: {  	_ =	sdelay $0x2  }
0x57: {  	s15 =	sadd.s32 $0x400, s15;
	s17 =	sadd.s32 s17, s13  }
.Ltmp5:
0x58: {  	_ = 	snop;
	(pc) =	sbr.rel .LBB2_6-.Ltmp5, $1  }
0x59: {  	_ =	sdelay $0x3  }
.LBB2_8:
0x5a: {  	_ =	sfence.sel $0x180000  }
0x5b: {  	s2 =	simm.s32 $0x2;
	[bflag:$0x0] =	sbarrier.arrive $0xFFFF  }
0x5c: {  	s30 =	simm.s32 $0x3;
	[sflag:s2] =	ssyncpa.u1 $0x1  }
0x5d: {  	s31 =	simm.s32 $0x1;
	[sflag:s30] =	ssyncpa.u1 $0x1  }
0x5e: {  	[sflag:s31] =	ssyncpa.u1 $0x1  }
0x5f: {  	p0 =	sne.s32 s0, $0x0;
	_ =	strace $0x90000053  }
0x60: {  	s0 =	sadd.s32 @!p0 $0x100000, s1;
	[bflag:$0x2] =	sbarrier.arrive $0xFFFF  }
0x61: {  	[sflag:s0] =	ssyncadd.tile.s32 @!p0 $0x1;
	_ =	shalt  }
.Lfunc_end2:
_tile_overlayer_lowered:
.L_overlay_start_2:
0x62: {  	(tag) =	ssettag $0x2  }
0x63: {  	s0 =	rddreg [dreg:$0x0];
	s2 =	stileid.u32  }
0x64: {  	s1 =	rddreg [dreg:$0x1];
	p0 =	sne.s32 s2, $0x0  }
0x65: {  	s3 =	rddreg [dreg:$0x2];
	[bflag:$0x3] =	sbarrier.arrive $0xFFFF;
	s2 =	simm.s32 @!p0 $0x1C01  }
0x66: {  	[timem:s3], [sflag:s2] =	dma.local @!p0 [hbm:s0], s1  }
0x67: {  	s0 =	simm.s32 @!p0 $0x1  }
0x68: {  	_ =	swait.ge @!p0 [sflag:s0], s1  }
0x69: {  	s1 =	ssub.s32 @!p0 $0x0, s1;
	[sflag:s0] =	ssyncset.done @!p0 $0x0  }
0x6a: {  	[sflag:s0] =	ssyncadd.s32 @!p0 s1  }
0x6b: {  	[bflag:$0x3] =	sbarrier.arrive $0xFFFF  }
0x6c: {  	_ =	shalt  }

// kernel: kernel.11.cloned.1.call-start
scs
__scs_entry_jumppad:
0x0: {  	(pc) =	sbr.rel $0x88, $3  }
0x1: {  	(tag) =	ssettag $0x0;
	lr =	simm.s32 $0x1  }
0x2: {  	[smem:$0x3F98] =	sst lr;
	_ =	strace $0xD0000000  }
0x3: {  	_ = 	snop  }
0x4: {  	_ = 	snop  }
0x5: {  	_ = 	snop  }
0x6: {  	_ = 	snop  }
0x7: {  	_ = 	snop  }
__scs_overlays_trampoline_lowered:
0x8: {  	[smem:$0x3FA7] =	sst s0  }
0x9: {  	[smem:$0x3FA8] =	sst s1  }
0xa: {  	[smem:$0x3FA9] =	sst s2  }
0xb: {  	[smem:$0x3FAA] =	sst s3  }
0xc: {  	[smem:$0x3FAB] =	sst s4  }
0xd: {  	[smem:$0x3FAC] =	sst s5  }
0xe: {  	[smem:$0x3FAD] =	sst s6  }
0xf: {  	[smem:$0x3FAE] =	sst s7  }
0x10: {  	[smem:$0x3FAF] =	sst s8  }
0x11: {  	[smem:$0x3FB0] =	sst s9;
	s0 =	simm.s32 @!p0 $0x0  }
0x12: {  	s1 =	sld [smem:$0x3F96];
	s0 =	simm.s32 @p0 $0x1  }
0x13: {  	[smem:$0x3FB1] =	sst s0;
	s0 =	simm.s32 @!p1 $0x0  }
0x14: {  	s2 =	sld [smem:$0x3F95];
	s0 =	simm.s32 @p1 $0x1  }
0x15: {  	[smem:$0x3FB2] =	sst s0;
	s0 =	simm.s32 @!p2 $0x0  }
0x16: {  	s3 =	sld [smem:$0x3FDB];
	s0 =	simm.s32 @p2 $0x1  }
0x17: {  	s4 =	simm.s32 $0x1BF5;
	[smem:$0x3FB4] =	sst s0  }
0x18: {  	s0 =	sld [smem:$0x3F97];
	_ =	swait.ge [sflag:s4], $0x0  }
0x19: {  	s7 =	sld [smem:$0x3F98]  }
0x1a: {  	s8 =	sadd.s32 $0xFFFFE003, lr  }
0x1b: {  	s9 =	sadd.s32 $0xFFFFFEF7, lr;
	s5 =	simm.s32 $0xFFFFFFFF;
	p2 =	slt.u32 s8, $0xFFFFF086  }
0x1c: {  	p1 =	slt.u32 s9, $0xF7A;
	s5 =	simm.s32 @!p2 $0x0  }
0x1d: {  	s5 =	simm.s32 @p1 $0x1;
	p0 =	seq.s32 s7, s2  }
0x1e: {  	s7 =	smul.u32 @!p0 $0xF7A, s2;
	p2 =	seq.s32 @!p0 s5, $0x0  }
0x1f: {  	s9 =	smul.u32 $0xF7A, s1;
	s8 =	simm.s32 @!p0 $0x1BF5;
	p2 =	por !p2, p0  }
0x20: {  	[sflag:s8] =	ssyncset.s32 @!p0 $0xFFFFF086;
	s6 =	sadd.s32 @!p0 s3, s7;
	s7 =	simm.s32 @!p0 $0x108  }
0x21: {  	s3 =	sadd.s32 s3, s9;
	s6 =	sadd.s32 @!p0 $0x88, s6;
	s7 =	simm.s32 @p2 $0x1082  }
0x22: {  	[simem:s7], [sflag:s8] =	dma.local @!p0 [hbm:s6], $0xF7A  }
0x23: {  	s9 =	sor.u32 $0xD0000000, s2;
	s6 =	simm.s32 $0x108;
	_ =	swait.ge @!p0 [sflag:s8], $0x0  }
0x24: {  	s3 =	sadd.s32 $0x88, s3;
	s6 =	simm.s32 @!p1 $0x1082;
	[sflag:s4] =	ssyncset.s32 $0xFFFFF086  }
0x25: {  	[simem:s6], [sflag:s4] =	dma.local [hbm:s3], $0xF7A  }
0x26: {  	[smem:$0x3F98] =	sst s1;
	(tag) =	ssettag s2;
	_ =	strace s9  }
0x27: {  	s1 =	sld [smem:$0x3FA8]  }
0x28: {  	s2 =	sld [smem:$0x3FA9]  }
0x29: {  	s4 =	sld [smem:$0x3FAB]  }
0x2a: {  	p0 =	seq.s32 s5, $0x0;
	s5 =	sld [smem:$0x3FAC]  }
0x2b: {  	s6 =	sld [smem:$0x3FAD]  }
0x2c: {  	s7 =	sld [smem:$0x3FAE]  }
0x2d: {  	s3 =	simm.s32 $0x108;
	s8 =	sld [smem:$0x3FAF]  }
0x2e: {  	s3 =	simm.s32 @!p0 $0x1082;
	s9 =	sld [smem:$0x3FB0]  }
0x2f: {  	lr =	sadd.s32 s0, s3;
	s0 =	sld [smem:$0x3FA7]  }
0x30: {  	s3 =	sld [smem:$0x3FAA]  }
0x31: {  	[smem:$0x3FB3] =	sst s10  }
0x32: {  	s10 =	sld [smem:$0x3FB1];
	_ =	sdelay $0x3  }
0x33: {  	p0 =	seq.s32 s10, $0x1;
	s10 =	sld [smem:$0x3FB3];
	_ =	sdelay $0x3  }
0x34: {  	[smem:$0x3FB3] =	sst s10  }
0x35: {  	s10 =	sld [smem:$0x3FB2];
	_ =	sdelay $0x3  }
0x36: {  	p1 =	seq.s32 s10, $0x1;
	s10 =	sld [smem:$0x3FB3];
	_ =	sdelay $0x3  }
0x37: {  	[smem:$0x3FB3] =	sst s10  }
0x38: {  	s10 =	sld [smem:$0x3FB4]  }
0x39: {  	_ = 	snop;
	(pc) =	sbr.ind lr, $3  }
0x3a: {  	_ = 	snop  }
0x3b: {  	_ = 	snop  }
0x3c: {  	p2 =	seq.s32 s10, $0x1;
	s10 =	sld [smem:$0x3FB3]  }
0x3d: {  	_ =	shalt  }
0x3e: {  	_ =	shalt  }
0x3f: {  	_ =	shalt  }
0x40: {  	_ =	shalt  }
0x41: {  	_ =	shalt  }
0x42: {  	_ =	shalt  }
0x43: {  	_ =	shalt  }
0x44: {  	_ =	shalt  }
0x45: {  	_ =	shalt  }
0x46: {  	_ =	shalt  }
0x47: {  	_ =	shalt  }
0x48: {  	_ =	shalt  }
0x49: {  	_ =	shalt  }
0x4a: {  	_ =	shalt  }
0x4b: {  	_ =	shalt  }
0x4c: {  	_ =	shalt  }
0x4d: {  	_ =	shalt  }
0x4e: {  	_ =	shalt  }
0x4f: {  	_ =	shalt  }
0x50: {  	_ =	shalt  }
0x51: {  	_ =	shalt  }
0x52: {  	_ =	shalt  }
0x53: {  	_ =	shalt  }
0x54: {  	_ =	shalt  }
0x55: {  	_ =	shalt  }
0x56: {  	_ =	shalt  }
0x57: {  	_ =	shalt  }
0x58: {  	_ =	shalt  }
0x59: {  	_ =	shalt  }
0x5a: {  	_ =	shalt  }
0x5b: {  	_ =	shalt  }
0x5c: {  	_ =	shalt  }
0x5d: {  	_ =	shalt  }
0x5e: {  	_ =	shalt  }
0x5f: {  	_ =	shalt  }
0x60: {  	_ =	shalt  }
0x61: {  	_ =	shalt  }
0x62: {  	_ =	shalt  }
0x63: {  	_ =	shalt  }
0x64: {  	_ =	shalt  }
0x65: {  	_ =	shalt  }
0x66: {  	_ =	shalt  }
0x67: {  	_ =	shalt  }
0x68: {  	_ =	shalt  }
0x69: {  	_ =	shalt  }
0x6a: {  	_ =	shalt  }
0x6b: {  	_ =	shalt  }
0x6c: {  	_ =	shalt  }
0x6d: {  	_ =	shalt  }
0x6e: {  	_ =	shalt  }
0x6f: {  	_ =	shalt  }
0x70: {  	_ =	shalt  }
0x71: {  	_ =	shalt  }
0x72: {  	_ =	shalt  }
0x73: {  	_ =	shalt  }
0x74: {  	_ =	shalt  }
0x75: {  	_ =	shalt  }
0x76: {  	_ =	shalt  }
0x77: {  	_ =	shalt  }
0x78: {  	_ =	shalt  }
0x79: {  	_ =	shalt  }
0x7a: {  	_ =	shalt  }
0x7b: {  	_ =	shalt  }
0x7c: {  	_ =	shalt  }
0x7d: {  	_ =	shalt  }
0x7e: {  	_ =	shalt  }
0x7f: {  	_ =	shalt  }
0x80: {  	_ =	shalt  }
0x81: {  	_ =	shalt  }
0x82: {  	_ =	shalt  }
0x83: {  	_ =	shalt  }
0x84: {  	_ =	shalt  }
0x85: {  	_ =	shalt  }
0x86: {  	_ =	shalt  }
0x87: {  	_ =	shalt  }
.Lfunc_end0:
.L_simem_size_0:
called_computation.2_lowered:
.L_overlay_start_0:
0x88: {  	s2 =	sld [smem:$0x3FD9]  }
0x89: {  	s3 =	sld [smem:$0x3FFE];
	_ =	sdelay $0x1  }
0x8a: {  	s1 =	srdreg.scid  }
0x8b: {  	s0 =	sand.u32 $0x1, s1  }
0x8c: {  	s17 =	sshll.u32 s0, $0xA;
	s2 =	sadd.s32 s3, s2  }
0x8d: {  	s2 =	sadd.s32 s2, s17  }
0x8e: {  	[smem:$0x3FBF] =	sst s2  }
0x8f: {  	_ = 	snop  }
0x90: {  	s18 =	sld [smem:$0x3FD0];
	(tm) =	ssettm $0x1  }
0x91: {  	s19 =	sld [smem:$0x3FFB];
	_ =	sdelay $0x3  }
0x92: {  	_ =	strace s19  }
0x93: {  	s2 =	sld [smem:$0x3FFC];
	_ =	sdelay $0x3  }
0x94: {  	_ =	strace s2  }
0x95: {  	s2 =	sld [smem:$0x3FFD];
	_ =	sdelay $0x3  }
0x96: {  	_ =	strace s2  }
0x97: {  	_ =	strace $0x8FFFFFFF  }
0x98: {  	s20 =	sld [smem:$0x3FDB];
	_ =	sdelay $0x1  }
0x99: {  	s4 =	simm.s32 $_scs_section_size  }
0x9a: {  	s5 =	simm.s32 $_size__tile_overlayer_lowered;
	s6 =	simm.s32 $_tile_overlayer_lowered  }
0x9b: {  	s7 =	simm.s32 $0x1BFF;
	s21 =	sshll.u32 s6, $0x1;
	s4 =	sadd.s32 s4, s20  }
0x9c: {  	s22 =	simm.s32 $0x0;
	s5 =	sshll.u32 s5, $0x1;
	s6 =	sadd.s32 s21, s4  }
0x9d: {  	[timem:s22], [sflag:s7] =	dma.local [hbm:s6], s5  }
0x9e: {  	_ =	swait.ge [sflag:s7], s5  }
0x9f: {  	s5 =	ssub.s32 $0x0, s5;
	[sflag:s7] =	ssyncset.done $0x0  }
0xa0: {  	[sflag:s7] =	ssyncadd.s32 s5;
	_ =	sdelay $0x1  }
0xa1: {  	s23 =	simm.s32 $0x1B8B  }
0xa2: {  	_ =	swait.ge [sflag:s23], $0x1  }
0xa3: {  	[sflag:s23] =	ssyncset.done $0x0  }
0xa4: {  	[sflag:s23] =	ssyncadd.s32 $0xFFFFFFFF  }
0xa5: {  	s5 =	sld [smem:$0x0]  }
0xa6: {  	s6 =	sand.u32 $0xFFFFFFFE, s1  }
0xa7: {  	p0 =	sne.s32 s1, s6  }
0xa8: {  	s6 =	sshll.u32 @p0 s6, $0xE  }
0xa9: {  	s6 =	sadd.s32 @p0 $0x11B8D, s6;
	s7 =	sshll.u32 @p0 s5, $0x11  }
0xaa: {  	s6 =	sor.u32 @p0 s7, s6  }
0xab: {  	[sflag:s6] =	ssyncadd.remote.s32 @p0 $0x1;
	_ =	sdelay $0x1  }
0xac: {  	s6 =	simm.s32 @p0 $0x1B8D  }
0xad: {  	_ =	swait.eq @p0 [sflag:s6], $0x1  }
0xae: {  	[sflag:s6] =	ssyncadd.s32 @p0 $0xFFFFFFFF  }
0xaf: {  	s7 =	sshll.u32 @!p0 s1, $0xE  }
0xb0: {  	s7 =	sor.u32 @!p0 $0x4000, s7;
	s6 =	simm.s32 @!p0 $0x1B8D  }
0xb1: {  	s5 =	sshll.u32 @!p0 s5, $0x11;
	s7 =	sadd.s32 @!p0 $0x11B8D, s7;
	_ =	swait.eq @!p0 [sflag:s6], $0x1  }
0xb2: {  	s5 =	sor.u32 @!p0 s5, s7;
	[sflag:s6] =	ssyncadd.s32 @!p0 $0xFFFFFFFF  }
0xb3: {  	s25 =	simm.s32 $0x1B8E;
	s24 =	sld [smem:$0x3FFE];
	[sflag:s5] =	ssyncadd.remote.s32 @!p0 $0x1  }
0xb4: {  	s26 =	simm.s32 $execute0_lowered;
	[smem:$0x3FD2] =	sst s25  }
0xb5: {  	s6 =	sshll.u32 s26, $0x1;
	_ =	strace $0x80000049;
	[dreg:$0x1] =	wrdreg $0xFFFFFFFF  }
0xb6: {  	s28 =	simm.s32 $_size_execute0_lowered;
	s4 =	sadd.s32 s4, s6;
	[dreg:$0x0] =	wrdreg $0x0  }
0xb7: {  	s6 =	sshll.u32 s28, $0x1;
	[dreg:$0x2] =	wrdreg s4  }
0xb8: {  	[dreg:$0x3] =	wrdreg s6  }
0xb9: {  	[dreg:$0x4] =	wrdreg $0xC0  }
0xba: {  	_ =	task [dreg:s22], $0x5FFFF  }
0xbb: {  	[dreg:$0x1] =	wrdreg $0xFFFFFFFF  }
0xbc: {  	[dreg:$0x0] =	wrdreg $0x60  }
0xbd: {  	[dreg:$0x2] =	wrdreg s24  }
0xbe: {  	[dreg:$0x3] =	wrdreg s18  }
0xbf: {  	[dreg:$0x4] =	wrdreg $0x66000  }
0xc0: {  	[dreg:$0x5] =	wrdreg $0xA  }
0xc1: {  	_ =	task.clear_ibuf [dreg:s22], $0x6FFFF;
	_ =	strace $0x90000049  }
0xc2: {  	s29 =	simm.s32 $0xA;
	_ =	strace $0x8000004B  }
0xc3: {  	_ =	swait.ge [sflag:s29], $0x1  }
0xc4: {  	[sflag:s29] =	ssyncadd.s32 $0xFFFFFFFF  }
0xc5: {  	_ =	strace $0x9000004B  }
0xc6: {  	_ =	sfence  }
0xc7: {  	s30 =	sld [smem:$0x0];
	_ =	sdelay $0x2  }
0xc8: {  	s31 =	sshll.u32 s1, $0xD;
	s1 =	sshrl.u32 s1, $0x2  }
0xc9: {  	s4 =	sand.u32 $0x4000, s31;
	s1 =	sadd.s32 s1, s30  }
0xca: {  	s0 =	sor.u32 s4, s0;
	s1 =	sshll.u32 s1, $0x11  }
0xcb: {  	s0 =	sor.u32 s1, s0  }
0xcc: {  	s0 =	sadd.s32 $0x8F2B, s0  }
0xcd: {  	[sflag:s0] =	ssyncadd.remote.s32 $0x1  }
0xce: {  	_ =	sfence.sel $0xFFFF  }
0xcf: {  	[dreg:$0x0] =	wrdreg $0xFFFFFFFF;
	(pc) =	sbr.abs _section_cstart, $3  }
0xd0: {  	[dreg:$0x1] =	wrdreg $0xFFFFFFFF  }
0xd1: {  	_ =	task.clear_ibuf [dreg:s22], $0x2FFFF;
	_ =	strace $0x9FFFFFFF  }
0xd2: {  	(tm) =	ssettm $0x7FFFFFFF  }
0xd3: {  	_ =	shalt  }
tec
execute0_lowered:
.L_overlay_start_1:
0x0: {  	(tag) =	ssettag $0x1  }
0x1: {  	s5 =	rddreg [dreg:$0x0];
	s1 =	srdreg.scid  }
0x2: {  	s0 =	stileid.u32;
	s9 =	rddreg [dreg:$0x1]  }
0x3: {  	s2 =	rddreg [dreg:$0x2];
	s3 =	simm.s32 $0x0;
	s4 =	smul.u32 $0x2710, s0  }
0x4: {  	s15 =	simm.s32 $0x200;
	s16 =	simm.s32 $0x1;
	s28 =	smul.u32 $0x14000, s0  }
0x5: {  	s6 =	sand.u32 $0x1, s1;
	s1 =	rddreg [dreg:$0x3];
	s29 =	smul.u32 $0x50000, s0  }
0x6: {  	s17 =	simm.s32 $0x0;
	[smem:$0x7FF] =	sst s3;
	s7 =	smul.u32 $0x1388, s6  }
0x7: {  	s31 =	sshll.u32 s0, $0x6;
	s8 =	smul.u32 $0x140000, s6;
	s6 =	ssub.s32 $0x2, s6  }
0x8: {  	_ =	strace $0x8000004A;
	s12 =	sshrl.u32 s28, $0x3;
	s13 =	sshrl.u32 s6, $0x1  }
0x9: {  	s30 =	sshrl.u32 s29, $0x2;
	s4 =	sadd.s32 s7, s4;
	s7 =	sadd.s32 s28, s8  }
0xa: {  	s12 =	sadd.s32 s12, s5;
	s13 =	ssub.s32 s6, s13;
	s14 =	sadd.s32 s30, s2  }
0xb: {  	s6 =	sor.u32 $0x1C02, s31;
	s10 =	sshrl.u32 s4, $0x3;
	s4 =	sadd.s32 $0x81E00, s5  }
0xc: {  	s7 =	sshrl.u32 s7, $0x3;
	s8 =	smax.u32 s13, $0x1;
	s13 =	simm.s32 $0x100  }
0xd: {  	s11 =	sadd.s32 s10, s5;
	s7 =	sadd.s32 s7, s5;
	s5 =	sadd.s32 $0x9000, s12  }
0xe: {  	s9 =	sadd.s32 s10, s9;
	s12 =	simm.s32 $0x2;
	s7 =	sadd.s32 $0xA9000, s7  }
0xf: {  	s10 =	sadd.s32 $0x4000, s11;
	s11 =	sshrl.u32 s14, $0x3;
	s14 =	simm.s32 $0xC8  }
.LBB2_1:
0x10: {  	[spmem:s11], [sflag:s6] =	dma.local [hbm:s5], $0x2800  }
0x11: {  	_ =	swait.ge [sflag:s12], $0x2800  }
0x12: {  	[sflag:s12] =	ssyncset.done $0x0  }
0x13: {  	[sflag:s12] =	ssyncadd.s32 $0xFFFFD800  }
0x14: {  	s18 =	sadd.s32 $0x0, s10;
	[bflag:$0x0] =	sbarrier.arrive $0xFFFF  }
0x15: {  	[tilespmem:s3], [sflag:$0x2] =	stream.linear.gather [hbm4b:s18+s3], $0xC8, $0x38;
	[tilespmem:$0x1A600] =	vst v63  }
0x16: {  	_ =	swait.ge [sflag:s12], $0xC8  }
0x17: {  	[sflag:s12] =	ssyncset.done $0x0  }
0x18: {  	s31 =	sadd.s32 $0x0, s9;
	[sflag:s12] =	ssyncadd.s32 $0xFFFFFF38  }
0x19: {  	[tilespmem:s13], [sflag:$0x2] =	stream.linear.gather [hbm4b:s31+s3], $0xC8, $0x38;
	[tilespmem:$0x1A600] =	vst v63  }
0x1a: {  	_ =	swait.ge [sflag:s12], $0xC8  }
0x1b: {  	[sflag:s12] =	ssyncset.done $0x0  }
0x1c: {  	[sflag:s12] =	ssyncadd.s32 $0xFFFFFF38  }
0x1d: {  	[tilespmem:s15], [sflag:$0x1] =	stream.indirect.gather [hbm4b:s4+s14], $0x80, s3, s14, $0xb8;
	[tilespmem:$0x1A600] =	vst v63  }
0x1e: {  	_ =	swait.ge [sflag:s16], $0x6400  }
0x1f: {  	[sflag:s16] =	ssyncset.done $0x0  }
0x20: {  	[sflag:s16] =	ssyncadd.s32 $0xFFFF9C00  }
0x21: {  	[spmem:s2] =	stream.indirect.scatter.add.f32 [tilespmem:s15], [sflag:$0x2], $0x80, s13, s14, $0xb8;
	[tilespmem:$0x1A600] =	vst v63  }
0x22: {  	_ =	swait.ge [sflag:s12], $0x6400  }
0x23: {  	s19 =	simm.s32 $0x32;
	s18 =	simm.s32 $0x19;
	[sflag:s12] =	ssyncset.done $0x0  }
.LBB2_2:
0x24: {  	s20 =	sadd.s32 s18, s10  }
0x25: {  	[sflag:s12] =	ssyncadd.s32 $0xFFFF9C00;
	s21 =	smov.u32 s19;
	s22 =	sadd.s32 $0x19, s19  }
0x26: {  	[tilespmem:s3], [sflag:$0x2] =	stream.linear.gather [hbm4b:s20+s3], $0xC8, $0x38;
	[tilespmem:$0x1A600] =	vst v63  }
0x27: {  	p0 =	sne.s32 s19, $0x258;
	_ =	swait.ge [sflag:s12], $0xC8  }
0x28: {  	[sflag:s12] =	ssyncset.done $0x0  }
0x29: {  	s19 =	sadd.s32 s18, s9;
	s18 =	smov.u32 s21;
	[sflag:s12] =	ssyncadd.s32 $0xFFFFFF38  }
0x2a: {  	[tilespmem:s13], [sflag:$0x2] =	stream.linear.gather [hbm4b:s19+s3], $0xC8, $0x38;
	[tilespmem:$0x1A600] =	vst v63  }
0x2b: {  	_ =	swait.ge [sflag:s12], $0xC8  }
0x2c: {  	[sflag:s12] =	ssyncset.done $0x0  }
0x2d: {  	[sflag:s12] =	ssyncadd.s32 $0xFFFFFF38  }
0x2e: {  	[tilespmem:s15], [sflag:$0x1] =	stream.indirect.gather [hbm4b:s4+s14], $0x80, s3, s14, $0xb8;
	[tilespmem:$0x1A600] =	vst v63  }
0x2f: {  	_ =	swait.ge [sflag:s16], $0x6400  }
.Ltmp0:
0x30: {  	[sflag:s16] =	ssyncset.done $0x0;
	(pc) =	sbr.rel @p0 .LBB2_2-.Ltmp0, $4  }
0x31: {  	[sflag:s16] =	ssyncadd.s32 $0xFFFF9C00  }
0x32: {  	[spmem:s2] =	stream.indirect.scatter.add.f32 [tilespmem:s15], [sflag:$0x2], $0x80, s13, s14, $0xb8;
	[tilespmem:$0x1A600] =	vst v63  }
0x33: {  	_ =	swait.ge [sflag:s12], $0x6400  }
0x34: {  	s19 =	smov.u32 s22;
	[sflag:s12] =	ssyncset.done $0x0  }
0x35: {  	s19 =	sadd.s32 s18, s10;
	[sflag:s12] =	ssyncadd.s32 $0xFFFF9C00  }
0x36: {  	[tilespmem:s3], [sflag:$0x2] =	stream.linear.gather [hbm4b:s19+s3], $0xC8, $0x38;
	[tilespmem:$0x1A600] =	vst v63  }
0x37: {  	_ =	swait.ge [sflag:s12], $0xC8  }
0x38: {  	[sflag:s12] =	ssyncset.done $0x0  }
0x39: {  	s31 =	sadd.s32 s18, s9;
	[sflag:s12] =	ssyncadd.s32 $0xFFFFFF38  }
0x3a: {  	[tilespmem:s13], [sflag:$0x2] =	stream.linear.gather [hbm4b:s31+s3], $0xC8, $0x38;
	[tilespmem:$0x1A600] =	vst v63  }
0x3b: {  	_ =	swait.ge [sflag:s12], $0xC8  }
0x3c: {  	[sflag:s12] =	ssyncset.done $0x0  }
0x3d: {  	[sflag:s12] =	ssyncadd.s32 $0xFFFFFF38  }
0x3e: {  	[tilespmem:s15], [sflag:$0x1] =	stream.indirect.gather [hbm4b:s4+s14], $0x80, s3, s14, $0xb8;
	[tilespmem:$0x1A600] =	vst v63  }
0x3f: {  	_ =	swait.ge [sflag:s16], $0x6400  }
0x40: {  	[sflag:s16] =	ssyncset.done $0x0  }
0x41: {  	[sflag:s16] =	ssyncadd.s32 $0xFFFF9C00  }
0x42: {  	[spmem:s2] =	stream.indirect.scatter.add.f32 [tilespmem:s15], [sflag:$0x2], $0x80, s13, s14, $0xb8;
	[tilespmem:$0x1A600] =	vst v63  }
0x43: {  	_ =	swait.ge [sflag:s12], $0x6400  }
0x44: {  	s17 =	sadd.s32 $0x1, s17;
	[sflag:s12] =	ssyncset.done $0x0  }
0x45: {  	p0 =	sne.s32 s17, s8;
	[sflag:s12] =	ssyncadd.s32 $0xFFFF9C00  }
.Ltmp1:
0x46: {  	[bflag:$0x0] =	sbarrier.arrive $0xFFFF;
	(pc) =	sbr.rel @p0 .LBB2_1-.Ltmp1, $4  }
0x47: {  	[hbm:s7], [sflag:s6] =	dma.local [spmem:s11], $0x2800  }
0x48: {  	_ =	swait.ge [sflag:s12], $0x2800  }
0x49: {  	[sflag:s12] =	ssyncset.done $0x0  }
0x4a: {  	[sflag:s12] =	ssyncadd.s32 $0xFFFFD800  }
0x4b: {  	_ =	sfence.sel $0x180000  }
0x4c: {  	[bflag:$0x0] =	sbarrier.arrive $0xFFFF  }
0x4d: {  	p0 =	sne.s32 s0, $0x0;
	_ =	strace $0x9000004A  }
0x4e: {  	s0 =	sadd.s32 @!p0 $0x100000, s1;
	[bflag:$0x2] =	sbarrier.arrive $0xFFFF  }
0x4f: {  	[sflag:s0] =	ssyncadd.tile.s32 @!p0 $0x1;
	_ =	shalt  }
.Lfunc_end2:
_tile_overlayer_lowered:
.L_overlay_start_2:
0x50: {  	(tag) =	ssettag $0x2  }
0x51: {  	s0 =	rddreg [dreg:$0x0];
	s2 =	stileid.u32  }
0x52: {  	s1 =	rddreg [dreg:$0x1];
	p0 =	sne.s32 s2, $0x0  }
0x53: {  	s3 =	rddreg [dreg:$0x2];
	[bflag:$0x3] =	sbarrier.arrive $0xFFFF;
	s2 =	simm.s32 @!p0 $0x1C02  }
0x54: {  	[timem:s3], [sflag:s2] =	dma.local @!p0 [hbm:s0], s1  }
0x55: {  	s0 =	simm.s32 @!p0 $0x2  }
0x56: {  	_ =	swait.ge @!p0 [sflag:s0], s1  }
0x57: {  	s1 =	ssub.s32 @!p0 $0x0, s1;
	[sflag:s0] =	ssyncset.done @!p0 $0x0  }
0x58: {  	[sflag:s0] =	ssyncadd.s32 @!p0 s1  }
0x59: {  	[bflag:$0x3] =	sbarrier.arrive $0xFFFF  }
0x5a: {  	_ =	shalt  }

// kernel: kernel.14.cloned.1.call-start
scs
__scs_entry_jumppad:
0x0: {  	(pc) =	sbr.rel $0x88, $3  }
0x1: {  	(tag) =	ssettag $0x0;
	lr =	simm.s32 $0x1  }
0x2: {  	[smem:$0x3F98] =	sst lr;
	_ =	strace $0xD0000000  }
0x3: {  	_ = 	snop  }
0x4: {  	_ = 	snop  }
0x5: {  	_ = 	snop  }
0x6: {  	_ = 	snop  }
0x7: {  	_ = 	snop  }
__scs_overlays_trampoline_lowered:
0x8: {  	[smem:$0x3FA7] =	sst s0  }
0x9: {  	[smem:$0x3FA8] =	sst s1  }
0xa: {  	[smem:$0x3FA9] =	sst s2  }
0xb: {  	[smem:$0x3FAA] =	sst s3  }
0xc: {  	[smem:$0x3FAB] =	sst s4  }
0xd: {  	[smem:$0x3FAC] =	sst s5  }
0xe: {  	[smem:$0x3FAD] =	sst s6  }
0xf: {  	[smem:$0x3FAE] =	sst s7  }
0x10: {  	[smem:$0x3FAF] =	sst s8  }
0x11: {  	[smem:$0x3FB0] =	sst s9;
	s0 =	simm.s32 @!p0 $0x0  }
0x12: {  	s1 =	sld [smem:$0x3F96];
	s0 =	simm.s32 @p0 $0x1  }
0x13: {  	[smem:$0x3FB1] =	sst s0;
	s0 =	simm.s32 @!p1 $0x0  }
0x14: {  	s2 =	sld [smem:$0x3F95];
	s0 =	simm.s32 @p1 $0x1  }
0x15: {  	[smem:$0x3FB2] =	sst s0;
	s0 =	simm.s32 @!p2 $0x0  }
0x16: {  	s3 =	sld [smem:$0x3FDB];
	s0 =	simm.s32 @p2 $0x1  }
0x17: {  	s4 =	simm.s32 $0x1BF5;
	[smem:$0x3FB4] =	sst s0  }
0x18: {  	s0 =	sld [smem:$0x3F97];
	_ =	swait.ge [sflag:s4], $0x0  }
0x19: {  	s7 =	sld [smem:$0x3F98]  }
0x1a: {  	s8 =	sadd.s32 $0xFFFFE003, lr  }
0x1b: {  	s9 =	sadd.s32 $0xFFFFFEF7, lr;
	s5 =	simm.s32 $0xFFFFFFFF;
	p2 =	slt.u32 s8, $0xFFFFF086  }
0x1c: {  	p1 =	slt.u32 s9, $0xF7A;
	s5 =	simm.s32 @!p2 $0x0  }
0x1d: {  	s5 =	simm.s32 @p1 $0x1;
	p0 =	seq.s32 s7, s2  }
0x1e: {  	s7 =	smul.u32 @!p0 $0xF7A, s2;
	p2 =	seq.s32 @!p0 s5, $0x0  }
0x1f: {  	s9 =	smul.u32 $0xF7A, s1;
	s8 =	simm.s32 @!p0 $0x1BF5;
	p2 =	por !p2, p0  }
0x20: {  	[sflag:s8] =	ssyncset.s32 @!p0 $0xFFFFF086;
	s6 =	sadd.s32 @!p0 s3, s7;
	s7 =	simm.s32 @!p0 $0x108  }
0x21: {  	s3 =	sadd.s32 s3, s9;
	s6 =	sadd.s32 @!p0 $0x88, s6;
	s7 =	simm.s32 @p2 $0x1082  }
0x22: {  	[simem:s7], [sflag:s8] =	dma.local @!p0 [hbm:s6], $0xF7A  }
0x23: {  	s9 =	sor.u32 $0xD0000000, s2;
	s6 =	simm.s32 $0x108;
	_ =	swait.ge @!p0 [sflag:s8], $0x0  }
0x24: {  	s3 =	sadd.s32 $0x88, s3;
	s6 =	simm.s32 @!p1 $0x1082;
	[sflag:s4] =	ssyncset.s32 $0xFFFFF086  }
0x25: {  	[simem:s6], [sflag:s4] =	dma.local [hbm:s3], $0xF7A  }
0x26: {  	[smem:$0x3F98] =	sst s1;
	(tag) =	ssettag s2;
	_ =	strace s9  }
0x27: {  	s1 =	sld [smem:$0x3FA8]  }
0x28: {  	s2 =	sld [smem:$0x3FA9]  }
0x29: {  	s4 =	sld [smem:$0x3FAB]  }
0x2a: {  	p0 =	seq.s32 s5, $0x0;
	s5 =	sld [smem:$0x3FAC]  }
0x2b: {  	s6 =	sld [smem:$0x3FAD]  }
0x2c: {  	s7 =	sld [smem:$0x3FAE]  }
0x2d: {  	s3 =	simm.s32 $0x108;
	s8 =	sld [smem:$0x3FAF]  }
0x2e: {  	s3 =	simm.s32 @!p0 $0x1082;
	s9 =	sld [smem:$0x3FB0]  }
0x2f: {  	lr =	sadd.s32 s0, s3;
	s0 =	sld [smem:$0x3FA7]  }
0x30: {  	s3 =	sld [smem:$0x3FAA]  }
0x31: {  	[smem:$0x3FB3] =	sst s10  }
0x32: {  	s10 =	sld [smem:$0x3FB1];
	_ =	sdelay $0x3  }
0x33: {  	p0 =	seq.s32 s10, $0x1;
	s10 =	sld [smem:$0x3FB3];
	_ =	sdelay $0x3  }
0x34: {  	[smem:$0x3FB3] =	sst s10  }
0x35: {  	s10 =	sld [smem:$0x3FB2];
	_ =	sdelay $0x3  }
0x36: {  	p1 =	seq.s32 s10, $0x1;
	s10 =	sld [smem:$0x3FB3];
	_ =	sdelay $0x3  }
0x37: {  	[smem:$0x3FB3] =	sst s10  }
0x38: {  	s10 =	sld [smem:$0x3FB4]  }
0x39: {  	_ = 	snop;
	(pc) =	sbr.ind lr, $3  }
0x3a: {  	_ = 	snop  }
0x3b: {  	_ = 	snop  }
0x3c: {  	p2 =	seq.s32 s10, $0x1;
	s10 =	sld [smem:$0x3FB3]  }
0x3d: {  	_ =	shalt  }
0x3e: {  	_ =	shalt  }
0x3f: {  	_ =	shalt  }
0x40: {  	_ =	shalt  }
0x41: {  	_ =	shalt  }
0x42: {  	_ =	shalt  }
0x43: {  	_ =	shalt  }
0x44: {  	_ =	shalt  }
0x45: {  	_ =	shalt  }
0x46: {  	_ =	shalt  }
0x47: {  	_ =	shalt  }
0x48: {  	_ =	shalt  }
0x49: {  	_ =	shalt  }
0x4a: {  	_ =	shalt  }
0x4b: {  	_ =	shalt  }
0x4c: {  	_ =	shalt  }
0x4d: {  	_ =	shalt  }
0x4e: {  	_ =	shalt  }
0x4f: {  	_ =	shalt  }
0x50: {  	_ =	shalt  }
0x51: {  	_ =	shalt  }
0x52: {  	_ =	shalt  }
0x53: {  	_ =	shalt  }
0x54: {  	_ =	shalt  }
0x55: {  	_ =	shalt  }
0x56: {  	_ =	shalt  }
0x57: {  	_ =	shalt  }
0x58: {  	_ =	shalt  }
0x59: {  	_ =	shalt  }
0x5a: {  	_ =	shalt  }
0x5b: {  	_ =	shalt  }
0x5c: {  	_ =	shalt  }
0x5d: {  	_ =	shalt  }
0x5e: {  	_ =	shalt  }
0x5f: {  	_ =	shalt  }
0x60: {  	_ =	shalt  }
0x61: {  	_ =	shalt  }
0x62: {  	_ =	shalt  }
0x63: {  	_ =	shalt  }
0x64: {  	_ =	shalt  }
0x65: {  	_ =	shalt  }
0x66: {  	_ =	shalt  }
0x67: {  	_ =	shalt  }
0x68: {  	_ =	shalt  }
0x69: {  	_ =	shalt  }
0x6a: {  	_ =	shalt  }
0x6b: {  	_ =	shalt  }
0x6c: {  	_ =	shalt  }
0x6d: {  	_ =	shalt  }
0x6e: {  	_ =	shalt  }
0x6f: {  	_ =	shalt  }
0x70: {  	_ =	shalt  }
0x71: {  	_ =	shalt  }
0x72: {  	_ =	shalt  }
0x73: {  	_ =	shalt  }
0x74: {  	_ =	shalt  }
0x75: {  	_ =	shalt  }
0x76: {  	_ =	shalt  }
0x77: {  	_ =	shalt  }
0x78: {  	_ =	shalt  }
0x79: {  	_ =	shalt  }
0x7a: {  	_ =	shalt  }
0x7b: {  	_ =	shalt  }
0x7c: {  	_ =	shalt  }
0x7d: {  	_ =	shalt  }
0x7e: {  	_ =	shalt  }
0x7f: {  	_ =	shalt  }
0x80: {  	_ =	shalt  }
0x81: {  	_ =	shalt  }
0x82: {  	_ =	shalt  }
0x83: {  	_ =	shalt  }
0x84: {  	_ =	shalt  }
0x85: {  	_ =	shalt  }
0x86: {  	_ =	shalt  }
0x87: {  	_ =	shalt  }
.Lfunc_end0:
.L_simem_size_0:
called_computation.3_lowered:
.L_overlay_start_0:
0x88: {  	s2 =	sld [smem:$0x3FD9]  }
0x89: {  	s3 =	sld [smem:$0x3FFE];
	_ =	sdelay $0x1  }
0x8a: {  	s1 =	srdreg.scid  }
0x8b: {  	s0 =	sand.u32 $0x1, s1  }
0x8c: {  	s17 =	sshll.u32 s0, $0xA;
	s2 =	sadd.s32 s3, s2  }
0x8d: {  	s2 =	sadd.s32 s2, s17  }
0x8e: {  	[smem:$0x3FBF] =	sst s2  }
0x8f: {  	_ = 	snop  }
0x90: {  	s2 =	sld [smem:$0x3FD0];
	(tm) =	ssettm $0x1  }
0x91: {  	s18 =	sld [smem:$0x3FFB];
	_ =	sdelay $0x3  }
0x92: {  	_ =	strace s18  }
0x93: {  	s3 =	sld [smem:$0x3FFC];
	_ =	sdelay $0x3  }
0x94: {  	_ =	strace s3  }
0x95: {  	s3 =	sld [smem:$0x3FFD];
	_ =	sdelay $0x3  }
0x96: {  	_ =	strace s3  }
0x97: {  	_ =	strace $0x8FFFFFFF  }
0x98: {  	s19 =	sld [smem:$0x3FDB];
	_ =	sdelay $0x1  }
0x99: {  	s4 =	simm.s32 $_scs_section_size  }
0x9a: {  	s5 =	simm.s32 $_size__tile_overlayer_lowered;
	s6 =	simm.s32 $_tile_overlayer_lowered  }
0x9b: {  	s22 =	simm.s32 $0x1BFF;
	s21 =	sshll.u32 s6, $0x1;
	s3 =	sadd.s32 s4, s19  }
0x9c: {  	s7 =	simm.s32 $0x0;
	s20 =	sshll.u32 s5, $0x1;
	s5 =	sadd.s32 s21, s3  }
0x9d: {  	[timem:s7], [sflag:s22] =	dma.local [hbm:s5], s20  }
0x9e: {  	_ =	swait.ge [sflag:s22], s20  }
0x9f: {  	s4 =	ssub.s32 $0x0, s20;
	[sflag:s22] =	ssyncset.done $0x0  }
0xa0: {  	[sflag:s22] =	ssyncadd.s32 s4;
	_ =	sdelay $0x1  }
0xa1: {  	s23 =	simm.s32 $0x1B8B  }
0xa2: {  	_ =	swait.ge [sflag:s23], $0x1  }
0xa3: {  	[sflag:s23] =	ssyncset.done $0x0  }
0xa4: {  	s25 =	simm.s32 $0x1B8E;
	s24 =	sld [smem:$0x3FFE];
	[sflag:s23] =	ssyncadd.s32 $0xFFFFFFFF  }
0xa5: {  	s26 =	simm.s32 $execute0_lowered;
	[smem:$0x3FD2] =	sst s25  }
0xa6: {  	s5 =	sshll.u32 s26, $0x1;
	_ =	strace $0x8000004C;
	[dreg:$0x1] =	wrdreg $0xFFFFFFFF  }
0xa7: {  	s28 =	simm.s32 $_size_execute0_lowered;
	s3 =	sadd.s32 s3, s5;
	[dreg:$0x0] =	wrdreg $0x0  }
0xa8: {  	s5 =	sshll.u32 s28, $0x1;
	[dreg:$0x2] =	wrdreg s3  }
0xa9: {  	[dreg:$0x3] =	wrdreg s5  }
0xaa: {  	[dreg:$0x4] =	wrdreg $0xC0  }
0xab: {  	_ =	task [dreg:s7], $0x5FFFF  }
0xac: {  	[dreg:$0x1] =	wrdreg $0xFFFFFFFF  }
0xad: {  	[dreg:$0x0] =	wrdreg $0x60  }
0xae: {  	[dreg:$0x2] =	wrdreg s24  }
0xaf: {  	[dreg:$0x3] =	wrdreg s2  }
0xb0: {  	[dreg:$0x4] =	wrdreg $0x66000  }
0xb1: {  	[dreg:$0x5] =	wrdreg $0x9  }
0xb2: {  	_ =	task.clear_ibuf [dreg:s7], $0x6FFFF;
	_ =	strace $0x9000004C  }
0xb3: {  	s29 =	simm.s32 $0x9;
	_ =	strace $0x8000004E  }
0xb4: {  	_ =	swait.ge [sflag:s29], $0x1  }
0xb5: {  	[sflag:s29] =	ssyncadd.s32 $0xFFFFFFFF  }
0xb6: {  	_ =	strace $0x9000004E  }
0xb7: {  	_ =	sfence  }
0xb8: {  	s30 =	sld [smem:$0x0];
	_ =	sdelay $0x2  }
0xb9: {  	s31 =	sshll.u32 s1, $0xD;
	s1 =	sshrl.u32 s1, $0x2  }
0xba: {  	s3 =	sand.u32 $0x4000, s31;
	s1 =	sadd.s32 s1, s30  }
0xbb: {  	s0 =	sor.u32 s3, s0;
	s1 =	sshll.u32 s1, $0x11  }
0xbc: {  	s0 =	sor.u32 s1, s0  }
0xbd: {  	s0 =	sadd.s32 $0x8F2B, s0  }
0xbe: {  	[sflag:s0] =	ssyncadd.remote.s32 $0x1  }
0xbf: {  	_ =	sfence.sel $0xFFFF  }
0xc0: {  	[dreg:$0x0] =	wrdreg $0xFFFFFFFF;
	(pc) =	sbr.abs _section_cstart, $3  }
0xc1: {  	[dreg:$0x1] =	wrdreg $0xFFFFFFFF  }
0xc2: {  	_ =	task.clear_ibuf [dreg:s7], $0x2FFFF;
	_ =	strace $0x9FFFFFFF  }
0xc3: {  	(tm) =	ssettm $0x7FFFFFFF  }
tec
execute0_lowered:
.L_overlay_start_1:
0x0: {  	(tag) =	ssettag $0x1  }
0x1: {  	s5 =	rddreg [dreg:$0x0];
	s1 =	srdreg.scid  }
0x2: {  	s0 =	stileid.u32;
	s9 =	rddreg [dreg:$0x1]  }
0x3: {  	s2 =	rddreg [dreg:$0x2];
	s3 =	simm.s32 $0x0;
	s4 =	smul.u32 $0x2710, s0  }
0x4: {  	s15 =	simm.s32 $0x200;
	s16 =	simm.s32 $0x1;
	s28 =	smul.u32 $0x14000, s0  }
0x5: {  	s6 =	sand.u32 $0x1, s1;
	s1 =	rddreg [dreg:$0x3];
	s29 =	smul.u32 $0x50000, s0  }
0x6: {  	s17 =	simm.s32 $0x0;
	[smem:$0x7FF] =	sst s3;
	s7 =	smul.u32 $0x1388, s6  }
0x7: {  	s31 =	sshll.u32 s0, $0x6;
	s8 =	smul.u32 $0x140000, s6;
	s6 =	ssub.s32 $0x2, s6  }
0x8: {  	_ =	strace $0x8000004D;
	s12 =	sshrl.u32 s28, $0x3;
	s13 =	sshrl.u32 s6, $0x1  }
0x9: {  	s30 =	sshrl.u32 s29, $0x2;
	s4 =	sadd.s32 s7, s4;
	s7 =	sadd.s32 s28, s8  }
0xa: {  	s12 =	sadd.s32 s12, s5;
	s13 =	ssub.s32 s6, s13;
	s14 =	sadd.s32 s30, s2  }
0xb: {  	s6 =	sor.u32 $0x1C02, s31;
	s10 =	sshrl.u32 s4, $0x3;
	s4 =	sadd.s32 $0x31600, s5  }
0xc: {  	s7 =	sshrl.u32 s7, $0x3;
	s8 =	smax.u32 s13, $0x1;
	s13 =	simm.s32 $0x100  }
0xd: {  	s11 =	sadd.s32 s10, s5;
	s7 =	sadd.s32 s7, s5;
	s5 =	sadd.s32 $0x9000, s12  }
0xe: {  	s9 =	sadd.s32 s10, s9;
	s12 =	simm.s32 $0x2;
	s7 =	sadd.s32 $0x58800, s7  }
0xf: {  	s10 =	sadd.s32 $0x4000, s11;
	s11 =	sshrl.u32 s14, $0x3;
	s14 =	simm.s32 $0xC8  }
.LBB2_1:
0x10: {  	[spmem:s11], [sflag:s6] =	dma.local [hbm:s5], $0x2800  }
0x11: {  	_ =	swait.ge [sflag:s12], $0x2800  }
0x12: {  	[sflag:s12] =	ssyncset.done $0x0  }
0x13: {  	[sflag:s12] =	ssyncadd.s32 $0xFFFFD800  }
0x14: {  	s18 =	sadd.s32 $0x0, s10;
	[bflag:$0x0] =	sbarrier.arrive $0xFFFF  }
0x15: {  	[tilespmem:s3], [sflag:$0x2] =	stream.linear.gather [hbm4b:s18+s3], $0xC8, $0x38;
	[tilespmem:$0x1A600] =	vst v63  }
0x16: {  	_ =	swait.ge [sflag:s12], $0xC8  }
0x17: {  	[sflag:s12] =	ssyncset.done $0x0  }
0x18: {  	s31 =	sadd.s32 $0x0, s9;
	[sflag:s12] =	ssyncadd.s32 $0xFFFFFF38  }
0x19: {  	[tilespmem:s13], [sflag:$0x2] =	stream.linear.gather [hbm4b:s31+s3], $0xC8, $0x38;
	[tilespmem:$0x1A600] =	vst v63  }
0x1a: {  	_ =	swait.ge [sflag:s12], $0xC8  }
0x1b: {  	[sflag:s12] =	ssyncset.done $0x0  }
0x1c: {  	[sflag:s12] =	ssyncadd.s32 $0xFFFFFF38  }
0x1d: {  	[tilespmem:s15], [sflag:$0x1] =	stream.indirect.gather [hbm4b:s4+s14], $0x80, s3, s14, $0xb8;
	[tilespmem:$0x1A600] =	vst v63  }
0x1e: {  	_ =	swait.ge [sflag:s16], $0x6400  }
0x1f: {  	[sflag:s16] =	ssyncset.done $0x0  }
0x20: {  	[sflag:s16] =	ssyncadd.s32 $0xFFFF9C00  }
0x21: {  	[spmem:s2] =	stream.indirect.scatter.add.f32 [tilespmem:s15], [sflag:$0x2], $0x80, s13, s14, $0xb8;
	[tilespmem:$0x1A600] =	vst v63  }
0x22: {  	_ =	swait.ge [sflag:s12], $0x6400  }
0x23: {  	s19 =	simm.s32 $0x32;
	s18 =	simm.s32 $0x19;
	[sflag:s12] =	ssyncset.done $0x0  }
.LBB2_2:
0x24: {  	s20 =	sadd.s32 s18, s10  }
0x25: {  	[sflag:s12] =	ssyncadd.s32 $0xFFFF9C00;
	s21 =	smov.u32 s19;
	s22 =	sadd.s32 $0x19, s19  }
0x26: {  	[tilespmem:s3], [sflag:$0x2] =	stream.linear.gather [hbm4b:s20+s3], $0xC8, $0x38;
	[tilespmem:$0x1A600] =	vst v63  }
0x27: {  	p0 =	sne.s32 s19, $0x258;
	_ =	swait.ge [sflag:s12], $0xC8  }
0x28: {  	[sflag:s12] =	ssyncset.done $0x0  }
0x29: {  	s19 =	sadd.s32 s18, s9;
	s18 =	smov.u32 s21;
	[sflag:s12] =	ssyncadd.s32 $0xFFFFFF38  }
0x2a: {  	[tilespmem:s13], [sflag:$0x2] =	stream.linear.gather [hbm4b:s19+s3], $0xC8, $0x38;
	[tilespmem:$0x1A600] =	vst v63  }
0x2b: {  	_ =	swait.ge [sflag:s12], $0xC8  }
0x2c: {  	[sflag:s12] =	ssyncset.done $0x0  }
0x2d: {  	[sflag:s12] =	ssyncadd.s32 $0xFFFFFF38  }
0x2e: {  	[tilespmem:s15], [sflag:$0x1] =	stream.indirect.gather [hbm4b:s4+s14], $0x80, s3, s14, $0xb8;
	[tilespmem:$0x1A600] =	vst v63  }
0x2f: {  	_ =	swait.ge [sflag:s16], $0x6400  }
.Ltmp0:
0x30: {  	[sflag:s16] =	ssyncset.done $0x0;
	(pc) =	sbr.rel @p0 .LBB2_2-.Ltmp0, $4  }
0x31: {  	[sflag:s16] =	ssyncadd.s32 $0xFFFF9C00  }
0x32: {  	[spmem:s2] =	stream.indirect.scatter.add.f32 [tilespmem:s15], [sflag:$0x2], $0x80, s13, s14, $0xb8;
	[tilespmem:$0x1A600] =	vst v63  }
0x33: {  	_ =	swait.ge [sflag:s12], $0x6400  }
0x34: {  	s19 =	smov.u32 s22;
	[sflag:s12] =	ssyncset.done $0x0  }
0x35: {  	s19 =	sadd.s32 s18, s10;
	[sflag:s12] =	ssyncadd.s32 $0xFFFF9C00  }
0x36: {  	[tilespmem:s3], [sflag:$0x2] =	stream.linear.gather [hbm4b:s19+s3], $0xC8, $0x38;
	[tilespmem:$0x1A600] =	vst v63  }
0x37: {  	_ =	swait.ge [sflag:s12], $0xC8  }
0x38: {  	[sflag:s12] =	ssyncset.done $0x0  }
0x39: {  	s31 =	sadd.s32 s18, s9;
	[sflag:s12] =	ssyncadd.s32 $0xFFFFFF38  }
0x3a: {  	[tilespmem:s13], [sflag:$0x2] =	stream.linear.gather [hbm4b:s31+s3], $0xC8, $0x38;
	[tilespmem:$0x1A600] =	vst v63  }
0x3b: {  	_ =	swait.ge [sflag:s12], $0xC8  }
0x3c: {  	[sflag:s12] =	ssyncset.done $0x0  }
0x3d: {  	[sflag:s12] =	ssyncadd.s32 $0xFFFFFF38  }
0x3e: {  	[tilespmem:s15], [sflag:$0x1] =	stream.indirect.gather [hbm4b:s4+s14], $0x80, s3, s14, $0xb8;
	[tilespmem:$0x1A600] =	vst v63  }
0x3f: {  	_ =	swait.ge [sflag:s16], $0x6400  }
0x40: {  	[sflag:s16] =	ssyncset.done $0x0  }
0x41: {  	[sflag:s16] =	ssyncadd.s32 $0xFFFF9C00  }
0x42: {  	[spmem:s2] =	stream.indirect.scatter.add.f32 [tilespmem:s15], [sflag:$0x2], $0x80, s13, s14, $0xb8;
	[tilespmem:$0x1A600] =	vst v63  }
0x43: {  	_ =	swait.ge [sflag:s12], $0x6400  }
0x44: {  	s17 =	sadd.s32 $0x1, s17;
	[sflag:s12] =	ssyncset.done $0x0  }
0x45: {  	p0 =	sne.s32 s17, s8;
	[sflag:s12] =	ssyncadd.s32 $0xFFFF9C00  }
.Ltmp1:
0x46: {  	[bflag:$0x0] =	sbarrier.arrive $0xFFFF;
	(pc) =	sbr.rel @p0 .LBB2_1-.Ltmp1, $4  }
0x47: {  	[hbm:s7], [sflag:s6] =	dma.local [spmem:s11], $0x2800  }
0x48: {  	_ =	swait.ge [sflag:s12], $0x2800  }
0x49: {  	[sflag:s12] =	ssyncset.done $0x0  }
0x4a: {  	[sflag:s12] =	ssyncadd.s32 $0xFFFFD800  }
0x4b: {  	_ =	sfence.sel $0x180000  }
0x4c: {  	[bflag:$0x0] =	sbarrier.arrive $0xFFFF  }
0x4d: {  	p0 =	sne.s32 s0, $0x0;
	_ =	strace $0x9000004D  }
0x4e: {  	s0 =	sadd.s32 @!p0 $0x100000, s1;
	[bflag:$0x2] =	sbarrier.arrive $0xFFFF  }
0x4f: {  	[sflag:s0] =	ssyncadd.tile.s32 @!p0 $0x1;
	_ =	shalt  }
.Lfunc_end2:
_tile_overlayer_lowered:
.L_overlay_start_2:
0x50: {  	(tag) =	ssettag $0x2  }
0x51: {  	s0 =	rddreg [dreg:$0x0];
	s2 =	stileid.u32  }
0x52: {  	s1 =	rddreg [dreg:$0x1];
	p0 =	sne.s32 s2, $0x0  }
0x53: {  	s3 =	rddreg [dreg:$0x2];
	[bflag:$0x3] =	sbarrier.arrive $0xFFFF;
	s2 =	simm.s32 @!p0 $0x1C02  }
0x54: {  	[timem:s3], [sflag:s2] =	dma.local @!p0 [hbm:s0], s1  }
0x55: {  	s0 =	simm.s32 @!p0 $0x2  }
0x56: {  	_ =	swait.ge @!p0 [sflag:s0], s1  }
0x57: {  	s1 =	ssub.s32 @!p0 $0x0, s1;
	[sflag:s0] =	ssyncset.done @!p0 $0x0  }
0x58: {  	[sflag:s0] =	ssyncadd.s32 @!p0 s1  }
0x59: {  	[bflag:$0x3] =	sbarrier.arrive $0xFFFF  }
0x5a: {  	_ =	shalt  }

// kernel: kernel.17.cloned.1.call-start
scs
__scs_entry_jumppad:
0x0: {  	(pc) =	sbr.rel $0x88, $3  }
0x1: {  	(tag) =	ssettag $0x0;
	lr =	simm.s32 $0x1  }
0x2: {  	[smem:$0x3F98] =	sst lr;
	_ =	strace $0xD0000000  }
0x3: {  	_ = 	snop  }
0x4: {  	_ = 	snop  }
0x5: {  	_ = 	snop  }
0x6: {  	_ = 	snop  }
0x7: {  	_ = 	snop  }
__scs_overlays_trampoline_lowered:
0x8: {  	[smem:$0x3FA7] =	sst s0  }
0x9: {  	[smem:$0x3FA8] =	sst s1  }
0xa: {  	[smem:$0x3FA9] =	sst s2  }
0xb: {  	[smem:$0x3FAA] =	sst s3  }
0xc: {  	[smem:$0x3FAB] =	sst s4  }
0xd: {  	[smem:$0x3FAC] =	sst s5  }
0xe: {  	[smem:$0x3FAD] =	sst s6  }
0xf: {  	[smem:$0x3FAE] =	sst s7  }
0x10: {  	[smem:$0x3FAF] =	sst s8  }
0x11: {  	[smem:$0x3FB0] =	sst s9;
	s0 =	simm.s32 @!p0 $0x0  }
0x12: {  	s1 =	sld [smem:$0x3F96];
	s0 =	simm.s32 @p0 $0x1  }
0x13: {  	[smem:$0x3FB1] =	sst s0;
	s0 =	simm.s32 @!p1 $0x0  }
0x14: {  	s2 =	sld [smem:$0x3F95];
	s0 =	simm.s32 @p1 $0x1  }
0x15: {  	[smem:$0x3FB2] =	sst s0;
	s0 =	simm.s32 @!p2 $0x0  }
0x16: {  	s3 =	sld [smem:$0x3FDB];
	s0 =	simm.s32 @p2 $0x1  }
0x17: {  	s4 =	simm.s32 $0x1BF5;
	[smem:$0x3FB4] =	sst s0  }
0x18: {  	s0 =	sld [smem:$0x3F97];
	_ =	swait.ge [sflag:s4], $0x0  }
0x19: {  	s7 =	sld [smem:$0x3F98]  }
0x1a: {  	s8 =	sadd.s32 $0xFFFFE003, lr  }
0x1b: {  	s9 =	sadd.s32 $0xFFFFFEF7, lr;
	s5 =	simm.s32 $0xFFFFFFFF;
	p2 =	slt.u32 s8, $0xFFFFF086  }
0x1c: {  	p1 =	slt.u32 s9, $0xF7A;
	s5 =	simm.s32 @!p2 $0x0  }
0x1d: {  	s5 =	simm.s32 @p1 $0x1;
	p0 =	seq.s32 s7, s2  }
0x1e: {  	s7 =	smul.u32 @!p0 $0xF7A, s2;
	p2 =	seq.s32 @!p0 s5, $0x0  }
0x1f: {  	s9 =	smul.u32 $0xF7A, s1;
	s8 =	simm.s32 @!p0 $0x1BF5;
	p2 =	por !p2, p0  }
0x20: {  	[sflag:s8] =	ssyncset.s32 @!p0 $0xFFFFF086;
	s6 =	sadd.s32 @!p0 s3, s7;
	s7 =	simm.s32 @!p0 $0x108  }
0x21: {  	s3 =	sadd.s32 s3, s9;
	s6 =	sadd.s32 @!p0 $0x88, s6;
	s7 =	simm.s32 @p2 $0x1082  }
0x22: {  	[simem:s7], [sflag:s8] =	dma.local @!p0 [hbm:s6], $0xF7A  }
0x23: {  	s9 =	sor.u32 $0xD0000000, s2;
	s6 =	simm.s32 $0x108;
	_ =	swait.ge @!p0 [sflag:s8], $0x0  }
0x24: {  	s3 =	sadd.s32 $0x88, s3;
	s6 =	simm.s32 @!p1 $0x1082;
	[sflag:s4] =	ssyncset.s32 $0xFFFFF086  }
0x25: {  	[simem:s6], [sflag:s4] =	dma.local [hbm:s3], $0xF7A  }
0x26: {  	[smem:$0x3F98] =	sst s1;
	(tag) =	ssettag s2;
	_ =	strace s9  }
0x27: {  	s1 =	sld [smem:$0x3FA8]  }
0x28: {  	s2 =	sld [smem:$0x3FA9]  }
0x29: {  	s4 =	sld [smem:$0x3FAB]  }
0x2a: {  	p0 =	seq.s32 s5, $0x0;
	s5 =	sld [smem:$0x3FAC]  }
0x2b: {  	s6 =	sld [smem:$0x3FAD]  }
0x2c: {  	s7 =	sld [smem:$0x3FAE]  }
0x2d: {  	s3 =	simm.s32 $0x108;
	s8 =	sld [smem:$0x3FAF]  }
0x2e: {  	s3 =	simm.s32 @!p0 $0x1082;
	s9 =	sld [smem:$0x3FB0]  }
0x2f: {  	lr =	sadd.s32 s0, s3;
	s0 =	sld [smem:$0x3FA7]  }
0x30: {  	s3 =	sld [smem:$0x3FAA]  }
0x31: {  	[smem:$0x3FB3] =	sst s10  }
0x32: {  	s10 =	sld [smem:$0x3FB1];
	_ =	sdelay $0x3  }
0x33: {  	p0 =	seq.s32 s10, $0x1;
	s10 =	sld [smem:$0x3FB3];
	_ =	sdelay $0x3  }
0x34: {  	[smem:$0x3FB3] =	sst s10  }
0x35: {  	s10 =	sld [smem:$0x3FB2];
	_ =	sdelay $0x3  }
0x36: {  	p1 =	seq.s32 s10, $0x1;
	s10 =	sld [smem:$0x3FB3];
	_ =	sdelay $0x3  }
0x37: {  	[smem:$0x3FB3] =	sst s10  }
0x38: {  	s10 =	sld [smem:$0x3FB4]  }
0x39: {  	_ = 	snop;
	(pc) =	sbr.ind lr, $3  }
0x3a: {  	_ = 	snop  }
0x3b: {  	_ = 	snop  }
0x3c: {  	p2 =	seq.s32 s10, $0x1;
	s10 =	sld [smem:$0x3FB3]  }
0x3d: {  	_ =	shalt  }
0x3e: {  	_ =	shalt  }
0x3f: {  	_ =	shalt  }
0x40: {  	_ =	shalt  }
0x41: {  	_ =	shalt  }
0x42: {  	_ =	shalt  }
0x43: {  	_ =	shalt  }
0x44: {  	_ =	shalt  }
0x45: {  	_ =	shalt  }
0x46: {  	_ =	shalt  }
0x47: {  	_ =	shalt  }
0x48: {  	_ =	shalt  }
0x49: {  	_ =	shalt  }
0x4a: {  	_ =	shalt  }
0x4b: {  	_ =	shalt  }
0x4c: {  	_ =	shalt  }
0x4d: {  	_ =	shalt  }
0x4e: {  	_ =	shalt  }
0x4f: {  	_ =	shalt  }
0x50: {  	_ =	shalt  }
0x51: {  	_ =	shalt  }
0x52: {  	_ =	shalt  }
0x53: {  	_ =	shalt  }
0x54: {  	_ =	shalt  }
0x55: {  	_ =	shalt  }
0x56: {  	_ =	shalt  }
0x57: {  	_ =	shalt  }
0x58: {  	_ =	shalt  }
0x59: {  	_ =	shalt  }
0x5a: {  	_ =	shalt  }
0x5b: {  	_ =	shalt  }
0x5c: {  	_ =	shalt  }
0x5d: {  	_ =	shalt  }
0x5e: {  	_ =	shalt  }
0x5f: {  	_ =	shalt  }
0x60: {  	_ =	shalt  }
0x61: {  	_ =	shalt  }
0x62: {  	_ =	shalt  }
0x63: {  	_ =	shalt  }
0x64: {  	_ =	shalt  }
0x65: {  	_ =	shalt  }
0x66: {  	_ =	shalt  }
0x67: {  	_ =	shalt  }
0x68: {  	_ =	shalt  }
0x69: {  	_ =	shalt  }
0x6a: {  	_ =	shalt  }
0x6b: {  	_ =	shalt  }
0x6c: {  	_ =	shalt  }
0x6d: {  	_ =	shalt  }
0x6e: {  	_ =	shalt  }
0x6f: {  	_ =	shalt  }
0x70: {  	_ =	shalt  }
0x71: {  	_ =	shalt  }
0x72: {  	_ =	shalt  }
0x73: {  	_ =	shalt  }
0x74: {  	_ =	shalt  }
0x75: {  	_ =	shalt  }
0x76: {  	_ =	shalt  }
0x77: {  	_ =	shalt  }
0x78: {  	_ =	shalt  }
0x79: {  	_ =	shalt  }
0x7a: {  	_ =	shalt  }
0x7b: {  	_ =	shalt  }
0x7c: {  	_ =	shalt  }
0x7d: {  	_ =	shalt  }
0x7e: {  	_ =	shalt  }
0x7f: {  	_ =	shalt  }
0x80: {  	_ =	shalt  }
0x81: {  	_ =	shalt  }
0x82: {  	_ =	shalt  }
0x83: {  	_ =	shalt  }
0x84: {  	_ =	shalt  }
0x85: {  	_ =	shalt  }
0x86: {  	_ =	shalt  }
0x87: {  	_ =	shalt  }
.Lfunc_end0:
.L_simem_size_0:
called_computation.4_lowered:
.L_overlay_start_0:
0x88: {  	s2 =	sld [smem:$0x3FD9]  }
0x89: {  	s3 =	sld [smem:$0x3FFE];
	_ =	sdelay $0x1  }
0x8a: {  	s1 =	srdreg.scid  }
0x8b: {  	s0 =	sand.u32 $0x1, s1  }
0x8c: {  	s17 =	sshll.u32 s0, $0xA;
	s2 =	sadd.s32 s3, s2  }
0x8d: {  	s2 =	sadd.s32 s2, s17  }
0x8e: {  	[smem:$0x3FBF] =	sst s2  }
0x8f: {  	_ = 	snop  }
0x90: {  	s2 =	sld [smem:$0x3FD0];
	(tm) =	ssettm $0x1  }
0x91: {  	s18 =	sld [smem:$0x3FFB];
	_ =	sdelay $0x3  }
0x92: {  	_ =	strace s18  }
0x93: {  	s3 =	sld [smem:$0x3FFC];
	_ =	sdelay $0x3  }
0x94: {  	_ =	strace s3  }
0x95: {  	s3 =	sld [smem:$0x3FFD];
	_ =	sdelay $0x3  }
0x96: {  	_ =	strace s3  }
0x97: {  	_ =	strace $0x8FFFFFFF  }
0x98: {  	s19 =	sld [smem:$0x3FDB];
	_ =	sdelay $0x1  }
0x99: {  	s4 =	simm.s32 $_scs_section_size  }
0x9a: {  	s5 =	simm.s32 $_size__tile_overlayer_lowered;
	s6 =	simm.s32 $_tile_overlayer_lowered  }
0x9b: {  	s22 =	simm.s32 $0x1BFF;
	s21 =	sshll.u32 s6, $0x1;
	s3 =	sadd.s32 s4, s19  }
0x9c: {  	s7 =	simm.s32 $0x0;
	s20 =	sshll.u32 s5, $0x1;
	s5 =	sadd.s32 s21, s3  }
0x9d: {  	[timem:s7], [sflag:s22] =	dma.local [hbm:s5], s20  }
0x9e: {  	_ =	swait.ge [sflag:s22], s20  }
0x9f: {  	s4 =	ssub.s32 $0x0, s20;
	[sflag:s22] =	ssyncset.done $0x0  }
0xa0: {  	[sflag:s22] =	ssyncadd.s32 s4;
	_ =	sdelay $0x1  }
0xa1: {  	s23 =	simm.s32 $0x1B8B  }
0xa2: {  	_ =	swait.ge [sflag:s23], $0x1  }
0xa3: {  	[sflag:s23] =	ssyncset.done $0x0  }
0xa4: {  	s25 =	simm.s32 $0x1B8E;
	s24 =	sld [smem:$0x3FFE];
	[sflag:s23] =	ssyncadd.s32 $0xFFFFFFFF  }
0xa5: {  	s26 =	simm.s32 $execute0_lowered;
	[smem:$0x3FD2] =	sst s25  }
0xa6: {  	s5 =	sshll.u32 s26, $0x1;
	_ =	strace $0x8000004F;
	[dreg:$0x1] =	wrdreg $0xFFFFFFFF  }
0xa7: {  	s28 =	simm.s32 $_size_execute0_lowered;
	s3 =	sadd.s32 s3, s5;
	[dreg:$0x0] =	wrdreg $0x0  }
0xa8: {  	s5 =	sshll.u32 s28, $0x1;
	[dreg:$0x2] =	wrdreg s3  }
0xa9: {  	[dreg:$0x3] =	wrdreg s5  }
0xaa: {  	[dreg:$0x4] =	wrdreg $0xC0  }
0xab: {  	_ =	task [dreg:s7], $0x5FFFF  }
0xac: {  	[dreg:$0x1] =	wrdreg $0xFFFFFFFF  }
0xad: {  	[dreg:$0x0] =	wrdreg $0x60  }
0xae: {  	[dreg:$0x2] =	wrdreg s24  }
0xaf: {  	[dreg:$0x3] =	wrdreg s2  }
0xb0: {  	[dreg:$0x4] =	wrdreg $0x66000  }
0xb1: {  	[dreg:$0x5] =	wrdreg $0xA  }
0xb2: {  	_ =	task.clear_ibuf [dreg:s7], $0x6FFFF;
	_ =	strace $0x9000004F  }
0xb3: {  	s29 =	simm.s32 $0xA;
	_ =	strace $0x80000051  }
0xb4: {  	_ =	swait.ge [sflag:s29], $0x1  }
0xb5: {  	[sflag:s29] =	ssyncadd.s32 $0xFFFFFFFF  }
0xb6: {  	_ =	strace $0x90000051  }
0xb7: {  	_ =	sfence  }
0xb8: {  	s30 =	sld [smem:$0x0];
	_ =	sdelay $0x2  }
0xb9: {  	s31 =	sshll.u32 s1, $0xD;
	s1 =	sshrl.u32 s1, $0x2  }
0xba: {  	s3 =	sand.u32 $0x4000, s31;
	s1 =	sadd.s32 s1, s30  }
0xbb: {  	s0 =	sor.u32 s3, s0;
	s1 =	sshll.u32 s1, $0x11  }
0xbc: {  	s0 =	sor.u32 s1, s0  }
0xbd: {  	s0 =	sadd.s32 $0x8F2B, s0  }
0xbe: {  	[sflag:s0] =	ssyncadd.remote.s32 $0x1  }
0xbf: {  	_ =	sfence.sel $0xFFFF  }
0xc0: {  	[dreg:$0x0] =	wrdreg $0xFFFFFFFF;
	(pc) =	sbr.abs _section_cstart, $3  }
0xc1: {  	[dreg:$0x1] =	wrdreg $0xFFFFFFFF  }
0xc2: {  	_ =	task.clear_ibuf [dreg:s7], $0x2FFFF;
	_ =	strace $0x9FFFFFFF  }
0xc3: {  	(tm) =	ssettm $0x7FFFFFFF  }
tec
execute0_lowered:
.L_overlay_start_1:
0x0: {  	(tag) =	ssettag $0x1  }
0x1: {  	s5 =	rddreg [dreg:$0x0];
	s1 =	srdreg.scid  }
0x2: {  	s0 =	stileid.u32;
	s9 =	rddreg [dreg:$0x1]  }
0x3: {  	s2 =	rddreg [dreg:$0x2];
	s3 =	simm.s32 $0x0;
	s4 =	smul.u32 $0x2710, s0  }
0x4: {  	s15 =	simm.s32 $0x200;
	s16 =	simm.s32 $0x1;
	s28 =	smul.u32 $0x14000, s0  }
0x5: {  	s6 =	sand.u32 $0x1, s1;
	s1 =	rddreg [dreg:$0x3];
	s29 =	smul.u32 $0x50000, s0  }
0x6: {  	s17 =	simm.s32 $0x0;
	[smem:$0x7FF] =	sst s3;
	s7 =	smul.u32 $0x1388, s6  }
0x7: {  	s31 =	sshll.u32 s0, $0x6;
	s8 =	smul.u32 $0x140000, s6;
	s6 =	ssub.s32 $0x2, s6  }
0x8: {  	_ =	strace $0x80000050;
	s12 =	sshrl.u32 s28, $0x3;
	s13 =	sshrl.u32 s6, $0x1  }
0x9: {  	s30 =	sshrl.u32 s29, $0x2;
	s4 =	sadd.s32 s7, s4;
	s7 =	sadd.s32 s28, s8  }
0xa: {  	s12 =	sadd.s32 s12, s5;
	s13 =	ssub.s32 s6, s13;
	s14 =	sadd.s32 s30, s2  }
0xb: {  	s6 =	sor.u32 $0x1C02, s31;
	s10 =	sshrl.u32 s4, $0x3;
	s4 =	sadd.s32 $0xA8800, s5  }
0xc: {  	s7 =	sshrl.u32 s7, $0x3;
	s8 =	smax.u32 s13, $0x1;
	s13 =	simm.s32 $0x100  }
0xd: {  	s11 =	sadd.s32 s10, s5;
	s7 =	sadd.s32 s7, s5;
	s5 =	sadd.s32 $0x9000, s12  }
0xe: {  	s9 =	sadd.s32 s10, s9;
	s12 =	simm.s32 $0x2;
	s7 =	sadd.s32 $0x58800, s7  }
0xf: {  	s10 =	sadd.s32 $0x4000, s11;
	s11 =	sshrl.u32 s14, $0x3;
	s14 =	simm.s32 $0xC8  }
.LBB2_1:
0x10: {  	[spmem:s11], [sflag:s6] =	dma.local [hbm:s5], $0x2800  }
0x11: {  	_ =	swait.ge [sflag:s12], $0x2800  }
0x12: {  	[sflag:s12] =	ssyncset.done $0x0  }
0x13: {  	[sflag:s12] =	ssyncadd.s32 $0xFFFFD800  }
0x14: {  	s18 =	sadd.s32 $0x0, s10;
	[bflag:$0x0] =	sbarrier.arrive $0xFFFF  }
0x15: {  	[tilespmem:s3], [sflag:$0x2] =	stream.linear.gather [hbm4b:s18+s3], $0xC8, $0x38;
	[tilespmem:$0x1A600] =	vst v63  }
0x16: {  	_ =	swait.ge [sflag:s12], $0xC8  }
0x17: {  	[sflag:s12] =	ssyncset.done $0x0  }
0x18: {  	s31 =	sadd.s32 $0x0, s9;
	[sflag:s12] =	ssyncadd.s32 $0xFFFFFF38  }
0x19: {  	[tilespmem:s13], [sflag:$0x2] =	stream.linear.gather [hbm4b:s31+s3], $0xC8, $0x38;
	[tilespmem:$0x1A600] =	vst v63  }
0x1a: {  	_ =	swait.ge [sflag:s12], $0xC8  }
0x1b: {  	[sflag:s12] =	ssyncset.done $0x0  }
0x1c: {  	[sflag:s12] =	ssyncadd.s32 $0xFFFFFF38  }
0x1d: {  	[tilespmem:s15], [sflag:$0x1] =	stream.indirect.gather [hbm4b:s4+s14], $0x80, s3, s14, $0xb8;
	[tilespmem:$0x1A600] =	vst v63  }
0x1e: {  	_ =	swait.ge [sflag:s16], $0x6400  }
0x1f: {  	[sflag:s16] =	ssyncset.done $0x0  }
0x20: {  	[sflag:s16] =	ssyncadd.s32 $0xFFFF9C00  }
0x21: {  	[spmem:s2] =	stream.indirect.scatter.add.f32 [tilespmem:s15], [sflag:$0x2], $0x80, s13, s14, $0xb8;
	[tilespmem:$0x1A600] =	vst v63  }
0x22: {  	_ =	swait.ge [sflag:s12], $0x6400  }
0x23: {  	s19 =	simm.s32 $0x32;
	s18 =	simm.s32 $0x19;
	[sflag:s12] =	ssyncset.done $0x0  }
.LBB2_2:
0x24: {  	s20 =	sadd.s32 s18, s10  }
0x25: {  	[sflag:s12] =	ssyncadd.s32 $0xFFFF9C00;
	s21 =	smov.u32 s19;
	s22 =	sadd.s32 $0x19, s19  }
0x26: {  	[tilespmem:s3], [sflag:$0x2] =	stream.linear.gather [hbm4b:s20+s3], $0xC8, $0x38;
	[tilespmem:$0x1A600] =	vst v63  }
0x27: {  	p0 =	sne.s32 s19, $0x258;
	_ =	swait.ge [sflag:s12], $0xC8  }
0x28: {  	[sflag:s12] =	ssyncset.done $0x0  }
0x29: {  	s19 =	sadd.s32 s18, s9;
	s18 =	smov.u32 s21;
	[sflag:s12] =	ssyncadd.s32 $0xFFFFFF38  }
0x2a: {  	[tilespmem:s13], [sflag:$0x2] =	stream.linear.gather [hbm4b:s19+s3], $0xC8, $0x38;
	[tilespmem:$0x1A600] =	vst v63  }
0x2b: {  	_ =	swait.ge [sflag:s12], $0xC8  }
0x2c: {  	[sflag:s12] =	ssyncset.done $0x0  }
0x2d: {  	[sflag:s12] =	ssyncadd.s32 $0xFFFFFF38  }
0x2e: {  	[tilespmem:s15], [sflag:$0x1] =	stream.indirect.gather [hbm4b:s4+s14], $0x80, s3, s14, $0xb8;
	[tilespmem:$0x1A600] =	vst v63  }
0x2f: {  	_ =	swait.ge [sflag:s16], $0x6400  }
.Ltmp0:
0x30: {  	[sflag:s16] =	ssyncset.done $0x0;
	(pc) =	sbr.rel @p0 .LBB2_2-.Ltmp0, $4  }
0x31: {  	[sflag:s16] =	ssyncadd.s32 $0xFFFF9C00  }
0x32: {  	[spmem:s2] =	stream.indirect.scatter.add.f32 [tilespmem:s15], [sflag:$0x2], $0x80, s13, s14, $0xb8;
	[tilespmem:$0x1A600] =	vst v63  }
0x33: {  	_ =	swait.ge [sflag:s12], $0x6400  }
0x34: {  	s19 =	smov.u32 s22;
	[sflag:s12] =	ssyncset.done $0x0  }
0x35: {  	s19 =	sadd.s32 s18, s10;
	[sflag:s12] =	ssyncadd.s32 $0xFFFF9C00  }
0x36: {  	[tilespmem:s3], [sflag:$0x2] =	stream.linear.gather [hbm4b:s19+s3], $0xC8, $0x38;
	[tilespmem:$0x1A600] =	vst v63  }
0x37: {  	_ =	swait.ge [sflag:s12], $0xC8  }
0x38: {  	[sflag:s12] =	ssyncset.done $0x0  }
0x39: {  	s31 =	sadd.s32 s18, s9;
	[sflag:s12] =	ssyncadd.s32 $0xFFFFFF38  }
0x3a: {  	[tilespmem:s13], [sflag:$0x2] =	stream.linear.gather [hbm4b:s31+s3], $0xC8, $0x38;
	[tilespmem:$0x1A600] =	vst v63  }
0x3b: {  	_ =	swait.ge [sflag:s12], $0xC8  }
0x3c: {  	[sflag:s12] =	ssyncset.done $0x0  }
0x3d: {  	[sflag:s12] =	ssyncadd.s32 $0xFFFFFF38  }
0x3e: {  	[tilespmem:s15], [sflag:$0x1] =	stream.indirect.gather [hbm4b:s4+s14], $0x80, s3, s14, $0xb8;
	[tilespmem:$0x1A600] =	vst v63  }
0x3f: {  	_ =	swait.ge [sflag:s16], $0x6400  }
0x40: {  	[sflag:s16] =	ssyncset.done $0x0  }
0x41: {  	[sflag:s16] =	ssyncadd.s32 $0xFFFF9C00  }
0x42: {  	[spmem:s2] =	stream.indirect.scatter.add.f32 [tilespmem:s15], [sflag:$0x2], $0x80, s13, s14, $0xb8;
	[tilespmem:$0x1A600] =	vst v63  }
0x43: {  	_ =	swait.ge [sflag:s12], $0x6400  }
0x44: {  	s17 =	sadd.s32 $0x1, s17;
	[sflag:s12] =	ssyncset.done $0x0  }
0x45: {  	p0 =	sne.s32 s17, s8;
	[sflag:s12] =	ssyncadd.s32 $0xFFFF9C00  }
.Ltmp1:
0x46: {  	[bflag:$0x0] =	sbarrier.arrive $0xFFFF;
	(pc) =	sbr.rel @p0 .LBB2_1-.Ltmp1, $4  }
0x47: {  	[hbm:s7], [sflag:s6] =	dma.local [spmem:s11], $0x2800  }
0x48: {  	_ =	swait.ge [sflag:s12], $0x2800  }
0x49: {  	[sflag:s12] =	ssyncset.done $0x0  }
0x4a: {  	[sflag:s12] =	ssyncadd.s32 $0xFFFFD800  }
0x4b: {  	_ =	sfence.sel $0x180000  }
0x4c: {  	[bflag:$0x0] =	sbarrier.arrive $0xFFFF  }
0x4d: {  	p0 =	sne.s32 s0, $0x0;
	_ =	strace $0x90000050  }
0x4e: {  	s0 =	sadd.s32 @!p0 $0x100000, s1;
	[bflag:$0x2] =	sbarrier.arrive $0xFFFF  }
0x4f: {  	[sflag:s0] =	ssyncadd.tile.s32 @!p0 $0x1;
	_ =	shalt  }
.Lfunc_end2:
_tile_overlayer_lowered:
.L_overlay_start_2:
0x50: {  	(tag) =	ssettag $0x2  }
0x51: {  	s0 =	rddreg [dreg:$0x0];
	s2 =	stileid.u32  }
0x52: {  	s1 =	rddreg [dreg:$0x1];
	p0 =	sne.s32 s2, $0x0  }
0x53: {  	s3 =	rddreg [dreg:$0x2];
	[bflag:$0x3] =	sbarrier.arrive $0xFFFF;
	s2 =	simm.s32 @!p0 $0x1C02  }
0x54: {  	[timem:s3], [sflag:s2] =	dma.local @!p0 [hbm:s0], s1  }
0x55: {  	s0 =	simm.s32 @!p0 $0x2  }
0x56: {  	_ =	swait.ge @!p0 [sflag:s0], s1  }
0x57: {  	s1 =	ssub.s32 @!p0 $0x0, s1;
	[sflag:s0] =	ssyncset.done @!p0 $0x0  }
0x58: {  	[sflag:s0] =	ssyncadd.s32 @!p0 s1  }
0x59: {  	[bflag:$0x3] =	sbarrier.arrive $0xFFFF  }
0x5a: {  	_ =	shalt  }

// kernel: kernel.20.cloned.1.call-start
scs
__scs_entry_jumppad:
0x0: {  	(pc) =	sbr.rel $0x88, $3  }
0x1: {  	(tag) =	ssettag $0x0;
	lr =	simm.s32 $0x1  }
0x2: {  	[smem:$0x3F98] =	sst lr;
	_ =	strace $0xD0000000  }
0x3: {  	_ = 	snop  }
0x4: {  	_ = 	snop  }
0x5: {  	_ = 	snop  }
0x6: {  	_ = 	snop  }
0x7: {  	_ = 	snop  }
__scs_overlays_trampoline_lowered:
0x8: {  	[smem:$0x3FA7] =	sst s0  }
0x9: {  	[smem:$0x3FA8] =	sst s1  }
0xa: {  	[smem:$0x3FA9] =	sst s2  }
0xb: {  	[smem:$0x3FAA] =	sst s3  }
0xc: {  	[smem:$0x3FAB] =	sst s4  }
0xd: {  	[smem:$0x3FAC] =	sst s5  }
0xe: {  	[smem:$0x3FAD] =	sst s6  }
0xf: {  	[smem:$0x3FAE] =	sst s7  }
0x10: {  	[smem:$0x3FAF] =	sst s8  }
0x11: {  	[smem:$0x3FB0] =	sst s9;
	s0 =	simm.s32 @!p0 $0x0  }
0x12: {  	s1 =	sld [smem:$0x3F96];
	s0 =	simm.s32 @p0 $0x1  }
0x13: {  	[smem:$0x3FB1] =	sst s0;
	s0 =	simm.s32 @!p1 $0x0  }
0x14: {  	s2 =	sld [smem:$0x3F95];
	s0 =	simm.s32 @p1 $0x1  }
0x15: {  	[smem:$0x3FB2] =	sst s0;
	s0 =	simm.s32 @!p2 $0x0  }
0x16: {  	s3 =	sld [smem:$0x3FDB];
	s0 =	simm.s32 @p2 $0x1  }
0x17: {  	s4 =	simm.s32 $0x1BF5;
	[smem:$0x3FB4] =	sst s0  }
0x18: {  	s0 =	sld [smem:$0x3F97];
	_ =	swait.ge [sflag:s4], $0x0  }
0x19: {  	s7 =	sld [smem:$0x3F98]  }
0x1a: {  	s8 =	sadd.s32 $0xFFFFE003, lr  }
0x1b: {  	s9 =	sadd.s32 $0xFFFFFEF7, lr;
	s5 =	simm.s32 $0xFFFFFFFF;
	p2 =	slt.u32 s8, $0xFFFFF086  }
0x1c: {  	p1 =	slt.u32 s9, $0xF7A;
	s5 =	simm.s32 @!p2 $0x0  }
0x1d: {  	s5 =	simm.s32 @p1 $0x1;
	p0 =	seq.s32 s7, s2  }
0x1e: {  	s7 =	smul.u32 @!p0 $0xF7A, s2;
	p2 =	seq.s32 @!p0 s5, $0x0  }
0x1f: {  	s9 =	smul.u32 $0xF7A, s1;
	s8 =	simm.s32 @!p0 $0x1BF5;
	p2 =	por !p2, p0  }
0x20: {  	[sflag:s8] =	ssyncset.s32 @!p0 $0xFFFFF086;
	s6 =	sadd.s32 @!p0 s3, s7;
	s7 =	simm.s32 @!p0 $0x108  }
0x21: {  	s3 =	sadd.s32 s3, s9;
	s6 =	sadd.s32 @!p0 $0x88, s6;
	s7 =	simm.s32 @p2 $0x1082  }
0x22: {  	[simem:s7], [sflag:s8] =	dma.local @!p0 [hbm:s6], $0xF7A  }
0x23: {  	s9 =	sor.u32 $0xD0000000, s2;
	s6 =	simm.s32 $0x108;
	_ =	swait.ge @!p0 [sflag:s8], $0x0  }
0x24: {  	s3 =	sadd.s32 $0x88, s3;
	s6 =	simm.s32 @!p1 $0x1082;
	[sflag:s4] =	ssyncset.s32 $0xFFFFF086  }
0x25: {  	[simem:s6], [sflag:s4] =	dma.local [hbm:s3], $0xF7A  }
0x26: {  	[smem:$0x3F98] =	sst s1;
	(tag) =	ssettag s2;
	_ =	strace s9  }
0x27: {  	s1 =	sld [smem:$0x3FA8]  }
0x28: {  	s2 =	sld [smem:$0x3FA9]  }
0x29: {  	s4 =	sld [smem:$0x3FAB]  }
0x2a: {  	p0 =	seq.s32 s5, $0x0;
	s5 =	sld [smem:$0x3FAC]  }
0x2b: {  	s6 =	sld [smem:$0x3FAD]  }
0x2c: {  	s7 =	sld [smem:$0x3FAE]  }
0x2d: {  	s3 =	simm.s32 $0x108;
	s8 =	sld [smem:$0x3FAF]  }
0x2e: {  	s3 =	simm.s32 @!p0 $0x1082;
	s9 =	sld [smem:$0x3FB0]  }
0x2f: {  	lr =	sadd.s32 s0, s3;
	s0 =	sld [smem:$0x3FA7]  }
0x30: {  	s3 =	sld [smem:$0x3FAA]  }
0x31: {  	[smem:$0x3FB3] =	sst s10  }
0x32: {  	s10 =	sld [smem:$0x3FB1];
	_ =	sdelay $0x3  }
0x33: {  	p0 =	seq.s32 s10, $0x1;
	s10 =	sld [smem:$0x3FB3];
	_ =	sdelay $0x3  }
0x34: {  	[smem:$0x3FB3] =	sst s10  }
0x35: {  	s10 =	sld [smem:$0x3FB2];
	_ =	sdelay $0x3  }
0x36: {  	p1 =	seq.s32 s10, $0x1;
	s10 =	sld [smem:$0x3FB3];
	_ =	sdelay $0x3  }
0x37: {  	[smem:$0x3FB3] =	sst s10  }
0x38: {  	s10 =	sld [smem:$0x3FB4]  }
0x39: {  	_ = 	snop;
	(pc) =	sbr.ind lr, $3  }
0x3a: {  	_ = 	snop  }
0x3b: {  	_ = 	snop  }
0x3c: {  	p2 =	seq.s32 s10, $0x1;
	s10 =	sld [smem:$0x3FB3]  }
0x3d: {  	_ =	shalt  }
0x3e: {  	_ =	shalt  }
0x3f: {  	_ =	shalt  }
0x40: {  	_ =	shalt  }
0x41: {  	_ =	shalt  }
0x42: {  	_ =	shalt  }
0x43: {  	_ =	shalt  }
0x44: {  	_ =	shalt  }
0x45: {  	_ =	shalt  }
0x46: {  	_ =	shalt  }
0x47: {  	_ =	shalt  }
0x48: {  	_ =	shalt  }
0x49: {  	_ =	shalt  }
0x4a: {  	_ =	shalt  }
0x4b: {  	_ =	shalt  }
0x4c: {  	_ =	shalt  }
0x4d: {  	_ =	shalt  }
0x4e: {  	_ =	shalt  }
0x4f: {  	_ =	shalt  }
0x50: {  	_ =	shalt  }
0x51: {  	_ =	shalt  }
0x52: {  	_ =	shalt  }
0x53: {  	_ =	shalt  }
0x54: {  	_ =	shalt  }
0x55: {  	_ =	shalt  }
0x56: {  	_ =	shalt  }
0x57: {  	_ =	shalt  }
0x58: {  	_ =	shalt  }
0x59: {  	_ =	shalt  }
0x5a: {  	_ =	shalt  }
0x5b: {  	_ =	shalt  }
0x5c: {  	_ =	shalt  }
0x5d: {  	_ =	shalt  }
0x5e: {  	_ =	shalt  }
0x5f: {  	_ =	shalt  }
0x60: {  	_ =	shalt  }
0x61: {  	_ =	shalt  }
0x62: {  	_ =	shalt  }
0x63: {  	_ =	shalt  }
0x64: {  	_ =	shalt  }
0x65: {  	_ =	shalt  }
0x66: {  	_ =	shalt  }
0x67: {  	_ =	shalt  }
0x68: {  	_ =	shalt  }
0x69: {  	_ =	shalt  }
0x6a: {  	_ =	shalt  }
0x6b: {  	_ =	shalt  }
0x6c: {  	_ =	shalt  }
0x6d: {  	_ =	shalt  }
0x6e: {  	_ =	shalt  }
0x6f: {  	_ =	shalt  }
0x70: {  	_ =	shalt  }
0x71: {  	_ =	shalt  }
0x72: {  	_ =	shalt  }
0x73: {  	_ =	shalt  }
0x74: {  	_ =	shalt  }
0x75: {  	_ =	shalt  }
0x76: {  	_ =	shalt  }
0x77: {  	_ =	shalt  }
0x78: {  	_ =	shalt  }
0x79: {  	_ =	shalt  }
0x7a: {  	_ =	shalt  }
0x7b: {  	_ =	shalt  }
0x7c: {  	_ =	shalt  }
0x7d: {  	_ =	shalt  }
0x7e: {  	_ =	shalt  }
0x7f: {  	_ =	shalt  }
0x80: {  	_ =	shalt  }
0x81: {  	_ =	shalt  }
0x82: {  	_ =	shalt  }
0x83: {  	_ =	shalt  }
0x84: {  	_ =	shalt  }
0x85: {  	_ =	shalt  }
0x86: {  	_ =	shalt  }
0x87: {  	_ =	shalt  }
.Lfunc_end0:
.L_simem_size_0:
called_computation.5_lowered:
.L_overlay_start_0:
0x88: {  	s2 =	sld [smem:$0x3FD9]  }
0x89: {  	s3 =	sld [smem:$0x3FFE];
	_ =	sdelay $0x1  }
0x8a: {  	s1 =	srdreg.scid  }
0x8b: {  	s0 =	sand.u32 $0x1, s1  }
0x8c: {  	s17 =	sshll.u32 s0, $0xA;
	s2 =	sadd.s32 s3, s2  }
0x8d: {  	s2 =	sadd.s32 s2, s17  }
0x8e: {  	[smem:$0x3FBF] =	sst s2  }
0x8f: {  	_ = 	snop  }
0x90: {  	s18 =	sld [smem:$0x3FD0];
	(tm) =	ssettm $0x1  }
0x91: {  	s19 =	sld [smem:$0x3FFB];
	_ =	sdelay $0x3  }
0x92: {  	_ =	strace s19  }
0x93: {  	s2 =	sld [smem:$0x3FFC];
	_ =	sdelay $0x3  }
0x94: {  	_ =	strace s2  }
0x95: {  	s2 =	sld [smem:$0x3FFD];
	_ =	sdelay $0x3  }
0x96: {  	_ =	strace s2  }
0x97: {  	_ =	strace $0x8FFFFFFF  }
0x98: {  	s20 =	sld [smem:$0x3FDB];
	_ =	sdelay $0x1  }
0x99: {  	s4 =	simm.s32 $_scs_section_size  }
0x9a: {  	s5 =	simm.s32 $_size__tile_overlayer_lowered;
	s6 =	simm.s32 $_tile_overlayer_lowered  }
0x9b: {  	s7 =	simm.s32 $0x1BFF;
	s21 =	sshll.u32 s6, $0x1;
	s4 =	sadd.s32 s4, s20  }
0x9c: {  	s22 =	simm.s32 $0x0;
	s5 =	sshll.u32 s5, $0x1;
	s6 =	sadd.s32 s21, s4  }
0x9d: {  	[timem:s22], [sflag:s7] =	dma.local [hbm:s6], s5  }
0x9e: {  	_ =	swait.ge [sflag:s7], s5  }
0x9f: {  	s5 =	ssub.s32 $0x0, s5;
	[sflag:s7] =	ssyncset.done $0x0  }
0xa0: {  	[sflag:s7] =	ssyncadd.s32 s5;
	_ =	sdelay $0x1  }
0xa1: {  	s23 =	simm.s32 $0x1B8B  }
0xa2: {  	_ =	swait.ge [sflag:s23], $0x1  }
0xa3: {  	[sflag:s23] =	ssyncset.done $0x0  }
0xa4: {  	[sflag:s23] =	ssyncadd.s32 $0xFFFFFFFF  }
0xa5: {  	s5 =	sld [smem:$0x0]  }
0xa6: {  	s6 =	sand.u32 $0xFFFFFFFE, s1  }
0xa7: {  	p0 =	sne.s32 s1, s6  }
0xa8: {  	s6 =	sshll.u32 @p0 s6, $0xE  }
0xa9: {  	s6 =	sadd.s32 @p0 $0x11B8D, s6;
	s7 =	sshll.u32 @p0 s5, $0x11  }
0xaa: {  	s6 =	sor.u32 @p0 s7, s6  }
0xab: {  	[sflag:s6] =	ssyncadd.remote.s32 @p0 $0x1;
	_ =	sdelay $0x1  }
0xac: {  	s6 =	simm.s32 @p0 $0x1B8D  }
0xad: {  	_ =	swait.eq @p0 [sflag:s6], $0x1  }
0xae: {  	[sflag:s6] =	ssyncadd.s32 @p0 $0xFFFFFFFF  }
0xaf: {  	s7 =	sshll.u32 @!p0 s1, $0xE  }
0xb0: {  	s7 =	sor.u32 @!p0 $0x4000, s7;
	s6 =	simm.s32 @!p0 $0x1B8D  }
0xb1: {  	s5 =	sshll.u32 @!p0 s5, $0x11;
	s7 =	sadd.s32 @!p0 $0x11B8D, s7;
	_ =	swait.eq @!p0 [sflag:s6], $0x1  }
0xb2: {  	s5 =	sor.u32 @!p0 s5, s7;
	[sflag:s6] =	ssyncadd.s32 @!p0 $0xFFFFFFFF  }
0xb3: {  	s25 =	simm.s32 $0x1B8E;
	s24 =	sld [smem:$0x3FFE];
	[sflag:s5] =	ssyncadd.remote.s32 @!p0 $0x1  }
0xb4: {  	s26 =	simm.s32 $execute0_lowered;
	[smem:$0x3FD2] =	sst s25  }
0xb5: {  	s6 =	sshll.u32 s26, $0x1;
	_ =	strace $0x80000055;
	[dreg:$0x1] =	wrdreg $0xFFFFFFFF  }
0xb6: {  	s28 =	simm.s32 $_size_execute0_lowered;
	s4 =	sadd.s32 s4, s6;
	[dreg:$0x0] =	wrdreg $0x0  }
0xb7: {  	s6 =	sshll.u32 s28, $0x1;
	[dreg:$0x2] =	wrdreg s4  }
0xb8: {  	[dreg:$0x3] =	wrdreg s6  }
0xb9: {  	[dreg:$0x4] =	wrdreg $0xC0  }
0xba: {  	_ =	task [dreg:s22], $0x5FFFF  }
0xbb: {  	[dreg:$0x1] =	wrdreg $0xFFFFFFFF  }
0xbc: {  	[dreg:$0x0] =	wrdreg $0x60  }
0xbd: {  	[dreg:$0x2] =	wrdreg s24  }
0xbe: {  	[dreg:$0x3] =	wrdreg s18  }
0xbf: {  	[dreg:$0x4] =	wrdreg $0x66000  }
0xc0: {  	[dreg:$0x5] =	wrdreg $0xA  }
0xc1: {  	_ =	task.clear_ibuf [dreg:s22], $0x6FFFF;
	_ =	strace $0x90000055  }
0xc2: {  	s29 =	simm.s32 $0xA;
	_ =	strace $0x80000057  }
0xc3: {  	_ =	swait.ge [sflag:s29], $0x1  }
0xc4: {  	[sflag:s29] =	ssyncadd.s32 $0xFFFFFFFF  }
0xc5: {  	_ =	strace $0x90000057  }
0xc6: {  	_ =	sfence  }
0xc7: {  	s30 =	sld [smem:$0x0];
	_ =	sdelay $0x2  }
0xc8: {  	s31 =	sshll.u32 s1, $0xD;
	s1 =	sshrl.u32 s1, $0x2  }
0xc9: {  	s4 =	sand.u32 $0x4000, s31;
	s1 =	sadd.s32 s1, s30  }
0xca: {  	s0 =	sor.u32 s4, s0;
	s1 =	sshll.u32 s1, $0x11  }
0xcb: {  	s0 =	sor.u32 s1, s0  }
0xcc: {  	s0 =	sadd.s32 $0x8F2B, s0  }
0xcd: {  	[sflag:s0] =	ssyncadd.remote.s32 $0x1  }
0xce: {  	_ =	sfence.sel $0xFFFF  }
0xcf: {  	[dreg:$0x0] =	wrdreg $0xFFFFFFFF;
	(pc) =	sbr.abs _section_cstart, $3  }
0xd0: {  	[dreg:$0x1] =	wrdreg $0xFFFFFFFF  }
0xd1: {  	_ =	task.clear_ibuf [dreg:s22], $0x2FFFF;
	_ =	strace $0x9FFFFFFF  }
0xd2: {  	(tm) =	ssettm $0x7FFFFFFF  }
0xd3: {  	_ =	shalt  }
tec
execute0_lowered:
.L_overlay_start_1:
0x0: {  	(tag) =	ssettag $0x1  }
0x1: {  	s5 =	rddreg [dreg:$0x0];
	s1 =	srdreg.scid  }
0x2: {  	s0 =	stileid.u32;
	s9 =	rddreg [dreg:$0x1]  }
0x3: {  	s2 =	rddreg [dreg:$0x2];
	s3 =	simm.s32 $0x0;
	s4 =	smul.u32 $0x2710, s0  }
0x4: {  	s15 =	simm.s32 $0x200;
	s16 =	simm.s32 $0x1;
	s28 =	smul.u32 $0x14000, s0  }
0x5: {  	s6 =	sand.u32 $0x1, s1;
	s1 =	rddreg [dreg:$0x3];
	s29 =	smul.u32 $0x50000, s0  }
0x6: {  	s17 =	simm.s32 $0x0;
	[smem:$0x7FF] =	sst s3;
	s7 =	smul.u32 $0x1388, s6  }
0x7: {  	s31 =	sshll.u32 s0, $0x6;
	s8 =	smul.u32 $0x140000, s6;
	s6 =	ssub.s32 $0x2, s6  }
0x8: {  	_ =	strace $0x80000056;
	s12 =	sshrl.u32 s28, $0x3;
	s13 =	sshrl.u32 s6, $0x1  }
0x9: {  	s30 =	sshrl.u32 s29, $0x2;
	s4 =	sadd.s32 s7, s4;
	s7 =	sadd.s32 s28, s8  }
0xa: {  	s12 =	sadd.s32 s12, s5;
	s13 =	ssub.s32 s6, s13;
	s14 =	sadd.s32 s30, s2  }
0xb: {  	s6 =	sor.u32 $0x1C02, s31;
	s10 =	sshrl.u32 s4, $0x3;
	s4 =	sadd.s32 $0xA8800, s5  }
0xc: {  	s7 =	sshrl.u32 s7, $0x3;
	s8 =	smax.u32 s13, $0x1;
	s13 =	simm.s32 $0x100  }
0xd: {  	s11 =	sadd.s32 s10, s5;
	s7 =	sadd.s32 s7, s5;
	s5 =	sadd.s32 $0x9000, s12  }
0xe: {  	s9 =	sadd.s32 s10, s9;
	s12 =	simm.s32 $0x2;
	s7 =	sadd.s32 $0x58800, s7  }
0xf: {  	s10 =	sadd.s32 $0x4000, s11;
	s11 =	sshrl.u32 s14, $0x3;
	s14 =	simm.s32 $0xC8  }
.LBB2_1:
0x10: {  	[spmem:s11], [sflag:s6] =	dma.local [hbm:s5], $0x2800  }
0x11: {  	_ =	swait.ge [sflag:s12], $0x2800  }
0x12: {  	[sflag:s12] =	ssyncset.done $0x0  }
0x13: {  	[sflag:s12] =	ssyncadd.s32 $0xFFFFD800  }
0x14: {  	s18 =	sadd.s32 $0x0, s10;
	[bflag:$0x0] =	sbarrier.arrive $0xFFFF  }
0x15: {  	[tilespmem:s3], [sflag:$0x2] =	stream.linear.gather [hbm4b:s18+s3], $0xC8, $0x38;
	[tilespmem:$0x1A600] =	vst v63  }
0x16: {  	_ =	swait.ge [sflag:s12], $0xC8  }
0x17: {  	[sflag:s12] =	ssyncset.done $0x0  }
0x18: {  	s31 =	sadd.s32 $0x0, s9;
	[sflag:s12] =	ssyncadd.s32 $0xFFFFFF38  }
0x19: {  	[tilespmem:s13], [sflag:$0x2] =	stream.linear.gather [hbm4b:s31+s3], $0xC8, $0x38;
	[tilespmem:$0x1A600] =	vst v63  }
0x1a: {  	_ =	swait.ge [sflag:s12], $0xC8  }
0x1b: {  	[sflag:s12] =	ssyncset.done $0x0  }
0x1c: {  	[sflag:s12] =	ssyncadd.s32 $0xFFFFFF38  }
0x1d: {  	[tilespmem:s15], [sflag:$0x1] =	stream.indirect.gather [hbm4b:s4+s14], $0x80, s3, s14, $0xb8;
	[tilespmem:$0x1A600] =	vst v63  }
0x1e: {  	_ =	swait.ge [sflag:s16], $0x6400  }
0x1f: {  	[sflag:s16] =	ssyncset.done $0x0  }
0x20: {  	[sflag:s16] =	ssyncadd.s32 $0xFFFF9C00  }
0x21: {  	[spmem:s2] =	stream.indirect.scatter.add.f32 [tilespmem:s15], [sflag:$0x2], $0x80, s13, s14, $0xb8;
	[tilespmem:$0x1A600] =	vst v63  }
0x22: {  	_ =	swait.ge [sflag:s12], $0x6400  }
0x23: {  	s19 =	simm.s32 $0x32;
	s18 =	simm.s32 $0x19;
	[sflag:s12] =	ssyncset.done $0x0  }
.LBB2_2:
0x24: {  	s20 =	sadd.s32 s18, s10  }
0x25: {  	[sflag:s12] =	ssyncadd.s32 $0xFFFF9C00;
	s21 =	smov.u32 s19;
	s22 =	sadd.s32 $0x19, s19  }
0x26: {  	[tilespmem:s3], [sflag:$0x2] =	stream.linear.gather [hbm4b:s20+s3], $0xC8, $0x38;
	[tilespmem:$0x1A600] =	vst v63  }
0x27: {  	p0 =	sne.s32 s19, $0x258;
	_ =	swait.ge [sflag:s12], $0xC8  }
0x28: {  	[sflag:s12] =	ssyncset.done $0x0  }
0x29: {  	s19 =	sadd.s32 s18, s9;
	s18 =	smov.u32 s21;
	[sflag:s12] =	ssyncadd.s32 $0xFFFFFF38  }
0x2a: {  	[tilespmem:s13], [sflag:$0x2] =	stream.linear.gather [hbm4b:s19+s3], $0xC8, $0x38;
	[tilespmem:$0x1A600] =	vst v63  }
0x2b: {  	_ =	swait.ge [sflag:s12], $0xC8  }
0x2c: {  	[sflag:s12] =	ssyncset.done $0x0  }
0x2d: {  	[sflag:s12] =	ssyncadd.s32 $0xFFFFFF38  }
0x2e: {  	[tilespmem:s15], [sflag:$0x1] =	stream.indirect.gather [hbm4b:s4+s14], $0x80, s3, s14, $0xb8;
	[tilespmem:$0x1A600] =	vst v63  }
0x2f: {  	_ =	swait.ge [sflag:s16], $0x6400  }
.Ltmp0:
0x30: {  	[sflag:s16] =	ssyncset.done $0x0;
	(pc) =	sbr.rel @p0 .LBB2_2-.Ltmp0, $4  }
0x31: {  	[sflag:s16] =	ssyncadd.s32 $0xFFFF9C00  }
0x32: {  	[spmem:s2] =	stream.indirect.scatter.add.f32 [tilespmem:s15], [sflag:$0x2], $0x80, s13, s14, $0xb8;
	[tilespmem:$0x1A600] =	vst v63  }
0x33: {  	_ =	swait.ge [sflag:s12], $0x6400  }
0x34: {  	s19 =	smov.u32 s22;
	[sflag:s12] =	ssyncset.done $0x0  }
0x35: {  	s19 =	sadd.s32 s18, s10;
	[sflag:s12] =	ssyncadd.s32 $0xFFFF9C00  }
0x36: {  	[tilespmem:s3], [sflag:$0x2] =	stream.linear.gather [hbm4b:s19+s3], $0xC8, $0x38;
	[tilespmem:$0x1A600] =	vst v63  }
0x37: {  	_ =	swait.ge [sflag:s12], $0xC8  }
0x38: {  	[sflag:s12] =	ssyncset.done $0x0  }
0x39: {  	s31 =	sadd.s32 s18, s9;
	[sflag:s12] =	ssyncadd.s32 $0xFFFFFF38  }
0x3a: {  	[tilespmem:s13], [sflag:$0x2] =	stream.linear.gather [hbm4b:s31+s3], $0xC8, $0x38;
	[tilespmem:$0x1A600] =	vst v63  }
0x3b: {  	_ =	swait.ge [sflag:s12], $0xC8  }
0x3c: {  	[sflag:s12] =	ssyncset.done $0x0  }
0x3d: {  	[sflag:s12] =	ssyncadd.s32 $0xFFFFFF38  }
0x3e: {  	[tilespmem:s15], [sflag:$0x1] =	stream.indirect.gather [hbm4b:s4+s14], $0x80, s3, s14, $0xb8;
	[tilespmem:$0x1A600] =	vst v63  }
0x3f: {  	_ =	swait.ge [sflag:s16], $0x6400  }
0x40: {  	[sflag:s16] =	ssyncset.done $0x0  }
0x41: {  	[sflag:s16] =	ssyncadd.s32 $0xFFFF9C00  }
0x42: {  	[spmem:s2] =	stream.indirect.scatter.add.f32 [tilespmem:s15], [sflag:$0x2], $0x80, s13, s14, $0xb8;
	[tilespmem:$0x1A600] =	vst v63  }
0x43: {  	_ =	swait.ge [sflag:s12], $0x6400  }
0x44: {  	s17 =	sadd.s32 $0x1, s17;
	[sflag:s12] =	ssyncset.done $0x0  }
0x45: {  	p0 =	sne.s32 s17, s8;
	[sflag:s12] =	ssyncadd.s32 $0xFFFF9C00  }
.Ltmp1:
0x46: {  	[bflag:$0x0] =	sbarrier.arrive $0xFFFF;
	(pc) =	sbr.rel @p0 .LBB2_1-.Ltmp1, $4  }
0x47: {  	[hbm:s7], [sflag:s6] =	dma.local [spmem:s11], $0x2800  }
0x48: {  	_ =	swait.ge [sflag:s12], $0x2800  }
0x49: {  	[sflag:s12] =	ssyncset.done $0x0  }
0x4a: {  	[sflag:s12] =	ssyncadd.s32 $0xFFFFD800  }
0x4b: {  	_ =	sfence.sel $0x180000  }
0x4c: {  	[bflag:$0x0] =	sbarrier.arrive $0xFFFF  }
0x4d: {  	p0 =	sne.s32 s0, $0x0;
	_ =	strace $0x90000056  }
0x4e: {  	s0 =	sadd.s32 @!p0 $0x100000, s1;
	[bflag:$0x2] =	sbarrier.arrive $0xFFFF  }
0x4f: {  	[sflag:s0] =	ssyncadd.tile.s32 @!p0 $0x1;
	_ =	shalt  }
.Lfunc_end2:
_tile_overlayer_lowered:
.L_overlay_start_2:
0x50: {  	(tag) =	ssettag $0x2  }
0x51: {  	s0 =	rddreg [dreg:$0x0];
	s2 =	stileid.u32  }
0x52: {  	s1 =	rddreg [dreg:$0x1];
	p0 =	sne.s32 s2, $0x0  }
0x53: {  	s3 =	rddreg [dreg:$0x2];
	[bflag:$0x3] =	sbarrier.arrive $0xFFFF;
	s2 =	simm.s32 @!p0 $0x1C02  }
0x54: {  	[timem:s3], [sflag:s2] =	dma.local @!p0 [hbm:s0], s1  }
0x55: {  	s0 =	simm.s32 @!p0 $0x2  }
0x56: {  	_ =	swait.ge @!p0 [sflag:s0], s1  }
0x57: {  	s1 =	ssub.s32 @!p0 $0x0, s1;
	[sflag:s0] =	ssyncset.done @!p0 $0x0  }
0x58: {  	[sflag:s0] =	ssyncadd.s32 @!p0 s1  }
0x59: {  	[bflag:$0x3] =	sbarrier.arrive $0xFFFF  }
0x5a: {  	_ =	shalt  }

// kernel: kernel.8.cloned.1.call-start
scs
__scs_entry_jumppad:
0x0: {  	(pc) =	sbr.rel $0x88, $3  }
0x1: {  	(tag) =	ssettag $0x0;
	lr =	simm.s32 $0x1  }
0x2: {  	[smem:$0x3F98] =	sst lr;
	_ =	strace $0xD0000000  }
0x3: {  	_ = 	snop  }
0x4: {  	_ = 	snop  }
0x5: {  	_ = 	snop  }
0x6: {  	_ = 	snop  }
0x7: {  	_ = 	snop  }
__scs_overlays_trampoline_lowered:
0x8: {  	[smem:$0x3FA7] =	sst s0  }
0x9: {  	[smem:$0x3FA8] =	sst s1  }
0xa: {  	[smem:$0x3FA9] =	sst s2  }
0xb: {  	[smem:$0x3FAA] =	sst s3  }
0xc: {  	[smem:$0x3FAB] =	sst s4  }
0xd: {  	[smem:$0x3FAC] =	sst s5  }
0xe: {  	[smem:$0x3FAD] =	sst s6  }
0xf: {  	[smem:$0x3FAE] =	sst s7  }
0x10: {  	[smem:$0x3FAF] =	sst s8  }
0x11: {  	[smem:$0x3FB0] =	sst s9;
	s0 =	simm.s32 @!p0 $0x0  }
0x12: {  	s1 =	sld [smem:$0x3F96];
	s0 =	simm.s32 @p0 $0x1  }
0x13: {  	[smem:$0x3FB1] =	sst s0;
	s0 =	simm.s32 @!p1 $0x0  }
0x14: {  	s2 =	sld [smem:$0x3F95];
	s0 =	simm.s32 @p1 $0x1  }
0x15: {  	[smem:$0x3FB2] =	sst s0;
	s0 =	simm.s32 @!p2 $0x0  }
0x16: {  	s3 =	sld [smem:$0x3FDB];
	s0 =	simm.s32 @p2 $0x1  }
0x17: {  	s4 =	simm.s32 $0x1BF5;
	[smem:$0x3FB4] =	sst s0  }
0x18: {  	s0 =	sld [smem:$0x3F97];
	_ =	swait.ge [sflag:s4], $0x0  }
0x19: {  	s7 =	sld [smem:$0x3F98]  }
0x1a: {  	s8 =	sadd.s32 $0xFFFFE003, lr  }
0x1b: {  	s9 =	sadd.s32 $0xFFFFFEF7, lr;
	s5 =	simm.s32 $0xFFFFFFFF;
	p2 =	slt.u32 s8, $0xFFFFF086  }
0x1c: {  	p1 =	slt.u32 s9, $0xF7A;
	s5 =	simm.s32 @!p2 $0x0  }
0x1d: {  	s5 =	simm.s32 @p1 $0x1;
	p0 =	seq.s32 s7, s2  }
0x1e: {  	s7 =	smul.u32 @!p0 $0xF7A, s2;
	p2 =	seq.s32 @!p0 s5, $0x0  }
0x1f: {  	s9 =	smul.u32 $0xF7A, s1;
	s8 =	simm.s32 @!p0 $0x1BF5;
	p2 =	por !p2, p0  }
0x20: {  	[sflag:s8] =	ssyncset.s32 @!p0 $0xFFFFF086;
	s6 =	sadd.s32 @!p0 s3, s7;
	s7 =	simm.s32 @!p0 $0x108  }
0x21: {  	s3 =	sadd.s32 s3, s9;
	s6 =	sadd.s32 @!p0 $0x88, s6;
	s7 =	simm.s32 @p2 $0x1082  }
0x22: {  	[simem:s7], [sflag:s8] =	dma.local @!p0 [hbm:s6], $0xF7A  }
0x23: {  	s9 =	sor.u32 $0xD0000000, s2;
	s6 =	simm.s32 $0x108;
	_ =	swait.ge @!p0 [sflag:s8], $0x0  }
0x24: {  	s3 =	sadd.s32 $0x88, s3;
	s6 =	simm.s32 @!p1 $0x1082;
	[sflag:s4] =	ssyncset.s32 $0xFFFFF086  }
0x25: {  	[simem:s6], [sflag:s4] =	dma.local [hbm:s3], $0xF7A  }
0x26: {  	[smem:$0x3F98] =	sst s1;
	(tag) =	ssettag s2;
	_ =	strace s9  }
0x27: {  	s1 =	sld [smem:$0x3FA8]  }
0x28: {  	s2 =	sld [smem:$0x3FA9]  }
0x29: {  	s4 =	sld [smem:$0x3FAB]  }
0x2a: {  	p0 =	seq.s32 s5, $0x0;
	s5 =	sld [smem:$0x3FAC]  }
0x2b: {  	s6 =	sld [smem:$0x3FAD]  }
0x2c: {  	s7 =	sld [smem:$0x3FAE]  }
0x2d: {  	s3 =	simm.s32 $0x108;
	s8 =	sld [smem:$0x3FAF]  }
0x2e: {  	s3 =	simm.s32 @!p0 $0x1082;
	s9 =	sld [smem:$0x3FB0]  }
0x2f: {  	lr =	sadd.s32 s0, s3;
	s0 =	sld [smem:$0x3FA7]  }
0x30: {  	s3 =	sld [smem:$0x3FAA]  }
0x31: {  	[smem:$0x3FB3] =	sst s10  }
0x32: {  	s10 =	sld [smem:$0x3FB1];
	_ =	sdelay $0x3  }
0x33: {  	p0 =	seq.s32 s10, $0x1;
	s10 =	sld [smem:$0x3FB3];
	_ =	sdelay $0x3  }
0x34: {  	[smem:$0x3FB3] =	sst s10  }
0x35: {  	s10 =	sld [smem:$0x3FB2];
	_ =	sdelay $0x3  }
0x36: {  	p1 =	seq.s32 s10, $0x1;
	s10 =	sld [smem:$0x3FB3];
	_ =	sdelay $0x3  }
0x37: {  	[smem:$0x3FB3] =	sst s10  }
0x38: {  	s10 =	sld [smem:$0x3FB4]  }
0x39: {  	_ = 	snop;
	(pc) =	sbr.ind lr, $3  }
0x3a: {  	_ = 	snop  }
0x3b: {  	_ = 	snop  }
0x3c: {  	p2 =	seq.s32 s10, $0x1;
	s10 =	sld [smem:$0x3FB3]  }
0x3d: {  	_ =	shalt  }
0x3e: {  	_ =	shalt  }
0x3f: {  	_ =	shalt  }
0x40: {  	_ =	shalt  }
0x41: {  	_ =	shalt  }
0x42: {  	_ =	shalt  }
0x43: {  	_ =	shalt  }
0x44: {  	_ =	shalt  }
0x45: {  	_ =	shalt  }
0x46: {  	_ =	shalt  }
0x47: {  	_ =	shalt  }
0x48: {  	_ =	shalt  }
0x49: {  	_ =	shalt  }
0x4a: {  	_ =	shalt  }
0x4b: {  	_ =	shalt  }
0x4c: {  	_ =	shalt  }
0x4d: {  	_ =	shalt  }
0x4e: {  	_ =	shalt  }
0x4f: {  	_ =	shalt  }
0x50: {  	_ =	shalt  }
0x51: {  	_ =	shalt  }
0x52: {  	_ =	shalt  }
0x53: {  	_ =	shalt  }
0x54: {  	_ =	shalt  }
0x55: {  	_ =	shalt  }
0x56: {  	_ =	shalt  }
0x57: {  	_ =	shalt  }
0x58: {  	_ =	shalt  }
0x59: {  	_ =	shalt  }
0x5a: {  	_ =	shalt  }
0x5b: {  	_ =	shalt  }
0x5c: {  	_ =	shalt  }
0x5d: {  	_ =	shalt  }
0x5e: {  	_ =	shalt  }
0x5f: {  	_ =	shalt  }
0x60: {  	_ =	shalt  }
0x61: {  	_ =	shalt  }
0x62: {  	_ =	shalt  }
0x63: {  	_ =	shalt  }
0x64: {  	_ =	shalt  }
0x65: {  	_ =	shalt  }
0x66: {  	_ =	shalt  }
0x67: {  	_ =	shalt  }
0x68: {  	_ =	shalt  }
0x69: {  	_ =	shalt  }
0x6a: {  	_ =	shalt  }
0x6b: {  	_ =	shalt  }
0x6c: {  	_ =	shalt  }
0x6d: {  	_ =	shalt  }
0x6e: {  	_ =	shalt  }
0x6f: {  	_ =	shalt  }
0x70: {  	_ =	shalt  }
0x71: {  	_ =	shalt  }
0x72: {  	_ =	shalt  }
0x73: {  	_ =	shalt  }
0x74: {  	_ =	shalt  }
0x75: {  	_ =	shalt  }
0x76: {  	_ =	shalt  }
0x77: {  	_ =	shalt  }
0x78: {  	_ =	shalt  }
0x79: {  	_ =	shalt  }
0x7a: {  	_ =	shalt  }
0x7b: {  	_ =	shalt  }
0x7c: {  	_ =	shalt  }
0x7d: {  	_ =	shalt  }
0x7e: {  	_ =	shalt  }
0x7f: {  	_ =	shalt  }
0x80: {  	_ =	shalt  }
0x81: {  	_ =	shalt  }
0x82: {  	_ =	shalt  }
0x83: {  	_ =	shalt  }
0x84: {  	_ =	shalt  }
0x85: {  	_ =	shalt  }
0x86: {  	_ =	shalt  }
0x87: {  	_ =	shalt  }
.Lfunc_end0:
.L_simem_size_0:
called_computation.1_lowered:
.L_overlay_start_0:
0x88: {  	s2 =	sld [smem:$0x3FD9]  }
0x89: {  	s3 =	sld [smem:$0x3FFE];
	_ =	sdelay $0x1  }
0x8a: {  	s1 =	srdreg.scid  }
0x8b: {  	s0 =	sand.u32 $0x1, s1  }
0x8c: {  	s17 =	sshll.u32 s0, $0xA;
	s2 =	sadd.s32 s3, s2  }
0x8d: {  	s2 =	sadd.s32 s2, s17  }
0x8e: {  	[smem:$0x3FBF] =	sst s2  }
0x8f: {  	_ = 	snop  }
0x90: {  	s2 =	sld [smem:$0x3FD0];
	(tm) =	ssettm $0x1  }
0x91: {  	s18 =	sld [smem:$0x3FFB];
	_ =	sdelay $0x3  }
0x92: {  	_ =	strace s18  }
0x93: {  	s3 =	sld [smem:$0x3FFC];
	_ =	sdelay $0x3  }
0x94: {  	_ =	strace s3  }
0x95: {  	s3 =	sld [smem:$0x3FFD];
	_ =	sdelay $0x3  }
0x96: {  	_ =	strace s3  }
0x97: {  	_ =	strace $0x8FFFFFFF  }
0x98: {  	s19 =	sld [smem:$0x3FDB];
	_ =	sdelay $0x1  }
0x99: {  	s4 =	simm.s32 $_scs_section_size  }
0x9a: {  	s5 =	simm.s32 $_size__tile_overlayer_lowered;
	s6 =	simm.s32 $_tile_overlayer_lowered  }
0x9b: {  	s22 =	simm.s32 $0x1BFF;
	s21 =	sshll.u32 s6, $0x1;
	s3 =	sadd.s32 s4, s19  }
0x9c: {  	s7 =	simm.s32 $0x0;
	s20 =	sshll.u32 s5, $0x1;
	s5 =	sadd.s32 s21, s3  }
0x9d: {  	[timem:s7], [sflag:s22] =	dma.local [hbm:s5], s20  }
0x9e: {  	_ =	swait.ge [sflag:s22], s20  }
0x9f: {  	s4 =	ssub.s32 $0x0, s20;
	[sflag:s22] =	ssyncset.done $0x0  }
0xa0: {  	[sflag:s22] =	ssyncadd.s32 s4;
	_ =	sdelay $0x1  }
0xa1: {  	s23 =	simm.s32 $0x1B8B  }
0xa2: {  	_ =	swait.ge [sflag:s23], $0x1  }
0xa3: {  	[sflag:s23] =	ssyncset.done $0x0  }
0xa4: {  	s25 =	simm.s32 $0x1B8E;
	s24 =	sld [smem:$0x3FFE];
	[sflag:s23] =	ssyncadd.s32 $0xFFFFFFFF  }
0xa5: {  	s26 =	simm.s32 $execute0_lowered;
	[smem:$0x3FD2] =	sst s25  }
0xa6: {  	s5 =	sshll.u32 s26, $0x1;
	_ =	strace $0x80000046;
	[dreg:$0x1] =	wrdreg $0xFFFFFFFF  }
0xa7: {  	s28 =	simm.s32 $_size_execute0_lowered;
	s3 =	sadd.s32 s3, s5;
	[dreg:$0x0] =	wrdreg $0x0  }
0xa8: {  	s5 =	sshll.u32 s28, $0x1;
	[dreg:$0x2] =	wrdreg s3  }
0xa9: {  	[dreg:$0x3] =	wrdreg s5  }
0xaa: {  	[dreg:$0x4] =	wrdreg $0xC0  }
0xab: {  	_ =	task [dreg:s7], $0x5FFFF  }
0xac: {  	[dreg:$0x1] =	wrdreg $0xFFFFFFFF  }
0xad: {  	[dreg:$0x0] =	wrdreg $0x60  }
0xae: {  	[dreg:$0x2] =	wrdreg s2  }
0xaf: {  	[dreg:$0x3] =	wrdreg s24  }
0xb0: {  	[dreg:$0x4] =	wrdreg $0x65000  }
0xb1: {  	[dreg:$0x5] =	wrdreg $0x9  }
0xb2: {  	_ =	task.clear_ibuf [dreg:s7], $0x6FFFF;
	_ =	strace $0x90000046  }
0xb3: {  	s29 =	simm.s32 $0x9;
	_ =	strace $0x80000048  }
0xb4: {  	_ =	swait.ge [sflag:s29], $0x1  }
0xb5: {  	[sflag:s29] =	ssyncadd.s32 $0xFFFFFFFF  }
0xb6: {  	_ =	strace $0x90000048  }
0xb7: {  	_ =	sfence  }
0xb8: {  	s30 =	sld [smem:$0x0];
	_ =	sdelay $0x2  }
0xb9: {  	s31 =	sshll.u32 s1, $0xD;
	s1 =	sshrl.u32 s1, $0x2  }
0xba: {  	s3 =	sand.u32 $0x4000, s31;
	s1 =	sadd.s32 s1, s30  }
0xbb: {  	s0 =	sor.u32 s3, s0;
	s1 =	sshll.u32 s1, $0x11  }
0xbc: {  	s0 =	sor.u32 s1, s0  }
0xbd: {  	s0 =	sadd.s32 $0x8F2B, s0  }
0xbe: {  	[sflag:s0] =	ssyncadd.remote.s32 $0x1  }
0xbf: {  	_ =	sfence.sel $0xFFFF  }
0xc0: {  	[dreg:$0x0] =	wrdreg $0xFFFFFFFF;
	(pc) =	sbr.abs _section_cstart, $3  }
0xc1: {  	[dreg:$0x1] =	wrdreg $0xFFFFFFFF  }
0xc2: {  	_ =	task.clear_ibuf [dreg:s7], $0x2FFFF;
	_ =	strace $0x9FFFFFFF  }
0xc3: {  	(tm) =	ssettm $0x7FFFFFFF  }
tec
execute0_lowered:
.L_overlay_start_1:
0x0: {  	(tag) =	ssettag $0x1  }
0x1: {  	s9 =	rddreg [dreg:$0x0]  }
0x2: {  	s5 =	rddreg [dreg:$0x1]  }
0x3: {  	s0 =	stileid.u32;
	s1 =	srdreg.scid  }
0x4: {  	s2 =	rddreg [dreg:$0x2];
	s4 =	smul.u32 $0x14000, s0  }
0x5: {  	s3 =	simm.s32 $0x0;
	s14 =	simm.s32 $0x0;
	s10 =	smul.u32 $0x50000, s0  }
0x6: {  	s6 =	sand.u32 $0x1, s1;
	s1 =	rddreg [dreg:$0x3];
	s11 =	smul.u32 $0x2710, s0  }
0x7: {  	[smem:$0x7FF] =	sst s3;
	s31 =	sshll.u32 s0, $0x6;
	s7 =	smul.u32 $0x140000, s6  }
0x8: {  	_ =	strace $0x80000047;
	s30 =	ssub.s32 $0x2, s6;
	s13 =	smul.u32 $0x1388, s6  }
0x9: {  	s6 =	sor.u32 $0x1C01, s31;
	s8 =	sshrl.u32 s4, $0x3;
	s12 =	sshrl.u32 s30, $0x1  }
0xa: {  	s10 =	sshrl.u32 s10, $0x2;
	s8 =	sadd.s32 s8, s5;
	s7 =	sadd.s32 s4, s7  }
0xb: {  	s4 =	sadd.s32 $0x31000, s5;
	s12 =	ssub.s32 s30, s12;
	s10 =	sadd.s32 s10, s2  }
0xc: {  	s11 =	sadd.s32 s13, s11;
	s13 =	simm.s32 $0xC8;
	s7 =	sshrl.u32 s7, $0x3  }
0xd: {  	s11 =	sshrl.u32 s11, $0x3;
	s10 =	sshrl.u32 s10, $0x3;
	s7 =	sadd.s32 s7, s5  }
0xe: {  	s5 =	sadd.s32 $0x9000, s8;
	s8 =	smax.u32 s12, $0x1;
	s9 =	sadd.s32 s11, s9  }
0xf: {  	s11 =	simm.s32 $0x1;
	s12 =	simm.s32 $0x100;
	s7 =	sadd.s32 $0x31E00, s7  }
.LBB2_1:
0x10: {  	[spmem:s10], [sflag:s6] =	dma.local [hbm:s5], $0x2800  }
0x11: {  	_ =	swait.ge [sflag:s11], $0x2800  }
0x12: {  	[sflag:s11] =	ssyncset.done $0x0  }
0x13: {  	[sflag:s11] =	ssyncadd.s32 $0xFFFFD800  }
0x14: {  	[tilespmem:s12], [sflag:$0x1] =	stream.linear.gather [hbm4b:s4+s3], $0x6400, $0x38;
	[tilespmem:$0x1A500] =	vst v63  }
0x15: {  	_ =	swait.ge [sflag:s11], $0x6400  }
0x16: {  	[sflag:s11] =	ssyncset.done $0x0  }
0x17: {  	[sflag:s11] =	ssyncadd.s32 $0xFFFF9C00  }
0x18: {  	s15 =	sadd.s32 $0x0, s9;
	[bflag:$0x0] =	sbarrier.arrive $0xFFFF  }
0x19: {  	[tilespmem:s3], [sflag:$0x1] =	stream.linear.gather [hbm4b:s15+s3], $0xC8, $0x38;
	[tilespmem:$0x1A500] =	vst v63  }
0x1a: {  	_ =	swait.ge [sflag:s11], $0xC8  }
0x1b: {  	[sflag:s11] =	ssyncset.done $0x0  }
0x1c: {  	[sflag:s11] =	ssyncadd.s32 $0xFFFFFF38  }
0x1d: {  	[spmem:s2] =	stream.indirect.scatter.add.f32 [tilespmem:s12], [sflag:$0x1], $0x80, s3, s13, $0xb8;
	[tilespmem:$0x1A500] =	vst v63  }
0x1e: {  	_ =	swait.ge [sflag:s11], $0x6400  }
0x1f: {  	s16 =	simm.s32 $0x32;
	s15 =	simm.s32 $0x19;
	[sflag:s11] =	ssyncset.done $0x0  }
.LBB2_2:
0x20: {  	s17 =	sadd.s32 s15, s9  }
0x21: {  	[sflag:s11] =	ssyncadd.s32 $0xFFFF9C00;
	s15 =	smov.u32 s16;
	s18 =	sadd.s32 $0x19, s16  }
0x22: {  	[tilespmem:s3], [sflag:$0x1] =	stream.linear.gather [hbm4b:s17+s3], $0xC8, $0x38;
	[tilespmem:$0x1A500] =	vst v63  }
0x23: {  	p0 =	sne.s32 s16, $0x258;
	_ =	swait.ge [sflag:s11], $0xC8  }
.Ltmp0:
0x24: {  	[sflag:s11] =	ssyncset.done $0x0;
	(pc) =	sbr.rel @p0 .LBB2_2-.Ltmp0, $4  }
0x25: {  	[sflag:s11] =	ssyncadd.s32 $0xFFFFFF38  }
0x26: {  	[spmem:s2] =	stream.indirect.scatter.add.f32 [tilespmem:s12], [sflag:$0x1], $0x80, s3, s13, $0xb8;
	[tilespmem:$0x1A500] =	vst v63  }
0x27: {  	_ =	swait.ge [sflag:s11], $0x6400  }
0x28: {  	s16 =	smov.u32 s18;
	[sflag:s11] =	ssyncset.done $0x0  }
0x29: {  	s15 =	sadd.s32 s15, s9;
	[sflag:s11] =	ssyncadd.s32 $0xFFFF9C00  }
0x2a: {  	[tilespmem:s3], [sflag:$0x1] =	stream.linear.gather [hbm4b:s15+s3], $0xC8, $0x38;
	[tilespmem:$0x1A500] =	vst v63  }
0x2b: {  	_ =	swait.ge [sflag:s11], $0xC8  }
0x2c: {  	[sflag:s11] =	ssyncset.done $0x0  }
0x2d: {  	[sflag:s11] =	ssyncadd.s32 $0xFFFFFF38  }
0x2e: {  	[spmem:s2] =	stream.indirect.scatter.add.f32 [tilespmem:s12], [sflag:$0x1], $0x80, s3, s13, $0xb8;
	[tilespmem:$0x1A500] =	vst v63  }
0x2f: {  	_ =	swait.ge [sflag:s11], $0x6400  }
0x30: {  	s14 =	sadd.s32 $0x1, s14;
	[sflag:s11] =	ssyncset.done $0x0  }
0x31: {  	p0 =	sne.s32 s14, s8;
	[sflag:s11] =	ssyncadd.s32 $0xFFFF9C00  }
.Ltmp1:
0x32: {  	[bflag:$0x0] =	sbarrier.arrive $0xFFFF;
	(pc) =	sbr.rel @p0 .LBB2_1-.Ltmp1, $4  }
0x33: {  	[hbm:s7], [sflag:s6] =	dma.local [spmem:s10], $0x2800  }
0x34: {  	_ =	swait.ge [sflag:s11], $0x2800  }
0x35: {  	[sflag:s11] =	ssyncset.done $0x0  }
0x36: {  	[sflag:s11] =	ssyncadd.s32 $0xFFFFD800  }
0x37: {  	_ =	sfence.sel $0x180000  }
0x38: {  	[bflag:$0x0] =	sbarrier.arrive $0xFFFF  }
0x39: {  	p0 =	sne.s32 s0, $0x0;
	_ =	strace $0x90000047  }
0x3a: {  	s0 =	sadd.s32 @!p0 $0x100000, s1;
	[bflag:$0x2] =	sbarrier.arrive $0xFFFF  }
0x3b: {  	[sflag:s0] =	ssyncadd.tile.s32 @!p0 $0x1;
	_ =	shalt  }
.Lfunc_end2:
_tile_overlayer_lowered:
.L_overlay_start_2:
0x3c: {  	(tag) =	ssettag $0x2  }
0x3d: {  	s0 =	rddreg [dreg:$0x0];
	s2 =	stileid.u32  }
0x3e: {  	s1 =	rddreg [dreg:$0x1];
	p0 =	sne.s32 s2, $0x0  }
0x3f: {  	s3 =	rddreg [dreg:$0x2];
	[bflag:$0x3] =	sbarrier.arrive $0xFFFF;
	s2 =	simm.s32 @!p0 $0x1C01  }
0x40: {  	[timem:s3], [sflag:s2] =	dma.local @!p0 [hbm:s0], s1  }
0x41: {  	s0 =	simm.s32 @!p0 $0x1  }
0x42: {  	_ =	swait.ge @!p0 [sflag:s0], s1  }
0x43: {  	s1 =	ssub.s32 @!p0 $0x0, s1;
	[sflag:s0] =	ssyncset.done @!p0 $0x0  }
0x44: {  	[sflag:s0] =	ssyncadd.s32 @!p0 s1  }
0x45: {  	[bflag:$0x3] =	sbarrier.arrive $0xFFFF  }
0x46: {  	_ =	shalt  }

</sc_bundles>
